<compile_context>
chip_gen: v7x
topology: tpu7x:2x2x1
jax: 0.10.2.dev20260603
libtpu: 0.0.44.dev20260713+nightly
codegen_flags: <defaults>
</compile_context>

<pallas_src>
import jax
import jax.numpy as jnp
from jax.experimental import pallas as pl
from jax.experimental.pallas import tpu as pltpu
from jax.experimental.pallas import tpu_sc as plsc

K = 8192
D = 256
NPAIR = 16384
SHIFT = 10.0
SCALE2 = 14.426950408889634

BN = 1024
BI = 2048
BJ = 2048
BP = 4096
WG = 128


def _lse_body(cb_ref, a_ref, cbn_ref, cbs_ref, accc_ref, rows_ref):
    @pl.when(pl.program_id(0) == 0)
    def _():
        for r in range(K // BN):
            x = cb_ref[pl.ds(r * BN, BN), :]
            ss = jnp.sum(x * x, axis=1, keepdims=True)
            inv = 1.0 / jnp.maximum(jnp.sqrt(ss), 1e-8)
            y = x * inv
            cbn_ref[pl.ds(r * BN, BN), :] = y.astype(jnp.bfloat16)
            cbs_ref[pl.ds(r * BN, BN), :] = (y * SCALE2).astype(jnp.bfloat16)
        accc_ref[...] = jnp.zeros((1, K), jnp.float32)

    i = pl.program_id(0)
    xi = cbs_ref[pl.ds(i * BI, BI), :]
    rows_ref[...] = jnp.zeros((BI, 1), jnp.float32)

    for j in range(K // BJ):
        @pl.when(j >= i)
        def _(j=j):
            cbj = cbn_ref[pl.ds(j * BJ, BJ), :]
            s2 = jax.lax.dot_general(xi, cbj, (((1,), (1,)), ((), ())),
                                     preferred_element_type=jnp.float32)
            e = jnp.exp2(s2 - SCALE2)
            rows_ref[...] += jnp.sum(e, axis=1, keepdims=True)

            @pl.when(j > i)
            def _():
                accc_ref[:, pl.ds(j * BJ, BJ)] += jnp.sum(
                    e, axis=0, keepdims=True)

    tot = rows_ref[...] + jnp.transpose(accc_ref[:, pl.ds(i * BI, BI)])
    a = SHIFT + jnp.log(tot)
    a_ref[...] = jnp.broadcast_to(a, (BI, 128))


def _lse(codebook):
    return pl.pallas_call(
        _lse_body,
        grid=(K // BI,),
        in_specs=[pl.BlockSpec((K, D), lambda i: (0, 0))],
        out_specs=pl.BlockSpec((BI, 128), lambda i: (i, 0)),
        out_shape=jax.ShapeDtypeStruct((K, 128), jnp.float32),
        scratch_shapes=[pltpu.VMEM((K, D), jnp.bfloat16),
                        pltpu.VMEM((K, D), jnp.bfloat16),
                        pltpu.VMEM((1, K), jnp.float32),
                        pltpu.VMEM((BI, 1), jnp.float32)],
    )(codebook)


def _pair_body(gi_ref, gj_ref, ai_ref, ii_ref, jj_ref, o_ref):
    gi = gi_ref[...]
    gj = gj_ref[...]
    dot = jnp.sum(gi * gj, axis=1, keepdims=True)
    ni = jnp.maximum(jnp.sqrt(jnp.sum(gi * gi, axis=1, keepdims=True)), 1e-8)
    nj = jnp.maximum(jnp.sqrt(jnp.sum(gj * gj, axis=1, keepdims=True)), 1e-8)
    s = dot / (ni * nj)
    x = ai_ref[:, 0:1] - s
    sp = jnp.maximum(x, 0.0) + jnp.log(1.0 + jnp.exp(-jnp.abs(x)))
    loss = jnp.where(ii_ref[...] != jj_ref[...], sp, 0.0)
    part = jnp.sum(loss) / NPAIR

    @pl.when(pl.program_id(0) == 0)
    def _():
        o_ref[0, 0] = 0.0

    o_ref[0, 0] += part


def _pair_loss(gi, gj, ai, ii2, jj2):
    return pl.pallas_call(
        _pair_body,
        grid=(NPAIR // BP,),
        in_specs=[pl.BlockSpec((BP, D), lambda i: (i, 0)),
                  pl.BlockSpec((BP, D), lambda i: (i, 0)),
                  pl.BlockSpec((BP, 128), lambda i: (i, 0)),
                  pl.BlockSpec((BP, 1), lambda i: (i, 0)),
                  pl.BlockSpec((BP, 1), lambda i: (i, 0))],
        out_specs=pl.BlockSpec(memory_space=pltpu.SMEM),
        out_shape=jax.ShapeDtypeStruct((1, 1), jnp.float32),
    )(gi, gj, ai, ii2, jj2)


def _sc_gather(data, idx, wg=WG):
    vdim = data.shape[1]
    mesh = plsc.VectorSubcoreMesh(core_axis_name="core",
                                  subcore_axis_name="subcore")

    @pl.kernel(out_type=jax.ShapeDtypeStruct((NPAIR, vdim), data.dtype),
               mesh=mesh)
    def k(d_hbm, i_hbm, o_hbm):
        def body(i_vmem, o_vmem):
            pltpu.sync_copy(d_hbm.at[i_vmem.at[0]], o_vmem)

        pltpu.emit_pipeline(
            body,
            grid=(NPAIR // wg,),
            in_specs=[pl.BlockSpec((1, wg), lambda i: (0, i))],
            out_specs=[pl.BlockSpec((wg, vdim), lambda i: (i, 0))],
            core_axis_name=("core", "subcore"),
            dimension_semantics=(pltpu.PARALLEL,),
        )(i_hbm, o_hbm)

    return k(data, idx)


def kernel(codebook, indices_pair_list):
    ii = indices_pair_list[:, 0].reshape(1, NPAIR)
    jj = indices_pair_list[:, 1].reshape(1, NPAIR)
    gi = _sc_gather(codebook, ii)
    gj = _sc_gather(codebook, jj)
    a = _lse(codebook)
    ai = _sc_gather(a, ii, wg=256)
    ii2 = indices_pair_list[:, 0:1]
    jj2 = indices_pair_list[:, 1:2]
    out = _pair_loss(gi, gj, ai, ii2, jj2)
    return out[0, 0]

# --- scband reference (transcript-rebuilt; emitter-appended) ---
"""Pipeline reference for scband-info-nceloss-71571335021067 (READ-ONLY COPY).

The authoritative reference and input builder live on the scoring server;
editing this copy changes nothing except your own understanding.
"""

import jax, jax.numpy as jnp
import numpy as np

K, D, TEMP = 8192, 256, 0.1
N_PAIRS = 16384

def setup_inputs(seed: int = 0) -> dict:
    key = jax.random.key(seed)
    k1, k2 = jax.random.split(key)
    codebook = jax.random.normal(k1, (K, D), dtype=jnp.float32)
    indices_pair_list = jax.random.randint(k2, (N_PAIRS, 2), 0, K, dtype=jnp.int32)
    return {"codebook": codebook, "indices_pair_list": indices_pair_list}

def _loss_matrix(codebook):
    # cosine similarity matrix (F.cosine_similarity with eps=1e-8 clamp on norms)
    norms = jnp.maximum(jnp.linalg.norm(codebook, axis=-1, keepdims=True), 1e-8)
    cbn = codebook / norms
    S = cbn @ cbn.T  # [K, K]
    # precompute_InfoNCEloss_pair: logits = [pos_sim, S[i,:]/T], label 0
    # CE(logits, 0) = logsumexp(logits) - pos_sim
    A = jax.scipy.special.logsumexp(S / TEMP, axis=-1)  # [K]
    lm = jnp.logaddexp(S, A[:, None]) - S  # [K, K]
    # diagonal entries are left as 0 in the torch precompute loop (i != j only)
    lm = lm * (1.0 - jnp.eye(K, dtype=lm.dtype))
    return lm

def reference(codebook, indices_pair_list):
    lm = _loss_matrix(codebook)
    i = indices_pair_list[:, 0]
    j = indices_pair_list[:, 1]
    losses = lm[i, j]
    return losses.mean()

if __name__ == "__main__":
    import jax
    _d = setup_inputs()
    print(jax.jit(kernel)(*tuple(_d.values())))

</pallas_src>

<mosaic_0001>
#map = affine_map<(d0, d1) -> (0, 0)>
module attributes {stable_mosaic.version = 14 : i64} {
  func.func @k(%arg0: i32, %arg1: i32, %arg2: memref<8192x256xf32, #tpu.memory_space<hbm>>, %arg3: memref<1x16384xi32, #tpu.memory_space<hbm>>, %arg4: memref<16384x256xf32, #tpu.memory_space<hbm>>) attributes {dimension_semantics = [#tpu.dimension_semantics<core_parallel>, #tpu.dimension_semantics<subcore_parallel>], iteration_bounds = array<i64: 2, 16>, scalar_prefetch = 0 : i64, scratch_operands = 0 : i64, tpu.core_type = #tpu.core_type<sc_vector_subcore>, window_params = [{transform_indices = #map}, {transform_indices = #map}, {transform_indices = #map}]} {
    %mul3A = arith.constant 1 : i32
    %mul3A_0 = arith.muli %arg1, %mul3A : i32
    %add3A = arith.constant 0 : i32
    %add3A_1 = arith.addi %add3A, %mul3A_0 : i32
    %mul3A_2 = arith.constant 16 : i32
    %mul3A_3 = arith.muli %arg0, %mul3A_2 : i32
    %add3A_4 = arith.addi %add3A_1, %mul3A_3 : i32
    %mul3A_5 = arith.constant 4 : i32
    %mul3A_6 = arith.muli %add3A_4, %mul3A_5 : i32
    "tpu.region"() ({
      %run_scoped3A = memref.alloca() : memref<2x1x128xi32, #tpu.memory_space<vmem>>
      %run_scoped3A_7 = tpu.sem_alloc : memref<2x!tpu.dma_semaphore, #tpu.memory_space<semaphore_mem>>
      %run_scoped3A_8 = memref.alloca() : memref<2x128x256xf32, #tpu.memory_space<vmem>>
      %run_scoped3A_9 = tpu.sem_alloc : memref<2x!tpu.dma_semaphore, #tpu.memory_space<semaphore_mem>>
      %add3A_10 = arith.constant 0 : i32
      %add3A_11 = arith.addi %add3A_10, %mul3A_6 : i32
      %select_n3A = arith.constant true
      %select_n3A_12 = arith.constant 0 : i32
      %select_n3A_13 = arith.constant -1 : i32
      %select_n3A_14 = arith.select %select_n3A, %select_n3A_13, %select_n3A_12 : i32
      %eq3A = arith.constant -1 : i32
      %eq3A_15 = arith.cmpi eq, %select_n3A_14, %eq3A : i32
      %select_n3A_16 = arith.constant 3 : i32
      %select_n3A_17 = arith.select %eq3A_15, %select_n3A_16, %select_n3A_14 : i32
      %add3A_18 = arith.addi %select_n3A_17, %mul3A_6 : i32
      %select_n3A_19 = arith.constant true
      %select_n3A_20 = arith.constant 0 : i32
      %select_n3A_21 = arith.constant 1 : i32
      %select_n3A_22 = arith.select %select_n3A_19, %select_n3A_21, %select_n3A_20 : i32
      %eq3A_23 = arith.constant 4 : i32
      %eq3A_24 = arith.cmpi eq, %select_n3A_22, %eq3A_23 : i32
      %select_n3A_25 = arith.constant 0 : i32
      %select_n3A_26 = arith.select %eq3A_24, %select_n3A_25, %select_n3A_22 : i32
      %add3A_27 = arith.addi %select_n3A_26, %mul3A_6 : i32
      %add3A_28 = arith.constant 1 : i32
      %add3A_29 = arith.addi %select_n3A_26, %add3A_28 : i32
      %select_n3A_30 = arith.constant true
      %select_n3A_31 = arith.select %select_n3A_30, %add3A_29, %select_n3A_26 : i32
      %eq3A_32 = arith.constant 4 : i32
      %eq3A_33 = arith.cmpi eq, %select_n3A_31, %eq3A_32 : i32
      %select_n3A_34 = arith.constant 0 : i32
      %select_n3A_35 = arith.select %eq3A_33, %select_n3A_34, %select_n3A_31 : i32
      %add3A_36 = arith.addi %select_n3A_35, %mul3A_6 : i32
      "tpu.trace_start"() <{level = 10 : i32, message = "ep_initialize_0"}> : () -> ()
      %rem3A = arith.constant 0 : i32
      %rem3A_37 = arith.constant 2 : i32
      %rem3A_38 = arith.remui %rem3A, %rem3A_37 : i32
      %mul3A_39 = arith.constant 128 : i32
      %mul3A_40 = arith.muli %mul3A_39, %add3A_11 : i32
      %dma_start3A = arith.constant 0 : i32
      %dma_start3A_41 = arith.constant 0 : i32
      %dma_start3A_42 = tpu.memref_slice %run_scoped3A[%rem3A_38, %dma_start3A, %dma_start3A_41] : memref<2x1x128xi32, #tpu.memory_space<vmem>> -> memref<1x1x128xi32, #tpu.memory_space<vmem>>
      %dma_start3A_43 = tpu.memref_squeeze %dma_start3A_42 : memref<1x1x128xi32, #tpu.memory_space<vmem>> -> memref<1x128xi32, #tpu.memory_space<vmem>>
      %dma_start3A_44 = arith.constant 0 : i32
      %dma_start3A_45 = tpu.memref_slice %arg3[%dma_start3A_44, %mul3A_40] : memref<1x16384xi32, #tpu.memory_space<hbm>> -> memref<1x128xi32, #tpu.memory_space<hbm>>
      %dma_start3A_46 = tpu.memref_slice %run_scoped3A_7[%rem3A_38] : memref<2x!tpu.dma_semaphore, #tpu.memory_space<semaphore_mem>> -> memref<1x!tpu.dma_semaphore, #tpu.memory_space<semaphore_mem>>
      %dma_start3A_47 = tpu.memref_squeeze %dma_start3A_46 : memref<1x!tpu.dma_semaphore, #tpu.memory_space<semaphore_mem>> -> memref<!tpu.dma_semaphore, #tpu.memory_space<semaphore_mem>>
      %dma_start3A_48 = arith.constant 0 : i32
      %dma_start3A_49 = arith.constant 0 : i32
      %dma_start3A_50 = tpu.memref_slice %run_scoped3A[%rem3A_38, %dma_start3A_48, %dma_start3A_49] : memref<2x1x128xi32, #tpu.memory_space<vmem>> -> memref<1x1x128xi32, #tpu.memory_space<vmem>>
      %dma_start3A_51 = tpu.memref_squeeze %dma_start3A_50 : memref<1x1x128xi32, #tpu.memory_space<vmem>> -> memref<1x128xi32, #tpu.memory_space<vmem>>
      %dma_start3A_52 = arith.constant 0 : i32
      %dma_start3A_53 = tpu.memref_slice %arg3[%dma_start3A_52, %mul3A_40] : memref<1x16384xi32, #tpu.memory_space<hbm>> -> memref<1x128xi32, #tpu.memory_space<hbm>>
      tpu.enqueue_dma source(%dma_start3A_53 : memref<1x128xi32, #tpu.memory_space<hbm>>) target(%dma_start3A_51 : memref<1x128xi32, #tpu.memory_space<vmem>>) target_semaphore(%dma_start3A_47 : memref<!tpu.dma_semaphore, #tpu.memory_space<semaphore_mem>>)
      %add3A_54 = arith.constant 0 : i32
      %add3A_55 = arith.constant 1 : i32
      %add3A_56 = arith.addi %add3A_54, %add3A_55 : i32
      %select_n3A_57 = arith.constant true
      %select_n3A_58 = arith.constant 0 : i32
      %select_n3A_59 = arith.select %select_n3A_57, %add3A_56, %select_n3A_58 : i32
      "tpu.trace_stop"() : () -> ()
      %scan3A = arith.constant 0 : i32
      %scan3A_60 = arith.constant 0 : i32
      %scan3A_61 = arith.constant 0 : i32
      %scan3A_62 = arith.constant 0 : i32
      %scan3A_63 = arith.constant 0 : i32
      %scan3A_64 = arith.constant 4 : i32
      %scan3A_65 = arith.addi %scan3A_63, %scan3A_64 : i32
      %scan3A_66 = arith.constant 1 : i32
      %scan3A_67:5 = scf.for %scan3A_121 = %scan3A_63 to %scan3A_65 step %scan3A_66 iter_args(%scan3A_122 = %select_n3A_59, %scan3A_123 = %scan3A, %scan3A_124 = %scan3A_60, %scan3A_125 = %scan3A_61, %scan3A_126 = %scan3A_62) -> (i32, i32, i32, i32, i32)  : i32 {
        %eq3A_127 = arith.constant 0 : i32
        %eq3A_128 = arith.cmpi eq, %scan3A_121, %eq3A_127 : i32
        %eq3A_129 = arith.constant 3 : i32
        %eq3A_130 = arith.cmpi eq, %scan3A_121, %eq3A_129 : i32
        %add3A_131 = arith.addi %scan3A_126, %mul3A_6 : i32
        %sub3A_132 = arith.constant 1 : i32
        %sub3A_133 = arith.subi %scan3A_126, %sub3A_132 : i32
        %select_n3A_134 = arith.constant true
        %select_n3A_135 = arith.select %select_n3A_134, %sub3A_133, %scan3A_126 : i32
        %eq3A_136 = arith.constant -1 : i32
        %eq3A_137 = arith.cmpi eq, %select_n3A_135, %eq3A_136 : i32
        %select_n3A_138 = arith.constant 3 : i32
        %select_n3A_139 = arith.select %eq3A_137, %select_n3A_138, %select_n3A_135 : i32
        %add3A_140 = arith.addi %select_n3A_139, %mul3A_6 : i32
        %add3A_141 = arith.constant 1 : i32
        %add3A_142 = arith.addi %scan3A_126, %add3A_141 : i32
        %select_n3A_143 = arith.constant true
        %select_n3A_144 = arith.select %select_n3A_143, %add3A_142, %scan3A_126 : i32
        %eq3A_145 = arith.constant 4 : i32
        %eq3A_146 = arith.cmpi eq, %select_n3A_144, %eq3A_145 : i32
        %select_n3A_147 = arith.constant 0 : i32
        %select_n3A_148 = arith.select %eq3A_146, %select_n3A_147, %select_n3A_144 : i32
        %add3A_149 = arith.addi %select_n3A_148, %mul3A_6 : i32
        %add3A_150 = arith.constant 1 : i32
        %add3A_151 = arith.addi %select_n3A_148, %add3A_150 : i32
        %select_n3A_152 = arith.constant true
        %select_n3A_153 = arith.select %select_n3A_152, %add3A_151, %select_n3A_148 : i32
        %eq3A_154 = arith.constant 4 : i32
        %eq3A_155 = arith.cmpi eq, %select_n3A_153, %eq3A_154 : i32
        %select_n3A_156 = arith.constant 0 : i32
        %select_n3A_157 = arith.select %eq3A_155, %select_n3A_156, %select_n3A_153 : i32
        %add3A_158 = arith.addi %select_n3A_157, %mul3A_6 : i32
        %ne3A = arith.cmpi ne, %add3A_131, %add3A_149 : i32
        %or3A = arith.constant false
        %or3A_159 = arith.ori %or3A, %ne3A : i1
        %ge3A = arith.constant 3 : i32
        %ge3A_160 = arith.cmpi sge, %scan3A_121, %ge3A : i32
        %not3A = arith.constant true
        %not3A_161 = arith.xori %ge3A_160, %not3A : i1
        %and3A = arith.andi %or3A_159, %not3A_161 : i1
        %convert_element_type3A = arith.extui %and3A : i1 to i32
        %cond3A = arith.constant 0 : i32
        %cond3A_162 = arith.cmpi ne, %convert_element_type3A, %cond3A : i32
        scf.if %cond3A_162 {
          "tpu.trace_start"() <{level = 10 : i32, message = "ep_copy_in"}> : () -> ()
          %rem3A_264 = arith.constant 2 : i32
          %rem3A_265 = arith.remui %scan3A_122, %rem3A_264 : i32
          %mul3A_266 = arith.constant 128 : i32
          %mul3A_267 = arith.muli %mul3A_266, %add3A_149 : i32
          %dma_start3A_268 = arith.constant 0 : i32
          %dma_start3A_269 = arith.constant 0 : i32
          %dma_start3A_270 = tpu.memref_slice %run_scoped3A[%rem3A_265, %dma_start3A_268, %dma_start3A_269] : memref<2x1x128xi32, #tpu.memory_space<vmem>> -> memref<1x1x128xi32, #tpu.memory_space<vmem>>
          %dma_start3A_271 = tpu.memref_squeeze %dma_start3A_270 : memref<1x1x128xi32, #tpu.memory_space<vmem>> -> memref<1x128xi32, #tpu.memory_space<vmem>>
          %dma_start3A_272 = arith.constant 0 : i32
          %dma_start3A_273 = tpu.memref_slice %arg3[%dma_start3A_272, %mul3A_267] : memref<1x16384xi32, #tpu.memory_space<hbm>> -> memref<1x128xi32, #tpu.memory_space<hbm>>
          %dma_start3A_274 = tpu.memref_slice %run_scoped3A_7[%rem3A_265] : memref<2x!tpu.dma_semaphore, #tpu.memory_space<semaphore_mem>> -> memref<1x!tpu.dma_semaphore, #tpu.memory_space<semaphore_mem>>
          %dma_start3A_275 = tpu.memref_squeeze %dma_start3A_274 : memref<1x!tpu.dma_semaphore, #tpu.memory_space<semaphore_mem>> -> memref<!tpu.dma_semaphore, #tpu.memory_space<semaphore_mem>>
          %dma_start3A_276 = arith.constant 0 : i32
          %dma_start3A_277 = arith.constant 0 : i32
          %dma_start3A_278 = tpu.memref_slice %run_scoped3A[%rem3A_265, %dma_start3A_276, %dma_start3A_277] : memref<2x1x128xi32, #tpu.memory_space<vmem>> -> memref<1x1x128xi32, #tpu.memory_space<vmem>>
          %dma_start3A_279 = tpu.memref_squeeze %dma_start3A_278 : memref<1x1x128xi32, #tpu.memory_space<vmem>> -> memref<1x128xi32, #tpu.memory_space<vmem>>
          %dma_start3A_280 = arith.constant 0 : i32
          %dma_start3A_281 = tpu.memref_slice %arg3[%dma_start3A_280, %mul3A_267] : memref<1x16384xi32, #tpu.memory_space<hbm>> -> memref<1x128xi32, #tpu.memory_space<hbm>>
          tpu.enqueue_dma source(%dma_start3A_281 : memref<1x128xi32, #tpu.memory_space<hbm>>) target(%dma_start3A_279 : memref<1x128xi32, #tpu.memory_space<vmem>>) target_semaphore(%dma_start3A_275 : memref<!tpu.dma_semaphore, #tpu.memory_space<semaphore_mem>>)
          "tpu.trace_stop"() : () -> ()
        } else {
        }
        %and3A_163 = arith.constant true
        %and3A_164 = arith.andi %and3A, %and3A_163 : i1
        %add3A_165 = arith.constant 1 : i32
        %add3A_166 = arith.addi %scan3A_122, %add3A_165 : i32
        %select_n3A_167 = arith.select %and3A_164, %add3A_166, %scan3A_122 : i32
        %ne3A_168 = arith.cmpi ne, %add3A_131, %add3A_149 : i32
        %or3A_169 = arith.constant false
        %or3A_170 = arith.ori %or3A_169, %ne3A_168 : i1
        %or3A_171 = arith.constant false
        %or3A_172 = arith.ori %or3A_170, %or3A_171 : i1
        %ge3A_173 = arith.constant 3 : i32
        %ge3A_174 = arith.cmpi sge, %scan3A_121, %ge3A_173 : i32
        %not3A_175 = arith.constant true
        %not3A_176 = arith.xori %ge3A_174, %not3A_175 : i1
        %and3A_177 = arith.andi %or3A_172, %not3A_176 : i1
        %ne3A_178 = arith.cmpi ne, %add3A_131, %add3A_140 : i32
        %or3A_179 = arith.constant false
        %or3A_180 = arith.ori %or3A_179, %ne3A_178 : i1
        %or3A_181 = arith.ori %or3A_180, %eq3A_128 : i1
        %convert_element_type3A_182 = arith.extui %or3A_181 : i1 to i32
        %cond3A_183 = arith.constant 0 : i32
        %cond3A_184 = arith.cmpi ne, %convert_element_type3A_182, %cond3A_183 : i32
        scf.if %cond3A_184 {
          "tpu.trace_start"() <{level = 10 : i32, message = "ep_wait_in"}> : () -> ()
          %mul3A_264 = arith.constant 128 : i32
          %mul3A_265 = arith.muli %mul3A_264, %add3A_131 : i32
          %rem3A_266 = arith.constant 2 : i32
          %rem3A_267 = arith.remui %scan3A_123, %rem3A_266 : i32
          %dma_wait3A_268 = arith.constant 0 : i32
          %dma_wait3A_269 = arith.constant 0 : i32
          %dma_wait3A_270 = tpu.memref_slice %run_scoped3A[%rem3A_267, %dma_wait3A_268, %dma_wait3A_269] : memref<2x1x128xi32, #tpu.memory_space<vmem>> -> memref<1x1x128xi32, #tpu.memory_space<vmem>>
          %dma_wait3A_271 = tpu.memref_squeeze %dma_wait3A_270 : memref<1x1x128xi32, #tpu.memory_space<vmem>> -> memref<1x128xi32, #tpu.memory_space<vmem>>
          %dma_wait3A_272 = arith.constant 0 : i32
          %dma_wait3A_273 = tpu.memref_slice %arg3[%dma_wait3A_272, %mul3A_265] : memref<1x16384xi32, #tpu.memory_space<hbm>> -> memref<1x128xi32, #tpu.memory_space<hbm>>
          %dma_wait3A_274 = tpu.memref_slice %run_scoped3A_7[%rem3A_267] : memref<2x!tpu.dma_semaphore, #tpu.memory_space<semaphore_mem>> -> memref<1x!tpu.dma_semaphore, #tpu.memory_space<semaphore_mem>>
          %dma_wait3A_275 = tpu.memref_squeeze %dma_wait3A_274 : memref<1x!tpu.dma_semaphore, #tpu.memory_space<semaphore_mem>> -> memref<!tpu.dma_semaphore, #tpu.memory_space<semaphore_mem>>
          %dma_wait3A_276 = arith.constant 0 : i32
          %dma_wait3A_277 = arith.constant 0 : i32
          %dma_wait3A_278 = tpu.memref_slice %run_scoped3A[%rem3A_267, %dma_wait3A_276, %dma_wait3A_277] : memref<2x1x128xi32, #tpu.memory_space<vmem>> -> memref<1x1x128xi32, #tpu.memory_space<vmem>>
          %dma_wait3A_279 = tpu.memref_squeeze %dma_wait3A_278 : memref<1x1x128xi32, #tpu.memory_space<vmem>> -> memref<1x128xi32, #tpu.memory_space<vmem>>
          %dma_wait3A_280 = arith.constant 0 : i32
          %dma_wait3A_281 = tpu.memref_slice %arg3[%dma_wait3A_280, %mul3A_265] : memref<1x16384xi32, #tpu.memory_space<hbm>> -> memref<1x128xi32, #tpu.memory_space<hbm>>
          tpu.wait_dma2 semaphore(%dma_wait3A_275 : memref<!tpu.dma_semaphore, #tpu.memory_space<semaphore_mem>>) src(%dma_wait3A_281 : memref<1x128xi32, #tpu.memory_space<hbm>>) dst(%dma_wait3A_279 : memref<1x128xi32, #tpu.memory_space<vmem>>)
          "tpu.trace_stop"() : () -> ()
        } else {
        }
        %ne3A_185 = arith.cmpi ne, %add3A_131, %add3A_140 : i32
        %or3A_186 = arith.constant false
        %or3A_187 = arith.ori %or3A_186, %ne3A_185 : i1
        %or3A_188 = arith.constant false
        %or3A_189 = arith.ori %or3A_187, %or3A_188 : i1
        %or3A_190 = arith.ori %or3A_189, %eq3A_128 : i1
        %convert_element_type3A_191 = arith.extui %or3A_190 : i1 to i32
        %cond3A_192 = arith.constant 0 : i32
        %cond3A_193 = arith.cmpi ne, %convert_element_type3A_191, %cond3A_192 : i32
        scf.if %cond3A_193 {
        } else {
        }
        %rem3A_194 = arith.constant 2 : i32
        %rem3A_195 = arith.remui %scan3A_123, %rem3A_194 : i32
        %rem3A_196 = arith.constant 2 : i32
        %rem3A_197 = arith.remui %scan3A_124, %rem3A_196 : i32
        %run_scoped3A_198 = arith.constant 0 : i32
        "tpu.trace_start"() <{level = 10 : i32, message = "ep_run_kernel"}> : () -> ()
        "tpu.region"() ({
          %run_scoped3A_264 = tpu.sem_alloc : memref<!tpu.dma_semaphore, #tpu.memory_space<semaphore_mem>>
          %dma_start3A_265 = arith.constant 0 : i32
          %dma_start3A_266 = arith.constant 0 : i32
          %dma_start3A_267 = tpu.memref_slice %run_scoped3A_8[%rem3A_197, %dma_start3A_265, %dma_start3A_266] : memref<2x128x256xf32, #tpu.memory_space<vmem>> -> memref<1x128x256xf32, #tpu.memory_space<vmem>>
          %dma_start3A_268 = tpu.memref_squeeze %dma_start3A_267 : memref<1x128x256xf32, #tpu.memory_space<vmem>> -> memref<128x256xf32, #tpu.memory_space<vmem>>
          %dma_start3A_269 = arith.constant 0 : i32
          %dma_start3A_270 = arith.constant 0 : i32
          %dma_start3A_271 = tpu.memref_slice %run_scoped3A[%rem3A_195, %dma_start3A_269, %dma_start3A_270] : memref<2x1x128xi32, #tpu.memory_space<vmem>> -> memref<1x1x128xi32, #tpu.memory_space<vmem>>
          %dma_start3A_272 = tpu.memref_squeeze %dma_start3A_271 : memref<1x1x128xi32, #tpu.memory_space<vmem>> -> memref<1x128xi32, #tpu.memory_space<vmem>>
          %dma_start3A_273 = arith.constant 0 : i32
          %dma_start3A_274 = tpu.memref_slice %dma_start3A_272[%run_scoped3A_198, %dma_start3A_273] : memref<1x128xi32, #tpu.memory_space<vmem>> -> memref<1x128xi32, #tpu.memory_space<vmem>>
          %dma_start3A_275 = tpu.memref_squeeze %dma_start3A_274 : memref<1x128xi32, #tpu.memory_space<vmem>> -> memref<128xi32, #tpu.memory_space<vmem>>
          %dma_start3A_276 = arith.constant 0 : i32
          %dma_start3A_277 = arith.constant 0 : i32
          %dma_start3A_278 = tpu.memref_slice %arg2[%dma_start3A_276, %dma_start3A_277] : memref<8192x256xf32, #tpu.memory_space<hbm>> -> memref<8192x256xf32, #tpu.memory_space<hbm>>
          tpu.enqueue_indirect_dma source(%dma_start3A_278 : memref<8192x256xf32, #tpu.memory_space<hbm>>) target(%dma_start3A_268 : memref<128x256xf32, #tpu.memory_space<vmem>>) offsets(%dma_start3A_275 : memref<128xi32, #tpu.memory_space<vmem>>) semaphore(%run_scoped3A_264 : memref<!tpu.dma_semaphore, #tpu.memory_space<semaphore_mem>>)
          %dma_wait3A_279 = arith.constant 0 : i32
          %dma_wait3A_280 = arith.constant 0 : i32
          %dma_wait3A_281 = tpu.memref_slice %run_scoped3A_8[%rem3A_197, %dma_wait3A_279, %dma_wait3A_280] : memref<2x128x256xf32, #tpu.memory_space<vmem>> -> memref<1x128x256xf32, #tpu.memory_space<vmem>>
          %dma_wait3A_282 = tpu.memref_squeeze %dma_wait3A_281 : memref<1x128x256xf32, #tpu.memory_space<vmem>> -> memref<128x256xf32, #tpu.memory_space<vmem>>
          %dma_wait3A_283 = arith.constant 0 : i32
          %dma_wait3A_284 = arith.constant 0 : i32
          %dma_wait3A_285 = tpu.memref_slice %run_scoped3A[%rem3A_195, %dma_wait3A_283, %dma_wait3A_284] : memref<2x1x128xi32, #tpu.memory_space<vmem>> -> memref<1x1x128xi32, #tpu.memory_space<vmem>>
          %dma_wait3A_286 = tpu.memref_squeeze %dma_wait3A_285 : memref<1x1x128xi32, #tpu.memory_space<vmem>> -> memref<1x128xi32, #tpu.memory_space<vmem>>
          %dma_wait3A_287 = arith.constant 0 : i32
          %dma_wait3A_288 = tpu.memref_slice %dma_wait3A_286[%run_scoped3A_198, %dma_wait3A_287] : memref<1x128xi32, #tpu.memory_space<vmem>> -> memref<1x128xi32, #tpu.memory_space<vmem>>
          %dma_wait3A_289 = tpu.memref_squeeze %dma_wait3A_288 : memref<1x128xi32, #tpu.memory_space<vmem>> -> memref<128xi32, #tpu.memory_space<vmem>>
          %dma_wait3A_290 = arith.constant 0 : i32
          %dma_wait3A_291 = arith.constant 0 : i32
          %dma_wait3A_292 = tpu.memref_slice %arg2[%dma_wait3A_290, %dma_wait3A_291] : memref<8192x256xf32, #tpu.memory_space<hbm>> -> memref<8192x256xf32, #tpu.memory_space<hbm>>
          tpu.wait_indirect_dma semaphore(%run_scoped3A_264 : memref<!tpu.dma_semaphore, #tpu.memory_space<semaphore_mem>>) src(%dma_wait3A_292 : memref<8192x256xf32, #tpu.memory_space<hbm>>) dst(%dma_wait3A_282 : memref<128x256xf32, #tpu.memory_space<vmem>>)
          tpu.yield
        }) : () -> ()
        "tpu.trace_stop"() : () -> ()
        %ne3A_199 = arith.cmpi ne, %add3A_131, %add3A_149 : i32
        %or3A_200 = arith.constant false
        %or3A_201 = arith.ori %or3A_200, %ne3A_199 : i1
        %or3A_202 = arith.ori %or3A_201, %eq3A_130 : i1
        %convert_element_type3A_203 = arith.extui %or3A_202 : i1 to i32
        %cond3A_204 = arith.constant 0 : i32
        %cond3A_205 = arith.cmpi ne, %convert_element_type3A_203, %cond3A_204 : i32
        scf.if %cond3A_205 {
        } else {
        }
        %and3A_206 = arith.constant false
        %and3A_207 = arith.andi %or3A_202, %and3A_206 : i1
        %ne3A_208 = arith.cmpi ne, %add3A_131, %add3A_149 : i32
        %or3A_209 = arith.constant false
        %or3A_210 = arith.ori %or3A_209, %ne3A_208 : i1
        %or3A_211 = arith.constant false
        %or3A_212 = arith.ori %or3A_210, %or3A_211 : i1
        %or3A_213 = arith.ori %or3A_212, %eq3A_130 : i1
        %convert_element_type3A_214 = arith.extui %or3A_213 : i1 to i32
        %cond3A_215 = arith.constant 0 : i32
        %cond3A_216 = arith.cmpi ne, %convert_element_type3A_214, %cond3A_215 : i32
        scf.if %cond3A_216 {
          "tpu.trace_start"() <{level = 10 : i32, message = "ep_copy_out"}> : () -> ()
          %rem3A_264 = arith.constant 2 : i32
          %rem3A_265 = arith.remui %scan3A_124, %rem3A_264 : i32
          %mul3A_266 = arith.constant 128 : i32
          %mul3A_267 = arith.muli %mul3A_266, %add3A_131 : i32
          %dma_start3A_268 = arith.constant 0 : i32
          %dma_start3A_269 = arith.constant 0 : i32
          %dma_start3A_270 = tpu.memref_slice %run_scoped3A_8[%rem3A_265, %dma_start3A_268, %dma_start3A_269] : memref<2x128x256xf32, #tpu.memory_space<vmem>> -> memref<1x128x256xf32, #tpu.memory_space<vmem>>
          %dma_start3A_271 = tpu.memref_squeeze %dma_start3A_270 : memref<1x128x256xf32, #tpu.memory_space<vmem>> -> memref<128x256xf32, #tpu.memory_space<vmem>>
          %dma_start3A_272 = arith.constant 0 : i32
          %dma_start3A_273 = tpu.memref_slice %arg4[%mul3A_267, %dma_start3A_272] : memref<16384x256xf32, #tpu.memory_space<hbm>> -> memref<128x256xf32, #tpu.memory_space<hbm>>
          %dma_start3A_274 = tpu.memref_slice %run_scoped3A_9[%rem3A_265] : memref<2x!tpu.dma_semaphore, #tpu.memory_space<semaphore_mem>> -> memref<1x!tpu.dma_semaphore, #tpu.memory_space<semaphore_mem>>
          %dma_start3A_275 = tpu.memref_squeeze %dma_start3A_274 : memref<1x!tpu.dma_semaphore, #tpu.memory_space<semaphore_mem>> -> memref<!tpu.dma_semaphore, #tpu.memory_space<semaphore_mem>>
          %dma_start3A_276 = arith.constant 0 : i32
          %dma_start3A_277 = tpu.memref_slice %arg4[%mul3A_267, %dma_start3A_276] : memref<16384x256xf32, #tpu.memory_space<hbm>> -> memref<128x256xf32, #tpu.memory_space<hbm>>
          %dma_start3A_278 = arith.constant 0 : i32
          %dma_start3A_279 = arith.constant 0 : i32
          %dma_start3A_280 = tpu.memref_slice %run_scoped3A_8[%rem3A_265, %dma_start3A_278, %dma_start3A_279] : memref<2x128x256xf32, #tpu.memory_space<vmem>> -> memref<1x128x256xf32, #tpu.memory_space<vmem>>
          %dma_start3A_281 = tpu.memref_squeeze %dma_start3A_280 : memref<1x128x256xf32, #tpu.memory_space<vmem>> -> memref<128x256xf32, #tpu.memory_space<vmem>>
          tpu.enqueue_dma source(%dma_start3A_281 : memref<128x256xf32, #tpu.memory_space<vmem>>) target(%dma_start3A_277 : memref<128x256xf32, #tpu.memory_space<hbm>>) target_semaphore(%dma_start3A_275 : memref<!tpu.dma_semaphore, #tpu.memory_space<semaphore_mem>>)
          "tpu.trace_stop"() : () -> ()
        } else {
        }
        %and3A_217 = arith.constant true
        %and3A_218 = arith.andi %or3A_213, %and3A_217 : i1
        %add3A_219 = arith.constant 1 : i32
        %add3A_220 = arith.addi %scan3A_124, %add3A_219 : i32
        %select_n3A_221 = arith.select %and3A_218, %add3A_220, %scan3A_124 : i32
        %ne3A_222 = arith.cmpi ne, %add3A_131, %add3A_140 : i32
        %or3A_223 = arith.constant false
        %or3A_224 = arith.ori %or3A_223, %ne3A_222 : i1
        %not3A_225 = arith.constant true
        %not3A_226 = arith.xori %eq3A_128, %not3A_225 : i1
        %and3A_227 = arith.andi %or3A_224, %not3A_226 : i1
        %convert_element_type3A_228 = arith.extui %and3A_227 : i1 to i32
        %cond3A_229 = arith.constant 0 : i32
        %cond3A_230 = arith.cmpi ne, %convert_element_type3A_228, %cond3A_229 : i32
        scf.if %cond3A_230 {
        } else {
        }
        %and3A_231 = arith.constant false
        %and3A_232 = arith.andi %and3A_227, %and3A_231 : i1
        %ne3A_233 = arith.cmpi ne, %add3A_131, %add3A_140 : i32
        %or3A_234 = arith.constant false
        %or3A_235 = arith.ori %or3A_234, %ne3A_233 : i1
        %or3A_236 = arith.constant false
        %or3A_237 = arith.ori %or3A_235, %or3A_236 : i1
        %not3A_238 = arith.constant true
        %not3A_239 = arith.xori %eq3A_128, %not3A_238 : i1
        %and3A_240 = arith.andi %or3A_237, %not3A_239 : i1
        %convert_element_type3A_241 = arith.extui %and3A_240 : i1 to i32
        %cond3A_242 = arith.constant 0 : i32
        %cond3A_243 = arith.cmpi ne, %convert_element_type3A_241, %cond3A_242 : i32
        scf.if %cond3A_243 {
          "tpu.trace_start"() <{level = 10 : i32, message = "ep_wait_out"}> : () -> ()
          %rem3A_264 = arith.constant 2 : i32
          %rem3A_265 = arith.remui %scan3A_125, %rem3A_264 : i32
          %mul3A_266 = arith.constant 128 : i32
          %mul3A_267 = arith.muli %mul3A_266, %add3A_140 : i32
          %dma_wait3A_268 = arith.constant 0 : i32
          %dma_wait3A_269 = arith.constant 0 : i32
          %dma_wait3A_270 = tpu.memref_slice %run_scoped3A_8[%rem3A_265, %dma_wait3A_268, %dma_wait3A_269] : memref<2x128x256xf32, #tpu.memory_space<vmem>> -> memref<1x128x256xf32, #tpu.memory_space<vmem>>
          %dma_wait3A_271 = tpu.memref_squeeze %dma_wait3A_270 : memref<1x128x256xf32, #tpu.memory_space<vmem>> -> memref<128x256xf32, #tpu.memory_space<vmem>>
          %dma_wait3A_272 = arith.constant 0 : i32
          %dma_wait3A_273 = tpu.memref_slice %arg4[%mul3A_267, %dma_wait3A_272] : memref<16384x256xf32, #tpu.memory_space<hbm>> -> memref<128x256xf32, #tpu.memory_space<hbm>>
          %dma_wait3A_274 = tpu.memref_slice %run_scoped3A_9[%rem3A_265] : memref<2x!tpu.dma_semaphore, #tpu.memory_space<semaphore_mem>> -> memref<1x!tpu.dma_semaphore, #tpu.memory_space<semaphore_mem>>
          %dma_wait3A_275 = tpu.memref_squeeze %dma_wait3A_274 : memref<1x!tpu.dma_semaphore, #tpu.memory_space<semaphore_mem>> -> memref<!tpu.dma_semaphore, #tpu.memory_space<semaphore_mem>>
          %dma_wait3A_276 = arith.constant 0 : i32
          %dma_wait3A_277 = tpu.memref_slice %arg4[%mul3A_267, %dma_wait3A_276] : memref<16384x256xf32, #tpu.memory_space<hbm>> -> memref<128x256xf32, #tpu.memory_space<hbm>>
          %dma_wait3A_278 = arith.constant 0 : i32
          %dma_wait3A_279 = arith.constant 0 : i32
          %dma_wait3A_280 = tpu.memref_slice %run_scoped3A_8[%rem3A_265, %dma_wait3A_278, %dma_wait3A_279] : memref<2x128x256xf32, #tpu.memory_space<vmem>> -> memref<1x128x256xf32, #tpu.memory_space<vmem>>
          %dma_wait3A_281 = tpu.memref_squeeze %dma_wait3A_280 : memref<1x128x256xf32, #tpu.memory_space<vmem>> -> memref<128x256xf32, #tpu.memory_space<vmem>>
          tpu.wait_dma2 semaphore(%dma_wait3A_275 : memref<!tpu.dma_semaphore, #tpu.memory_space<semaphore_mem>>) src(%dma_wait3A_281 : memref<128x256xf32, #tpu.memory_space<vmem>>) dst(%dma_wait3A_277 : memref<128x256xf32, #tpu.memory_space<hbm>>)
          "tpu.trace_stop"() : () -> ()
        } else {
        }
        %and3A_244 = arith.constant true
        %and3A_245 = arith.andi %and3A_240, %and3A_244 : i1
        %add3A_246 = arith.constant 1 : i32
        %add3A_247 = arith.addi %scan3A_125, %add3A_246 : i32
        %select_n3A_248 = arith.select %and3A_245, %add3A_247, %scan3A_125 : i32
        %ne3A_249 = arith.cmpi ne, %add3A_131, %add3A_149 : i32
        %or3A_250 = arith.constant false
        %or3A_251 = arith.ori %or3A_250, %ne3A_249 : i1
        %or3A_252 = arith.ori %or3A_251, %eq3A_130 : i1
        %add3A_253 = arith.constant 1 : i32
        %add3A_254 = arith.addi %scan3A_123, %add3A_253 : i32
        %select_n3A_255 = arith.select %or3A_252, %add3A_254, %scan3A_123 : i32
        %add3A_256 = arith.constant 1 : i32
        %add3A_257 = arith.addi %scan3A_126, %add3A_256 : i32
        %select_n3A_258 = arith.constant true
        %select_n3A_259 = arith.select %select_n3A_258, %add3A_257, %scan3A_126 : i32
        %eq3A_260 = arith.constant 4 : i32
        %eq3A_261 = arith.cmpi eq, %select_n3A_259, %eq3A_260 : i32
        %select_n3A_262 = arith.constant 0 : i32
        %select_n3A_263 = arith.select %eq3A_261, %select_n3A_262, %select_n3A_259 : i32
        scf.yield %select_n3A_167, %select_n3A_255, %select_n3A_221, %select_n3A_248, %select_n3A_263 : i32, i32, i32, i32, i32
      }
      %scan3A_68 = arith.constant 4 : i32
      %sub3A = arith.constant 1 : i32
      %sub3A_69 = arith.subi %scan3A_67#4, %sub3A : i32
      %select_n3A_70 = arith.constant true
      %select_n3A_71 = arith.select %select_n3A_70, %sub3A_69, %scan3A_67#4 : i32
      %eq3A_72 = arith.constant -1 : i32
      %eq3A_73 = arith.cmpi eq, %select_n3A_71, %eq3A_72 : i32
      %select_n3A_74 = arith.constant 3 : i32
      %select_n3A_75 = arith.select %eq3A_73, %select_n3A_74, %select_n3A_71 : i32
      %add3A_76 = arith.addi %select_n3A_75, %mul3A_6 : i32
      %sub3A_77 = arith.constant 1 : i32
      %sub3A_78 = arith.subi %select_n3A_75, %sub3A_77 : i32
      %select_n3A_79 = arith.constant true
      %select_n3A_80 = arith.select %select_n3A_79, %sub3A_78, %select_n3A_75 : i32
      %eq3A_81 = arith.constant -1 : i32
      %eq3A_82 = arith.cmpi eq, %select_n3A_80, %eq3A_81 : i32
      %select_n3A_83 = arith.constant 3 : i32
      %select_n3A_84 = arith.select %eq3A_82, %select_n3A_83, %select_n3A_80 : i32
      %add3A_85 = arith.addi %select_n3A_84, %mul3A_6 : i32
      %add3A_86 = arith.constant 1 : i32
      %add3A_87 = arith.addi %select_n3A_75, %add3A_86 : i32
      %select_n3A_88 = arith.constant true
      %select_n3A_89 = arith.select %select_n3A_88, %add3A_87, %select_n3A_75 : i32
      %eq3A_90 = arith.constant 4 : i32
      %eq3A_91 = arith.cmpi eq, %select_n3A_89, %eq3A_90 : i32
      %select_n3A_92 = arith.constant 0 : i32
      %select_n3A_93 = arith.select %eq3A_91, %select_n3A_92, %select_n3A_89 : i32
      %add3A_94 = arith.addi %select_n3A_93, %mul3A_6 : i32
      %add3A_95 = arith.constant 1 : i32
      %add3A_96 = arith.addi %select_n3A_93, %add3A_95 : i32
      %select_n3A_97 = arith.constant true
      %select_n3A_98 = arith.select %select_n3A_97, %add3A_96, %select_n3A_93 : i32
      %eq3A_99 = arith.constant 4 : i32
      %eq3A_100 = arith.cmpi eq, %select_n3A_98, %eq3A_99 : i32
      %select_n3A_101 = arith.constant 0 : i32
      %select_n3A_102 = arith.select %eq3A_100, %select_n3A_101, %select_n3A_98 : i32
      %add3A_103 = arith.addi %select_n3A_102, %mul3A_6 : i32
      "tpu.trace_start"() <{level = 10 : i32, message = "ep_finalize"}> : () -> ()
      %rem3A_104 = arith.constant 2 : i32
      %rem3A_105 = arith.remui %scan3A_67#3, %rem3A_104 : i32
      %mul3A_106 = arith.constant 128 : i32
      %mul3A_107 = arith.muli %mul3A_106, %add3A_76 : i32
      %dma_wait3A = arith.constant 0 : i32
      %dma_wait3A_108 = arith.constant 0 : i32
      %dma_wait3A_109 = tpu.memref_slice %run_scoped3A_8[%rem3A_105, %dma_wait3A, %dma_wait3A_108] : memref<2x128x256xf32, #tpu.memory_space<vmem>> -> memref<1x128x256xf32, #tpu.memory_space<vmem>>
      %dma_wait3A_110 = tpu.memref_squeeze %dma_wait3A_109 : memref<1x128x256xf32, #tpu.memory_space<vmem>> -> memref<128x256xf32, #tpu.memory_space<vmem>>
      %dma_wait3A_111 = arith.constant 0 : i32
      %dma_wait3A_112 = tpu.memref_slice %arg4[%mul3A_107, %dma_wait3A_111] : memref<16384x256xf32, #tpu.memory_space<hbm>> -> memref<128x256xf32, #tpu.memory_space<hbm>>
      %dma_wait3A_113 = tpu.memref_slice %run_scoped3A_9[%rem3A_105] : memref<2x!tpu.dma_semaphore, #tpu.memory_space<semaphore_mem>> -> memref<1x!tpu.dma_semaphore, #tpu.memory_space<semaphore_mem>>
      %dma_wait3A_114 = tpu.memref_squeeze %dma_wait3A_113 : memref<1x!tpu.dma_semaphore, #tpu.memory_space<semaphore_mem>> -> memref<!tpu.dma_semaphore, #tpu.memory_space<semaphore_mem>>
      %dma_wait3A_115 = arith.constant 0 : i32
      %dma_wait3A_116 = tpu.memref_slice %arg4[%mul3A_107, %dma_wait3A_115] : memref<16384x256xf32, #tpu.memory_space<hbm>> -> memref<128x256xf32, #tpu.memory_space<hbm>>
      %dma_wait3A_117 = arith.constant 0 : i32
      %dma_wait3A_118 = arith.constant 0 : i32
      %dma_wait3A_119 = tpu.memref_slice %run_scoped3A_8[%rem3A_105, %dma_wait3A_117, %dma_wait3A_118] : memref<2x128x256xf32, #tpu.memory_space<vmem>> -> memref<1x128x256xf32, #tpu.memory_space<vmem>>
      %dma_wait3A_120 = tpu.memref_squeeze %dma_wait3A_119 : memref<1x128x256xf32, #tpu.memory_space<vmem>> -> memref<128x256xf32, #tpu.memory_space<vmem>>
      tpu.wait_dma2 semaphore(%dma_wait3A_114 : memref<!tpu.dma_semaphore, #tpu.memory_space<semaphore_mem>>) src(%dma_wait3A_120 : memref<128x256xf32, #tpu.memory_space<vmem>>) dst(%dma_wait3A_116 : memref<128x256xf32, #tpu.memory_space<hbm>>)
      "tpu.trace_stop"() : () -> ()
      tpu.yield
    }) : () -> ()
    return
  }
}

#map = affine_map<(d0, d1) -> (0, 0)>
module attributes {stable_mosaic.version = 14 : i64} {
  func.func @k(%arg0: i32, %arg1: i32, %arg2: memref<8192x256xf32, #tpu.memory_space<hbm>>, %arg3: memref<1x16384xi32, #tpu.memory_space<hbm>>, %arg4: memref<16384x256xf32, #tpu.memory_space<hbm>>) attributes {dimension_semantics = [#tpu.dimension_semantics<core_parallel>, #tpu.dimension_semantics<subcore_parallel>], iteration_bounds = array<i64: 2, 16>, scalar_prefetch = 0 : i64, scratch_operands = 0 : i64, tpu.core_type = #tpu.core_type<sc_vector_subcore>, window_params = [{transform_indices = #map}, {transform_indices = #map}, {transform_indices = #map}]} {
    %mul3A = arith.constant 1 : i32
    %mul3A_0 = arith.muli %arg1, %mul3A : i32
    %add3A = arith.constant 0 : i32
    %add3A_1 = arith.addi %add3A, %mul3A_0 : i32
    %mul3A_2 = arith.constant 16 : i32
    %mul3A_3 = arith.muli %arg0, %mul3A_2 : i32
    %add3A_4 = arith.addi %add3A_1, %mul3A_3 : i32
    %mul3A_5 = arith.constant 4 : i32
    %mul3A_6 = arith.muli %add3A_4, %mul3A_5 : i32
    "tpu.region"() ({
      %run_scoped3A = memref.alloca() : memref<2x1x128xi32, #tpu.memory_space<vmem>>
      %run_scoped3A_7 = tpu.sem_alloc : memref<2x!tpu.dma_semaphore, #tpu.memory_space<semaphore_mem>>
      %run_scoped3A_8 = memref.alloca() : memref<2x128x256xf32, #tpu.memory_space<vmem>>
      %run_scoped3A_9 = tpu.sem_alloc : memref<2x!tpu.dma_semaphore, #tpu.memory_space<semaphore_mem>>
      %add3A_10 = arith.constant 0 : i32
      %add3A_11 = arith.addi %add3A_10, %mul3A_6 : i32
      %select_n3A = arith.constant true
      %select_n3A_12 = arith.constant 0 : i32
      %select_n3A_13 = arith.constant -1 : i32
      %select_n3A_14 = arith.select %select_n3A, %select_n3A_13, %select_n3A_12 : i32
      %eq3A = arith.constant -1 : i32
      %eq3A_15 = arith.cmpi eq, %select_n3A_14, %eq3A : i32
      %select_n3A_16 = arith.constant 3 : i32
      %select_n3A_17 = arith.select %eq3A_15, %select_n3A_16, %select_n3A_14 : i32
      %add3A_18 = arith.addi %select_n3A_17, %mul3A_6 : i32
      %select_n3A_19 = arith.constant true
      %select_n3A_20 = arith.constant 0 : i32
      %select_n3A_21 = arith.constant 1 : i32
      %select_n3A_22 = arith.select %select_n3A_19, %select_n3A_21, %select_n3A_20 : i32
      %eq3A_23 = arith.constant 4 : i32
      %eq3A_24 = arith.cmpi eq, %select_n3A_22, %eq3A_23 : i32
      %select_n3A_25 = arith.constant 0 : i32
      %select_n3A_26 = arith.select %eq3A_24, %select_n3A_25, %select_n3A_22 : i32
      %add3A_27 = arith.addi %select_n3A_26, %mul3A_6 : i32
      %add3A_28 = arith.constant 1 : i32
      %add3A_29 = arith.addi %select_n3A_26, %add3A_28 : i32
      %select_n3A_30 = arith.constant true
      %select_n3A_31 = arith.select %select_n3A_30, %add3A_29, %select_n3A_26 : i32
      %eq3A_32 = arith.constant 4 : i32
      %eq3A_33 = arith.cmpi eq, %select_n3A_31, %eq3A_32 : i32
      %select_n3A_34 = arith.constant 0 : i32
      %select_n3A_35 = arith.select %eq3A_33, %select_n3A_34, %select_n3A_31 : i32
      %add3A_36 = arith.addi %select_n3A_35, %mul3A_6 : i32
      "tpu.trace_start"() <{level = 10 : i32, message = "ep_initialize_0"}> : () -> ()
      %rem3A = arith.constant 0 : i32
      %rem3A_37 = arith.constant 2 : i32
      %rem3A_38 = arith.remui %rem3A, %rem3A_37 : i32
      %mul3A_39 = arith.constant 128 : i32
      %mul3A_40 = arith.muli %mul3A_39, %add3A_11 : i32
      %dma_start3A = arith.constant 0 : i32
      %dma_start3A_41 = arith.constant 0 : i32
      %dma_start3A_42 = tpu.memref_slice %run_scoped3A[%rem3A_38, %dma_start3A, %dma_start3A_41] : memref<2x1x128xi32, #tpu.memory_space<vmem>> -> memref<1x1x128xi32, #tpu.memory_space<vmem>>
      %dma_start3A_43 = tpu.memref_squeeze %dma_start3A_42 : memref<1x1x128xi32, #tpu.memory_space<vmem>> -> memref<1x128xi32, #tpu.memory_space<vmem>>
      %dma_start3A_44 = arith.constant 0 : i32
      %dma_start3A_45 = tpu.memref_slice %arg3[%dma_start3A_44, %mul3A_40] : memref<1x16384xi32, #tpu.memory_space<hbm>> -> memref<1x128xi32, #tpu.memory_space<hbm>>
      %dma_start3A_46 = tpu.memref_slice %run_scoped3A_7[%rem3A_38] : memref<2x!tpu.dma_semaphore, #tpu.memory_space<semaphore_mem>> -> memref<1x!tpu.dma_semaphore, #tpu.memory_space<semaphore_mem>>
      %dma_start3A_47 = tpu.memref_squeeze %dma_start3A_46 : memref<1x!tpu.dma_semaphore, #tpu.memory_space<semaphore_mem>> -> memref<!tpu.dma_semaphore, #tpu.memory_space<semaphore_mem>>
      %dma_start3A_48 = arith.constant 0 : i32
      %dma_start3A_49 = arith.constant 0 : i32
      %dma_start3A_50 = tpu.memref_slice %run_scoped3A[%rem3A_38, %dma_start3A_48, %dma_start3A_49] : memref<2x1x128xi32, #tpu.memory_space<vmem>> -> memref<1x1x128xi32, #tpu.memory_space<vmem>>
      %dma_start3A_51 = tpu.memref_squeeze %dma_start3A_50 : memref<1x1x128xi32, #tpu.memory_space<vmem>> -> memref<1x128xi32, #tpu.memory_space<vmem>>
      %dma_start3A_52 = arith.constant 0 : i32
      %dma_start3A_53 = tpu.memref_slice %arg3[%dma_start3A_52, %mul3A_40] : memref<1x16384xi32, #tpu.memory_space<hbm>> -> memref<1x128xi32, #tpu.memory_space<hbm>>
      tpu.enqueue_dma source(%dma_start3A_53 : memref<1x128xi32, #tpu.memory_space<hbm>>) target(%dma_start3A_51 : memref<1x128xi32, #tpu.memory_space<vmem>>) target_semaphore(%dma_start3A_47 : memref<!tpu.dma_semaphore, #tpu.memory_space<semaphore_mem>>)
      %add3A_54 = arith.constant 0 : i32
      %add3A_55 = arith.constant 1 : i32
      %add3A_56 = arith.addi %add3A_54, %add3A_55 : i32
      %select_n3A_57 = arith.constant true
      %select_n3A_58 = arith.constant 0 : i32
      %select_n3A_59 = arith.select %select_n3A_57, %add3A_56, %select_n3A_58 : i32
      "tpu.trace_stop"() : () -> ()
      %scan3A = arith.constant 0 : i32
      %scan3A_60 = arith.constant 0 : i32
      %scan3A_61 = arith.constant 0 : i32
      %scan3A_62 = arith.constant 0 : i32
      %scan3A_63 = arith.constant 0 : i32
      %scan3A_64 = arith.constant 4 : i32
      %scan3A_65 = arith.addi %scan3A_63, %scan3A_64 : i32
      %scan3A_66 = arith.constant 1 : i32
      %scan3A_67:5 = scf.for %scan3A_121 = %scan3A_63 to %scan3A_65 step %scan3A_66 iter_args(%scan3A_122 = %select_n3A_59, %scan3A_123 = %scan3A, %scan3A_124 = %scan3A_60, %scan3A_125 = %scan3A_61, %scan3A_126 = %scan3A_62) -> (i32, i32, i32, i32, i32)  : i32 {
        %eq3A_127 = arith.constant 0 : i32
        %eq3A_128 = arith.cmpi eq, %scan3A_121, %eq3A_127 : i32
        %eq3A_129 = arith.constant 3 : i32
        %eq3A_130 = arith.cmpi eq, %scan3A_121, %eq3A_129 : i32
        %add3A_131 = arith.addi %scan3A_126, %mul3A_6 : i32
        %sub3A_132 = arith.constant 1 : i32
        %sub3A_133 = arith.subi %scan3A_126, %sub3A_132 : i32
        %select_n3A_134 = arith.constant true
        %select_n3A_135 = arith.select %select_n3A_134, %sub3A_133, %scan3A_126 : i32
        %eq3A_136 = arith.constant -1 : i32
        %eq3A_137 = arith.cmpi eq, %select_n3A_135, %eq3A_136 : i32
        %select_n3A_138 = arith.constant 3 : i32
        %select_n3A_139 = arith.select %eq3A_137, %select_n3A_138, %select_n3A_135 : i32
        %add3A_140 = arith.addi %select_n3A_139, %mul3A_6 : i32
        %add3A_141 = arith.constant 1 : i32
        %add3A_142 = arith.addi %scan3A_126, %add3A_141 : i32
        %select_n3A_143 = arith.constant true
        %select_n3A_144 = arith.select %select_n3A_143, %add3A_142, %scan3A_126 : i32
        %eq3A_145 = arith.constant 4 : i32
        %eq3A_146 = arith.cmpi eq, %select_n3A_144, %eq3A_145 : i32
        %select_n3A_147 = arith.constant 0 : i32
        %select_n3A_148 = arith.select %eq3A_146, %select_n3A_147, %select_n3A_144 : i32
        %add3A_149 = arith.addi %select_n3A_148, %mul3A_6 : i32
        %add3A_150 = arith.constant 1 : i32
        %add3A_151 = arith.addi %select_n3A_148, %add3A_150 : i32
        %select_n3A_152 = arith.constant true
        %select_n3A_153 = arith.select %select_n3A_152, %add3A_151, %select_n3A_148 : i32
        %eq3A_154 = arith.constant 4 : i32
        %eq3A_155 = arith.cmpi eq, %select_n3A_153, %eq3A_154 : i32
        %select_n3A_156 = arith.constant 0 : i32
        %select_n3A_157 = arith.select %eq3A_155, %select_n3A_156, %select_n3A_153 : i32
        %add3A_158 = arith.addi %select_n3A_157, %mul3A_6 : i32
        %ne3A = arith.cmpi ne, %add3A_131, %add3A_149 : i32
        %or3A = arith.constant false
        %or3A_159 = arith.ori %or3A, %ne3A : i1
        %ge3A = arith.constant 3 : i32
        %ge3A_160 = arith.cmpi sge, %scan3A_121, %ge3A : i32
        %not3A = arith.constant true
        %not3A_161 = arith.xori %ge3A_160, %not3A : i1
        %and3A = arith.andi %or3A_159, %not3A_161 : i1
        %convert_element_type3A = arith.extui %and3A : i1 to i32
        %cond3A = arith.constant 0 : i32
        %cond3A_162 = arith.cmpi ne, %convert_element_type3A, %cond3A : i32
        scf.if %cond3A_162 {
          "tpu.trace_start"() <{level = 10 : i32, message = "ep_copy_in"}> : () -> ()
          %rem3A_264 = arith.constant 2 : i32
          %rem3A_265 = arith.remui %scan3A_122, %rem3A_264 : i32
          %mul3A_266 = arith.constant 128 : i32
          %mul3A_267 = arith.muli %mul3A_266, %add3A_149 : i32
          %dma_start3A_268 = arith.constant 0 : i32
          %dma_start3A_269 = arith.constant 0 : i32
          %dma_start3A_270 = tpu.memref_slice %run_scoped3A[%rem3A_265, %dma_start3A_268, %dma_start3A_269] : memref<2x1x128xi32, #tpu.memory_space<vmem>> -> memref<1x1x128xi32, #tpu.memory_space<vmem>>
          %dma_start3A_271 = tpu.memref_squeeze %dma_start3A_270 : memref<1x1x128xi32, #tpu.memory_space<vmem>> -> memref<1x128xi32, #tpu.memory_space<vmem>>
          %dma_start3A_272 = arith.constant 0 : i32
          %dma_start3A_273 = tpu.memref_slice %arg3[%dma_start3A_272, %mul3A_267] : memref<1x16384xi32, #tpu.memory_space<hbm>> -> memref<1x128xi32, #tpu.memory_space<hbm>>
          %dma_start3A_274 = tpu.memref_slice %run_scoped3A_7[%rem3A_265] : memref<2x!tpu.dma_semaphore, #tpu.memory_space<semaphore_mem>> -> memref<1x!tpu.dma_semaphore, #tpu.memory_space<semaphore_mem>>
          %dma_start3A_275 = tpu.memref_squeeze %dma_start3A_274 : memref<1x!tpu.dma_semaphore, #tpu.memory_space<semaphore_mem>> -> memref<!tpu.dma_semaphore, #tpu.memory_space<semaphore_mem>>
          %dma_start3A_276 = arith.constant 0 : i32
          %dma_start3A_277 = arith.constant 0 : i32
          %dma_start3A_278 = tpu.memref_slice %run_scoped3A[%rem3A_265, %dma_start3A_276, %dma_start3A_277] : memref<2x1x128xi32, #tpu.memory_space<vmem>> -> memref<1x1x128xi32, #tpu.memory_space<vmem>>
          %dma_start3A_279 = tpu.memref_squeeze %dma_start3A_278 : memref<1x1x128xi32, #tpu.memory_space<vmem>> -> memref<1x128xi32, #tpu.memory_space<vmem>>
          %dma_start3A_280 = arith.constant 0 : i32
          %dma_start3A_281 = tpu.memref_slice %arg3[%dma_start3A_280, %mul3A_267] : memref<1x16384xi32, #tpu.memory_space<hbm>> -> memref<1x128xi32, #tpu.memory_space<hbm>>
          tpu.enqueue_dma source(%dma_start3A_281 : memref<1x128xi32, #tpu.memory_space<hbm>>) target(%dma_start3A_279 : memref<1x128xi32, #tpu.memory_space<vmem>>) target_semaphore(%dma_start3A_275 : memref<!tpu.dma_semaphore, #tpu.memory_space<semaphore_mem>>)
          "tpu.trace_stop"() : () -> ()
        } else {
        }
        %and3A_163 = arith.constant true
        %and3A_164 = arith.andi %and3A, %and3A_163 : i1
        %add3A_165 = arith.constant 1 : i32
        %add3A_166 = arith.addi %scan3A_122, %add3A_165 : i32
        %select_n3A_167 = arith.select %and3A_164, %add3A_166, %scan3A_122 : i32
        %ne3A_168 = arith.cmpi ne, %add3A_131, %add3A_149 : i32
        %or3A_169 = arith.constant false
        %or3A_170 = arith.ori %or3A_169, %ne3A_168 : i1
        %or3A_171 = arith.constant false
        %or3A_172 = arith.ori %or3A_170, %or3A_171 : i1
        %ge3A_173 = arith.constant 3 : i32
        %ge3A_174 = arith.cmpi sge, %scan3A_121, %ge3A_173 : i32
        %not3A_175 = arith.constant true
        %not3A_176 = arith.xori %ge3A_174, %not3A_175 : i1
        %and3A_177 = arith.andi %or3A_172, %not3A_176 : i1
        %ne3A_178 = arith.cmpi ne, %add3A_131, %add3A_140 : i32
        %or3A_179 = arith.constant false
        %or3A_180 = arith.ori %or3A_179, %ne3A_178 : i1
        %or3A_181 = arith.ori %or3A_180, %eq3A_128 : i1
        %convert_element_type3A_182 = arith.extui %or3A_181 : i1 to i32
        %cond3A_183 = arith.constant 0 : i32
        %cond3A_184 = arith.cmpi ne, %convert_element_type3A_182, %cond3A_183 : i32
        scf.if %cond3A_184 {
          "tpu.trace_start"() <{level = 10 : i32, message = "ep_wait_in"}> : () -> ()
          %mul3A_264 = arith.constant 128 : i32
          %mul3A_265 = arith.muli %mul3A_264, %add3A_131 : i32
          %rem3A_266 = arith.constant 2 : i32
          %rem3A_267 = arith.remui %scan3A_123, %rem3A_266 : i32
          %dma_wait3A_268 = arith.constant 0 : i32
          %dma_wait3A_269 = arith.constant 0 : i32
          %dma_wait3A_270 = tpu.memref_slice %run_scoped3A[%rem3A_267, %dma_wait3A_268, %dma_wait3A_269] : memref<2x1x128xi32, #tpu.memory_space<vmem>> -> memref<1x1x128xi32, #tpu.memory_space<vmem>>
          %dma_wait3A_271 = tpu.memref_squeeze %dma_wait3A_270 : memref<1x1x128xi32, #tpu.memory_space<vmem>> -> memref<1x128xi32, #tpu.memory_space<vmem>>
          %dma_wait3A_272 = arith.constant 0 : i32
          %dma_wait3A_273 = tpu.memref_slice %arg3[%dma_wait3A_272, %mul3A_265] : memref<1x16384xi32, #tpu.memory_space<hbm>> -> memref<1x128xi32, #tpu.memory_space<hbm>>
          %dma_wait3A_274 = tpu.memref_slice %run_scoped3A_7[%rem3A_267] : memref<2x!tpu.dma_semaphore, #tpu.memory_space<semaphore_mem>> -> memref<1x!tpu.dma_semaphore, #tpu.memory_space<semaphore_mem>>
          %dma_wait3A_275 = tpu.memref_squeeze %dma_wait3A_274 : memref<1x!tpu.dma_semaphore, #tpu.memory_space<semaphore_mem>> -> memref<!tpu.dma_semaphore, #tpu.memory_space<semaphore_mem>>
          %dma_wait3A_276 = arith.constant 0 : i32
          %dma_wait3A_277 = arith.constant 0 : i32
          %dma_wait3A_278 = tpu.memref_slice %run_scoped3A[%rem3A_267, %dma_wait3A_276, %dma_wait3A_277] : memref<2x1x128xi32, #tpu.memory_space<vmem>> -> memref<1x1x128xi32, #tpu.memory_space<vmem>>
          %dma_wait3A_279 = tpu.memref_squeeze %dma_wait3A_278 : memref<1x1x128xi32, #tpu.memory_space<vmem>> -> memref<1x128xi32, #tpu.memory_space<vmem>>
          %dma_wait3A_280 = arith.constant 0 : i32
          %dma_wait3A_281 = tpu.memref_slice %arg3[%dma_wait3A_280, %mul3A_265] : memref<1x16384xi32, #tpu.memory_space<hbm>> -> memref<1x128xi32, #tpu.memory_space<hbm>>
          tpu.wait_dma2 semaphore(%dma_wait3A_275 : memref<!tpu.dma_semaphore, #tpu.memory_space<semaphore_mem>>) src(%dma_wait3A_281 : memref<1x128xi32, #tpu.memory_space<hbm>>) dst(%dma_wait3A_279 : memref<1x128xi32, #tpu.memory_space<vmem>>)
          "tpu.trace_stop"() : () -> ()
        } else {
        }
        %ne3A_185 = arith.cmpi ne, %add3A_131, %add3A_140 : i32
        %or3A_186 = arith.constant false
        %or3A_187 = arith.ori %or3A_186, %ne3A_185 : i1
        %or3A_188 = arith.constant false
        %or3A_189 = arith.ori %or3A_187, %or3A_188 : i1
        %or3A_190 = arith.ori %or3A_189, %eq3A_128 : i1
        %convert_element_type3A_191 = arith.extui %or3A_190 : i1 to i32
        %cond3A_192 = arith.constant 0 : i32
        %cond3A_193 = arith.cmpi ne, %convert_element_type3A_191, %cond3A_192 : i32
        scf.if %cond3A_193 {
        } else {
        }
        %rem3A_194 = arith.constant 2 : i32
        %rem3A_195 = arith.remui %scan3A_123, %rem3A_194 : i32
        %rem3A_196 = arith.constant 2 : i32
        %rem3A_197 = arith.remui %scan3A_124, %rem3A_196 : i32
        %run_scoped3A_198 = arith.constant 0 : i32
        "tpu.trace_start"() <{level = 10 : i32, message = "ep_run_kernel"}> : () -> ()
        "tpu.region"() ({
          %run_scoped3A_264 = tpu.sem_alloc : memref<!tpu.dma_semaphore, #tpu.memory_space<semaphore_mem>>
          %dma_start3A_265 = arith.constant 0 : i32
          %dma_start3A_266 = arith.constant 0 : i32
          %dma_start3A_267 = tpu.memref_slice %run_scoped3A_8[%rem3A_197, %dma_start3A_265, %dma_start3A_266] : memref<2x128x256xf32, #tpu.memory_space<vmem>> -> memref<1x128x256xf32, #tpu.memory_space<vmem>>
          %dma_start3A_268 = tpu.memref_squeeze %dma_start3A_267 : memref<1x128x256xf32, #tpu.memory_space<vmem>> -> memref<128x256xf32, #tpu.memory_space<vmem>>
          %dma_start3A_269 = arith.constant 0 : i32
          %dma_start3A_270 = arith.constant 0 : i32
          %dma_start3A_271 = tpu.memref_slice %run_scoped3A[%rem3A_195, %dma_start3A_269, %dma_start3A_270] : memref<2x1x128xi32, #tpu.memory_space<vmem>> -> memref<1x1x128xi32, #tpu.memory_space<vmem>>
          %dma_start3A_272 = tpu.memref_squeeze %dma_start3A_271 : memref<1x1x128xi32, #tpu.memory_space<vmem>> -> memref<1x128xi32, #tpu.memory_space<vmem>>
          %dma_start3A_273 = arith.constant 0 : i32
          %dma_start3A_274 = tpu.memref_slice %dma_start3A_272[%run_scoped3A_198, %dma_start3A_273] : memref<1x128xi32, #tpu.memory_space<vmem>> -> memref<1x128xi32, #tpu.memory_space<vmem>>
          %dma_start3A_275 = tpu.memref_squeeze %dma_start3A_274 : memref<1x128xi32, #tpu.memory_space<vmem>> -> memref<128xi32, #tpu.memory_space<vmem>>
          %dma_start3A_276 = arith.constant 0 : i32
          %dma_start3A_277 = arith.constant 0 : i32
          %dma_start3A_278 = tpu.memref_slice %arg2[%dma_start3A_276, %dma_start3A_277] : memref<8192x256xf32, #tpu.memory_space<hbm>> -> memref<8192x256xf32, #tpu.memory_space<hbm>>
          tpu.enqueue_indirect_dma source(%dma_start3A_278 : memref<8192x256xf32, #tpu.memory_space<hbm>>) target(%dma_start3A_268 : memref<128x256xf32, #tpu.memory_space<vmem>>) offsets(%dma_start3A_275 : memref<128xi32, #tpu.memory_space<vmem>>) semaphore(%run_scoped3A_264 : memref<!tpu.dma_semaphore, #tpu.memory_space<semaphore_mem>>)
          %dma_wait3A_279 = arith.constant 0 : i32
          %dma_wait3A_280 = arith.constant 0 : i32
          %dma_wait3A_281 = tpu.memref_slice %run_scoped3A_8[%rem3A_197, %dma_wait3A_279, %dma_wait3A_280] : memref<2x128x256xf32, #tpu.memory_space<vmem>> -> memref<1x128x256xf32, #tpu.memory_space<vmem>>
          %dma_wait3A_282 = tpu.memref_squeeze %dma_wait3A_281 : memref<1x128x256xf32, #tpu.memory_space<vmem>> -> memref<128x256xf32, #tpu.memory_space<vmem>>
          %dma_wait3A_283 = arith.constant 0 : i32
          %dma_wait3A_284 = arith.constant 0 : i32
          %dma_wait3A_285 = tpu.memref_slice %run_scoped3A[%rem3A_195, %dma_wait3A_283, %dma_wait3A_284] : memref<2x1x128xi32, #tpu.memory_space<vmem>> -> memref<1x1x128xi32, #tpu.memory_space<vmem>>
          %dma_wait3A_286 = tpu.memref_squeeze %dma_wait3A_285 : memref<1x1x128xi32, #tpu.memory_space<vmem>> -> memref<1x128xi32, #tpu.memory_space<vmem>>
          %dma_wait3A_287 = arith.constant 0 : i32
          %dma_wait3A_288 = tpu.memref_slice %dma_wait3A_286[%run_scoped3A_198, %dma_wait3A_287] : memref<1x128xi32, #tpu.memory_space<vmem>> -> memref<1x128xi32, #tpu.memory_space<vmem>>
          %dma_wait3A_289 = tpu.memref_squeeze %dma_wait3A_288 : memref<1x128xi32, #tpu.memory_space<vmem>> -> memref<128xi32, #tpu.memory_space<vmem>>
          %dma_wait3A_290 = arith.constant 0 : i32
          %dma_wait3A_291 = arith.constant 0 : i32
          %dma_wait3A_292 = tpu.memref_slice %arg2[%dma_wait3A_290, %dma_wait3A_291] : memref<8192x256xf32, #tpu.memory_space<hbm>> -> memref<8192x256xf32, #tpu.memory_space<hbm>>
          tpu.wait_indirect_dma semaphore(%run_scoped3A_264 : memref<!tpu.dma_semaphore, #tpu.memory_space<semaphore_mem>>) src(%dma_wait3A_292 : memref<8192x256xf32, #tpu.memory_space<hbm>>) dst(%dma_wait3A_282 : memref<128x256xf32, #tpu.memory_space<vmem>>)
          tpu.yield
        }) : () -> ()
        "tpu.trace_stop"() : () -> ()
        %ne3A_199 = arith.cmpi ne, %add3A_131, %add3A_149 : i32
        %or3A_200 = arith.constant false
        %or3A_201 = arith.ori %or3A_200, %ne3A_199 : i1
        %or3A_202 = arith.ori %or3A_201, %eq3A_130 : i1
        %convert_element_type3A_203 = arith.extui %or3A_202 : i1 to i32
        %cond3A_204 = arith.constant 0 : i32
        %cond3A_205 = arith.cmpi ne, %convert_element_type3A_203, %cond3A_204 : i32
        scf.if %cond3A_205 {
        } else {
        }
        %and3A_206 = arith.constant false
        %and3A_207 = arith.andi %or3A_202, %and3A_206 : i1
        %ne3A_208 = arith.cmpi ne, %add3A_131, %add3A_149 : i32
        %or3A_209 = arith.constant false
        %or3A_210 = arith.ori %or3A_209, %ne3A_208 : i1
        %or3A_211 = arith.constant false
        %or3A_212 = arith.ori %or3A_210, %or3A_211 : i1
        %or3A_213 = arith.ori %or3A_212, %eq3A_130 : i1
        %convert_element_type3A_214 = arith.extui %or3A_213 : i1 to i32
        %cond3A_215 = arith.constant 0 : i32
        %cond3A_216 = arith.cmpi ne, %convert_element_type3A_214, %cond3A_215 : i32
        scf.if %cond3A_216 {
          "tpu.trace_start"() <{level = 10 : i32, message = "ep_copy_out"}> : () -> ()
          %rem3A_264 = arith.constant 2 : i32
          %rem3A_265 = arith.remui %scan3A_124, %rem3A_264 : i32
          %mul3A_266 = arith.constant 128 : i32
          %mul3A_267 = arith.muli %mul3A_266, %add3A_131 : i32
          %dma_start3A_268 = arith.constant 0 : i32
          %dma_start3A_269 = arith.constant 0 : i32
          %dma_start3A_270 = tpu.memref_slice %run_scoped3A_8[%rem3A_265, %dma_start3A_268, %dma_start3A_269] : memref<2x128x256xf32, #tpu.memory_space<vmem>> -> memref<1x128x256xf32, #tpu.memory_space<vmem>>
          %dma_start3A_271 = tpu.memref_squeeze %dma_start3A_270 : memref<1x128x256xf32, #tpu.memory_space<vmem>> -> memref<128x256xf32, #tpu.memory_space<vmem>>
          %dma_start3A_272 = arith.constant 0 : i32
          %dma_start3A_273 = tpu.memref_slice %arg4[%mul3A_267, %dma_start3A_272] : memref<16384x256xf32, #tpu.memory_space<hbm>> -> memref<128x256xf32, #tpu.memory_space<hbm>>
          %dma_start3A_274 = tpu.memref_slice %run_scoped3A_9[%rem3A_265] : memref<2x!tpu.dma_semaphore, #tpu.memory_space<semaphore_mem>> -> memref<1x!tpu.dma_semaphore, #tpu.memory_space<semaphore_mem>>
          %dma_start3A_275 = tpu.memref_squeeze %dma_start3A_274 : memref<1x!tpu.dma_semaphore, #tpu.memory_space<semaphore_mem>> -> memref<!tpu.dma_semaphore, #tpu.memory_space<semaphore_mem>>
          %dma_start3A_276 = arith.constant 0 : i32
          %dma_start3A_277 = tpu.memref_slice %arg4[%mul3A_267, %dma_start3A_276] : memref<16384x256xf32, #tpu.memory_space<hbm>> -> memref<128x256xf32, #tpu.memory_space<hbm>>
          %dma_start3A_278 = arith.constant 0 : i32
          %dma_start3A_279 = arith.constant 0 : i32
          %dma_start3A_280 = tpu.memref_slice %run_scoped3A_8[%rem3A_265, %dma_start3A_278, %dma_start3A_279] : memref<2x128x256xf32, #tpu.memory_space<vmem>> -> memref<1x128x256xf32, #tpu.memory_space<vmem>>
          %dma_start3A_281 = tpu.memref_squeeze %dma_start3A_280 : memref<1x128x256xf32, #tpu.memory_space<vmem>> -> memref<128x256xf32, #tpu.memory_space<vmem>>
          tpu.enqueue_dma source(%dma_start3A_281 : memref<128x256xf32, #tpu.memory_space<vmem>>) target(%dma_start3A_277 : memref<128x256xf32, #tpu.memory_space<hbm>>) target_semaphore(%dma_start3A_275 : memref<!tpu.dma_semaphore, #tpu.memory_space<semaphore_mem>>)
          "tpu.trace_stop"() : () -> ()
        } else {
        }
        %and3A_217 = arith.constant true
        %and3A_218 = arith.andi %or3A_213, %and3A_217 : i1
        %add3A_219 = arith.constant 1 : i32
        %add3A_220 = arith.addi %scan3A_124, %add3A_219 : i32
        %select_n3A_221 = arith.select %and3A_218, %add3A_220, %scan3A_124 : i32
        %ne3A_222 = arith.cmpi ne, %add3A_131, %add3A_140 : i32
        %or3A_223 = arith.constant false
        %or3A_224 = arith.ori %or3A_223, %ne3A_222 : i1
        %not3A_225 = arith.constant true
        %not3A_226 = arith.xori %eq3A_128, %not3A_225 : i1
        %and3A_227 = arith.andi %or3A_224, %not3A_226 : i1
        %convert_element_type3A_228 = arith.extui %and3A_227 : i1 to i32
        %cond3A_229 = arith.constant 0 : i32
        %cond3A_230 = arith.cmpi ne, %convert_element_type3A_228, %cond3A_229 : i32
        scf.if %cond3A_230 {
        } else {
        }
        %and3A_231 = arith.constant false
        %and3A_232 = arith.andi %and3A_227, %and3A_231 : i1
        %ne3A_233 = arith.cmpi ne, %add3A_131, %add3A_140 : i32
        %or3A_234 = arith.constant false
        %or3A_235 = arith.ori %or3A_234, %ne3A_233 : i1
        %or3A_236 = arith.constant false
        %or3A_237 = arith.ori %or3A_235, %or3A_236 : i1
        %not3A_238 = arith.constant true
        %not3A_239 = arith.xori %eq3A_128, %not3A_238 : i1
        %and3A_240 = arith.andi %or3A_237, %not3A_239 : i1
        %convert_element_type3A_241 = arith.extui %and3A_240 : i1 to i32
        %cond3A_242 = arith.constant 0 : i32
        %cond3A_243 = arith.cmpi ne, %convert_element_type3A_241, %cond3A_242 : i32
        scf.if %cond3A_243 {
          "tpu.trace_start"() <{level = 10 : i32, message = "ep_wait_out"}> : () -> ()
          %rem3A_264 = arith.constant 2 : i32
          %rem3A_265 = arith.remui %scan3A_125, %rem3A_264 : i32
          %mul3A_266 = arith.constant 128 : i32
          %mul3A_267 = arith.muli %mul3A_266, %add3A_140 : i32
          %dma_wait3A_268 = arith.constant 0 : i32
          %dma_wait3A_269 = arith.constant 0 : i32
          %dma_wait3A_270 = tpu.memref_slice %run_scoped3A_8[%rem3A_265, %dma_wait3A_268, %dma_wait3A_269] : memref<2x128x256xf32, #tpu.memory_space<vmem>> -> memref<1x128x256xf32, #tpu.memory_space<vmem>>
          %dma_wait3A_271 = tpu.memref_squeeze %dma_wait3A_270 : memref<1x128x256xf32, #tpu.memory_space<vmem>> -> memref<128x256xf32, #tpu.memory_space<vmem>>
          %dma_wait3A_272 = arith.constant 0 : i32
          %dma_wait3A_273 = tpu.memref_slice %arg4[%mul3A_267, %dma_wait3A_272] : memref<16384x256xf32, #tpu.memory_space<hbm>> -> memref<128x256xf32, #tpu.memory_space<hbm>>
          %dma_wait3A_274 = tpu.memref_slice %run_scoped3A_9[%rem3A_265] : memref<2x!tpu.dma_semaphore, #tpu.memory_space<semaphore_mem>> -> memref<1x!tpu.dma_semaphore, #tpu.memory_space<semaphore_mem>>
          %dma_wait3A_275 = tpu.memref_squeeze %dma_wait3A_274 : memref<1x!tpu.dma_semaphore, #tpu.memory_space<semaphore_mem>> -> memref<!tpu.dma_semaphore, #tpu.memory_space<semaphore_mem>>
          %dma_wait3A_276 = arith.constant 0 : i32
          %dma_wait3A_277 = tpu.memref_slice %arg4[%mul3A_267, %dma_wait3A_276] : memref<16384x256xf32, #tpu.memory_space<hbm>> -> memref<128x256xf32, #tpu.memory_space<hbm>>
          %dma_wait3A_278 = arith.constant 0 : i32
          %dma_wait3A_279 = arith.constant 0 : i32
          %dma_wait3A_280 = tpu.memref_slice %run_scoped3A_8[%rem3A_265, %dma_wait3A_278, %dma_wait3A_279] : memref<2x128x256xf32, #tpu.memory_space<vmem>> -> memref<1x128x256xf32, #tpu.memory_space<vmem>>
          %dma_wait3A_281 = tpu.memref_squeeze %dma_wait3A_280 : memref<1x128x256xf32, #tpu.memory_space<vmem>> -> memref<128x256xf32, #tpu.memory_space<vmem>>
          tpu.wait_dma2 semaphore(%dma_wait3A_275 : memref<!tpu.dma_semaphore, #tpu.memory_space<semaphore_mem>>) src(%dma_wait3A_281 : memref<128x256xf32, #tpu.memory_space<vmem>>) dst(%dma_wait3A_277 : memref<128x256xf32, #tpu.memory_space<hbm>>)
          "tpu.trace_stop"() : () -> ()
        } else {
        }
        %and3A_244 = arith.constant true
        %and3A_245 = arith.andi %and3A_240, %and3A_244 : i1
        %add3A_246 = arith.constant 1 : i32
        %add3A_247 = arith.addi %scan3A_125, %add3A_246 : i32
        %select_n3A_248 = arith.select %and3A_245, %add3A_247, %scan3A_125 : i32
        %ne3A_249 = arith.cmpi ne, %add3A_131, %add3A_149 : i32
        %or3A_250 = arith.constant false
        %or3A_251 = arith.ori %or3A_250, %ne3A_249 : i1
        %or3A_252 = arith.ori %or3A_251, %eq3A_130 : i1
        %add3A_253 = arith.constant 1 : i32
        %add3A_254 = arith.addi %scan3A_123, %add3A_253 : i32
        %select_n3A_255 = arith.select %or3A_252, %add3A_254, %scan3A_123 : i32
        %add3A_256 = arith.constant 1 : i32
        %add3A_257 = arith.addi %scan3A_126, %add3A_256 : i32
        %select_n3A_258 = arith.constant true
        %select_n3A_259 = arith.select %select_n3A_258, %add3A_257, %scan3A_126 : i32
        %eq3A_260 = arith.constant 4 : i32
        %eq3A_261 = arith.cmpi eq, %select_n3A_259, %eq3A_260 : i32
        %select_n3A_262 = arith.constant 0 : i32
        %select_n3A_263 = arith.select %eq3A_261, %select_n3A_262, %select_n3A_259 : i32
        scf.yield %select_n3A_167, %select_n3A_255, %select_n3A_221, %select_n3A_248, %select_n3A_263 : i32, i32, i32, i32, i32
      }
      %scan3A_68 = arith.constant 4 : i32
      %sub3A = arith.constant 1 : i32
      %sub3A_69 = arith.subi %scan3A_67#4, %sub3A : i32
      %select_n3A_70 = arith.constant true
      %select_n3A_71 = arith.select %select_n3A_70, %sub3A_69, %scan3A_67#4 : i32
      %eq3A_72 = arith.constant -1 : i32
      %eq3A_73 = arith.cmpi eq, %select_n3A_71, %eq3A_72 : i32
      %select_n3A_74 = arith.constant 3 : i32
      %select_n3A_75 = arith.select %eq3A_73, %select_n3A_74, %select_n3A_71 : i32
      %add3A_76 = arith.addi %select_n3A_75, %mul3A_6 : i32
      %sub3A_77 = arith.constant 1 : i32
      %sub3A_78 = arith.subi %select_n3A_75, %sub3A_77 : i32
      %select_n3A_79 = arith.constant true
      %select_n3A_80 = arith.select %select_n3A_79, %sub3A_78, %select_n3A_75 : i32
      %eq3A_81 = arith.constant -1 : i32
      %eq3A_82 = arith.cmpi eq, %select_n3A_80, %eq3A_81 : i32
      %select_n3A_83 = arith.constant 3 : i32
      %select_n3A_84 = arith.select %eq3A_82, %select_n3A_83, %select_n3A_80 : i32
      %add3A_85 = arith.addi %select_n3A_84, %mul3A_6 : i32
      %add3A_86 = arith.constant 1 : i32
      %add3A_87 = arith.addi %select_n3A_75, %add3A_86 : i32
      %select_n3A_88 = arith.constant true
      %select_n3A_89 = arith.select %select_n3A_88, %add3A_87, %select_n3A_75 : i32
      %eq3A_90 = arith.constant 4 : i32
      %eq3A_91 = arith.cmpi eq, %select_n3A_89, %eq3A_90 : i32
      %select_n3A_92 = arith.constant 0 : i32
      %select_n3A_93 = arith.select %eq3A_91, %select_n3A_92, %select_n3A_89 : i32
      %add3A_94 = arith.addi %select_n3A_93, %mul3A_6 : i32
      %add3A_95 = arith.constant 1 : i32
      %add3A_96 = arith.addi %select_n3A_93, %add3A_95 : i32
      %select_n3A_97 = arith.constant true
      %select_n3A_98 = arith.select %select_n3A_97, %add3A_96, %select_n3A_93 : i32
      %eq3A_99 = arith.constant 4 : i32
      %eq3A_100 = arith.cmpi eq, %select_n3A_98, %eq3A_99 : i32
      %select_n3A_101 = arith.constant 0 : i32
      %select_n3A_102 = arith.select %eq3A_100, %select_n3A_101, %select_n3A_98 : i32
      %add3A_103 = arith.addi %select_n3A_102, %mul3A_6 : i32
      "tpu.trace_start"() <{level = 10 : i32, message = "ep_finalize"}> : () -> ()
      %rem3A_104 = arith.constant 2 : i32
      %rem3A_105 = arith.remui %scan3A_67#3, %rem3A_104 : i32
      %mul3A_106 = arith.constant 128 : i32
      %mul3A_107 = arith.muli %mul3A_106, %add3A_76 : i32
      %dma_wait3A = arith.constant 0 : i32
      %dma_wait3A_108 = arith.constant 0 : i32
      %dma_wait3A_109 = tpu.memref_slice %run_scoped3A_8[%rem3A_105, %dma_wait3A, %dma_wait3A_108] : memref<2x128x256xf32, #tpu.memory_space<vmem>> -> memref<1x128x256xf32, #tpu.memory_space<vmem>>
      %dma_wait3A_110 = tpu.memref_squeeze %dma_wait3A_109 : memref<1x128x256xf32, #tpu.memory_space<vmem>> -> memref<128x256xf32, #tpu.memory_space<vmem>>
      %dma_wait3A_111 = arith.constant 0 : i32
      %dma_wait3A_112 = tpu.memref_slice %arg4[%mul3A_107, %dma_wait3A_111] : memref<16384x256xf32, #tpu.memory_space<hbm>> -> memref<128x256xf32, #tpu.memory_space<hbm>>
      %dma_wait3A_113 = tpu.memref_slice %run_scoped3A_9[%rem3A_105] : memref<2x!tpu.dma_semaphore, #tpu.memory_space<semaphore_mem>> -> memref<1x!tpu.dma_semaphore, #tpu.memory_space<semaphore_mem>>
      %dma_wait3A_114 = tpu.memref_squeeze %dma_wait3A_113 : memref<1x!tpu.dma_semaphore, #tpu.memory_space<semaphore_mem>> -> memref<!tpu.dma_semaphore, #tpu.memory_space<semaphore_mem>>
      %dma_wait3A_115 = arith.constant 0 : i32
      %dma_wait3A_116 = tpu.memref_slice %arg4[%mul3A_107, %dma_wait3A_115] : memref<16384x256xf32, #tpu.memory_space<hbm>> -> memref<128x256xf32, #tpu.memory_space<hbm>>
      %dma_wait3A_117 = arith.constant 0 : i32
      %dma_wait3A_118 = arith.constant 0 : i32
      %dma_wait3A_119 = tpu.memref_slice %run_scoped3A_8[%rem3A_105, %dma_wait3A_117, %dma_wait3A_118] : memref<2x128x256xf32, #tpu.memory_space<vmem>> -> memref<1x128x256xf32, #tpu.memory_space<vmem>>
      %dma_wait3A_120 = tpu.memref_squeeze %dma_wait3A_119 : memref<1x128x256xf32, #tpu.memory_space<vmem>> -> memref<128x256xf32, #tpu.memory_space<vmem>>
      tpu.wait_dma2 semaphore(%dma_wait3A_114 : memref<!tpu.dma_semaphore, #tpu.memory_space<semaphore_mem>>) src(%dma_wait3A_120 : memref<128x256xf32, #tpu.memory_space<vmem>>) dst(%dma_wait3A_116 : memref<128x256xf32, #tpu.memory_space<hbm>>)
      "tpu.trace_stop"() : () -> ()
      tpu.yield
    }) : () -> ()
    return
  }
}

#map = affine_map<(d0, d1) -> (0, 0)>
module attributes {stable_mosaic.version = 14 : i64} {
  func.func @k(%arg0: i32, %arg1: i32, %arg2: memref<8192x128xf32, #tpu.memory_space<hbm>>, %arg3: memref<1x16384xi32, #tpu.memory_space<hbm>>, %arg4: memref<16384x128xf32, #tpu.memory_space<hbm>>) attributes {dimension_semantics = [#tpu.dimension_semantics<core_parallel>, #tpu.dimension_semantics<subcore_parallel>], iteration_bounds = array<i64: 2, 16>, scalar_prefetch = 0 : i64, scratch_operands = 0 : i64, tpu.core_type = #tpu.core_type<sc_vector_subcore>, window_params = [{transform_indices = #map}, {transform_indices = #map}, {transform_indices = #map}]} {
    %mul3A = arith.constant 1 : i32
    %mul3A_0 = arith.muli %arg1, %mul3A : i32
    %add3A = arith.constant 0 : i32
    %add3A_1 = arith.addi %add3A, %mul3A_0 : i32
    %mul3A_2 = arith.constant 16 : i32
    %mul3A_3 = arith.muli %arg0, %mul3A_2 : i32
    %add3A_4 = arith.addi %add3A_1, %mul3A_3 : i32
    %mul3A_5 = arith.constant 2 : i32
    %mul3A_6 = arith.muli %add3A_4, %mul3A_5 : i32
    "tpu.region"() ({
      %run_scoped3A = memref.alloca() : memref<2x1x256xi32, #tpu.memory_space<vmem>>
      %run_scoped3A_7 = tpu.sem_alloc : memref<2x!tpu.dma_semaphore, #tpu.memory_space<semaphore_mem>>
      %run_scoped3A_8 = memref.alloca() : memref<2x256x128xf32, #tpu.memory_space<vmem>>
      %run_scoped3A_9 = tpu.sem_alloc : memref<2x!tpu.dma_semaphore, #tpu.memory_space<semaphore_mem>>
      %add3A_10 = arith.constant 0 : i32
      %add3A_11 = arith.addi %add3A_10, %mul3A_6 : i32
      %select_n3A = arith.constant true
      %select_n3A_12 = arith.constant 0 : i32
      %select_n3A_13 = arith.constant -1 : i32
      %select_n3A_14 = arith.select %select_n3A, %select_n3A_13, %select_n3A_12 : i32
      %eq3A = arith.constant -1 : i32
      %eq3A_15 = arith.cmpi eq, %select_n3A_14, %eq3A : i32
      %select_n3A_16 = arith.constant 1 : i32
      %select_n3A_17 = arith.select %eq3A_15, %select_n3A_16, %select_n3A_14 : i32
      %add3A_18 = arith.addi %select_n3A_17, %mul3A_6 : i32
      %select_n3A_19 = arith.constant true
      %select_n3A_20 = arith.constant 0 : i32
      %select_n3A_21 = arith.constant 1 : i32
      %select_n3A_22 = arith.select %select_n3A_19, %select_n3A_21, %select_n3A_20 : i32
      %eq3A_23 = arith.constant 2 : i32
      %eq3A_24 = arith.cmpi eq, %select_n3A_22, %eq3A_23 : i32
      %select_n3A_25 = arith.constant 0 : i32
      %select_n3A_26 = arith.select %eq3A_24, %select_n3A_25, %select_n3A_22 : i32
      %add3A_27 = arith.addi %select_n3A_26, %mul3A_6 : i32
      %add3A_28 = arith.constant 1 : i32
      %add3A_29 = arith.addi %select_n3A_26, %add3A_28 : i32
      %select_n3A_30 = arith.constant true
      %select_n3A_31 = arith.select %select_n3A_30, %add3A_29, %select_n3A_26 : i32
      %eq3A_32 = arith.constant 2 : i32
      %eq3A_33 = arith.cmpi eq, %select_n3A_31, %eq3A_32 : i32
      %select_n3A_34 = arith.constant 0 : i32
      %select_n3A_35 = arith.select %eq3A_33, %select_n3A_34, %select_n3A_31 : i32
      %add3A_36 = arith.addi %select_n3A_35, %mul3A_6 : i32
      "tpu.trace_start"() <{level = 10 : i32, message = "ep_initialize_0"}> : () -> ()
      %rem3A = arith.constant 0 : i32
      %rem3A_37 = arith.constant 2 : i32
      %rem3A_38 = arith.remui %rem3A, %rem3A_37 : i32
      %mul3A_39 = arith.constant 256 : i32
      %mul3A_40 = arith.muli %mul3A_39, %add3A_11 : i32
      %dma_start3A = arith.constant 0 : i32
      %dma_start3A_41 = arith.constant 0 : i32
      %dma_start3A_42 = tpu.memref_slice %run_scoped3A[%rem3A_38, %dma_start3A, %dma_start3A_41] : memref<2x1x256xi32, #tpu.memory_space<vmem>> -> memref<1x1x256xi32, #tpu.memory_space<vmem>>
      %dma_start3A_43 = tpu.memref_squeeze %dma_start3A_42 : memref<1x1x256xi32, #tpu.memory_space<vmem>> -> memref<1x256xi32, #tpu.memory_space<vmem>>
      %dma_start3A_44 = arith.constant 0 : i32
      %dma_start3A_45 = tpu.memref_slice %arg3[%dma_start3A_44, %mul3A_40] : memref<1x16384xi32, #tpu.memory_space<hbm>> -> memref<1x256xi32, #tpu.memory_space<hbm>>
      %dma_start3A_46 = tpu.memref_slice %run_scoped3A_7[%rem3A_38] : memref<2x!tpu.dma_semaphore, #tpu.memory_space<semaphore_mem>> -> memref<1x!tpu.dma_semaphore, #tpu.memory_space<semaphore_mem>>
      %dma_start3A_47 = tpu.memref_squeeze %dma_start3A_46 : memref<1x!tpu.dma_semaphore, #tpu.memory_space<semaphore_mem>> -> memref<!tpu.dma_semaphore, #tpu.memory_space<semaphore_mem>>
      %dma_start3A_48 = arith.constant 0 : i32
      %dma_start3A_49 = arith.constant 0 : i32
      %dma_start3A_50 = tpu.memref_slice %run_scoped3A[%rem3A_38, %dma_start3A_48, %dma_start3A_49] : memref<2x1x256xi32, #tpu.memory_space<vmem>> -> memref<1x1x256xi32, #tpu.memory_space<vmem>>
      %dma_start3A_51 = tpu.memref_squeeze %dma_start3A_50 : memref<1x1x256xi32, #tpu.memory_space<vmem>> -> memref<1x256xi32, #tpu.memory_space<vmem>>
      %dma_start3A_52 = arith.constant 0 : i32
      %dma_start3A_53 = tpu.memref_slice %arg3[%dma_start3A_52, %mul3A_40] : memref<1x16384xi32, #tpu.memory_space<hbm>> -> memref<1x256xi32, #tpu.memory_space<hbm>>
      tpu.enqueue_dma source(%dma_start3A_53 : memref<1x256xi32, #tpu.memory_space<hbm>>) target(%dma_start3A_51 : memref<1x256xi32, #tpu.memory_space<vmem>>) target_semaphore(%dma_start3A_47 : memref<!tpu.dma_semaphore, #tpu.memory_space<semaphore_mem>>)
      %add3A_54 = arith.constant 0 : i32
      %add3A_55 = arith.constant 1 : i32
      %add3A_56 = arith.addi %add3A_54, %add3A_55 : i32
      %select_n3A_57 = arith.constant true
      %select_n3A_58 = arith.constant 0 : i32
      %select_n3A_59 = arith.select %select_n3A_57, %add3A_56, %select_n3A_58 : i32
      "tpu.trace_stop"() : () -> ()
      %scan3A = arith.constant 0 : i32
      %scan3A_60 = arith.constant 0 : i32
      %scan3A_61 = arith.constant 0 : i32
      %scan3A_62 = arith.constant 0 : i32
      %scan3A_63 = arith.constant 0 : i32
      %scan3A_64 = arith.constant 2 : i32
      %scan3A_65 = arith.addi %scan3A_63, %scan3A_64 : i32
      %scan3A_66 = arith.constant 1 : i32
      %scan3A_67:5 = scf.for %scan3A_121 = %scan3A_63 to %scan3A_65 step %scan3A_66 iter_args(%scan3A_122 = %select_n3A_59, %scan3A_123 = %scan3A, %scan3A_124 = %scan3A_60, %scan3A_125 = %scan3A_61, %scan3A_126 = %scan3A_62) -> (i32, i32, i32, i32, i32)  : i32 {
        %eq3A_127 = arith.constant 0 : i32
        %eq3A_128 = arith.cmpi eq, %scan3A_121, %eq3A_127 : i32
        %eq3A_129 = arith.constant 1 : i32
        %eq3A_130 = arith.cmpi eq, %scan3A_121, %eq3A_129 : i32
        %add3A_131 = arith.addi %scan3A_126, %mul3A_6 : i32
        %sub3A_132 = arith.constant 1 : i32
        %sub3A_133 = arith.subi %scan3A_126, %sub3A_132 : i32
        %select_n3A_134 = arith.constant true
        %select_n3A_135 = arith.select %select_n3A_134, %sub3A_133, %scan3A_126 : i32
        %eq3A_136 = arith.constant -1 : i32
        %eq3A_137 = arith.cmpi eq, %select_n3A_135, %eq3A_136 : i32
        %select_n3A_138 = arith.constant 1 : i32
        %select_n3A_139 = arith.select %eq3A_137, %select_n3A_138, %select_n3A_135 : i32
        %add3A_140 = arith.addi %select_n3A_139, %mul3A_6 : i32
        %add3A_141 = arith.constant 1 : i32
        %add3A_142 = arith.addi %scan3A_126, %add3A_141 : i32
        %select_n3A_143 = arith.constant true
        %select_n3A_144 = arith.select %select_n3A_143, %add3A_142, %scan3A_126 : i32
        %eq3A_145 = arith.constant 2 : i32
        %eq3A_146 = arith.cmpi eq, %select_n3A_144, %eq3A_145 : i32
        %select_n3A_147 = arith.constant 0 : i32
        %select_n3A_148 = arith.select %eq3A_146, %select_n3A_147, %select_n3A_144 : i32
        %add3A_149 = arith.addi %select_n3A_148, %mul3A_6 : i32
        %add3A_150 = arith.constant 1 : i32
        %add3A_151 = arith.addi %select_n3A_148, %add3A_150 : i32
        %select_n3A_152 = arith.constant true
        %select_n3A_153 = arith.select %select_n3A_152, %add3A_151, %select_n3A_148 : i32
        %eq3A_154 = arith.constant 2 : i32
        %eq3A_155 = arith.cmpi eq, %select_n3A_153, %eq3A_154 : i32
        %select_n3A_156 = arith.constant 0 : i32
        %select_n3A_157 = arith.select %eq3A_155, %select_n3A_156, %select_n3A_153 : i32
        %add3A_158 = arith.addi %select_n3A_157, %mul3A_6 : i32
        %ne3A = arith.cmpi ne, %add3A_131, %add3A_149 : i32
        %or3A = arith.constant false
        %or3A_159 = arith.ori %or3A, %ne3A : i1
        %ge3A = arith.constant 1 : i32
        %ge3A_160 = arith.cmpi sge, %scan3A_121, %ge3A : i32
        %not3A = arith.constant true
        %not3A_161 = arith.xori %ge3A_160, %not3A : i1
        %and3A = arith.andi %or3A_159, %not3A_161 : i1
        %convert_element_type3A = arith.extui %and3A : i1 to i32
        %cond3A = arith.constant 0 : i32
        %cond3A_162 = arith.cmpi ne, %convert_element_type3A, %cond3A : i32
        scf.if %cond3A_162 {
          "tpu.trace_start"() <{level = 10 : i32, message = "ep_copy_in"}> : () -> ()
          %rem3A_264 = arith.constant 2 : i32
          %rem3A_265 = arith.remui %scan3A_122, %rem3A_264 : i32
          %mul3A_266 = arith.constant 256 : i32
          %mul3A_267 = arith.muli %mul3A_266, %add3A_149 : i32
          %dma_start3A_268 = arith.constant 0 : i32
          %dma_start3A_269 = arith.constant 0 : i32
          %dma_start3A_270 = tpu.memref_slice %run_scoped3A[%rem3A_265, %dma_start3A_268, %dma_start3A_269] : memref<2x1x256xi32, #tpu.memory_space<vmem>> -> memref<1x1x256xi32, #tpu.memory_space<vmem>>
          %dma_start3A_271 = tpu.memref_squeeze %dma_start3A_270 : memref<1x1x256xi32, #tpu.memory_space<vmem>> -> memref<1x256xi32, #tpu.memory_space<vmem>>
          %dma_start3A_272 = arith.constant 0 : i32
          %dma_start3A_273 = tpu.memref_slice %arg3[%dma_start3A_272, %mul3A_267] : memref<1x16384xi32, #tpu.memory_space<hbm>> -> memref<1x256xi32, #tpu.memory_space<hbm>>
          %dma_start3A_274 = tpu.memref_slice %run_scoped3A_7[%rem3A_265] : memref<2x!tpu.dma_semaphore, #tpu.memory_space<semaphore_mem>> -> memref<1x!tpu.dma_semaphore, #tpu.memory_space<semaphore_mem>>
          %dma_start3A_275 = tpu.memref_squeeze %dma_start3A_274 : memref<1x!tpu.dma_semaphore, #tpu.memory_space<semaphore_mem>> -> memref<!tpu.dma_semaphore, #tpu.memory_space<semaphore_mem>>
          %dma_start3A_276 = arith.constant 0 : i32
          %dma_start3A_277 = arith.constant 0 : i32
          %dma_start3A_278 = tpu.memref_slice %run_scoped3A[%rem3A_265, %dma_start3A_276, %dma_start3A_277] : memref<2x1x256xi32, #tpu.memory_space<vmem>> -> memref<1x1x256xi32, #tpu.memory_space<vmem>>
          %dma_start3A_279 = tpu.memref_squeeze %dma_start3A_278 : memref<1x1x256xi32, #tpu.memory_space<vmem>> -> memref<1x256xi32, #tpu.memory_space<vmem>>
          %dma_start3A_280 = arith.constant 0 : i32
          %dma_start3A_281 = tpu.memref_slice %arg3[%dma_start3A_280, %mul3A_267] : memref<1x16384xi32, #tpu.memory_space<hbm>> -> memref<1x256xi32, #tpu.memory_space<hbm>>
          tpu.enqueue_dma source(%dma_start3A_281 : memref<1x256xi32, #tpu.memory_space<hbm>>) target(%dma_start3A_279 : memref<1x256xi32, #tpu.memory_space<vmem>>) target_semaphore(%dma_start3A_275 : memref<!tpu.dma_semaphore, #tpu.memory_space<semaphore_mem>>)
          "tpu.trace_stop"() : () -> ()
        } else {
        }
        %and3A_163 = arith.constant true
        %and3A_164 = arith.andi %and3A, %and3A_163 : i1
        %add3A_165 = arith.constant 1 : i32
        %add3A_166 = arith.addi %scan3A_122, %add3A_165 : i32
        %select_n3A_167 = arith.select %and3A_164, %add3A_166, %scan3A_122 : i32
        %ne3A_168 = arith.cmpi ne, %add3A_131, %add3A_149 : i32
        %or3A_169 = arith.constant false
        %or3A_170 = arith.ori %or3A_169, %ne3A_168 : i1
        %or3A_171 = arith.constant false
        %or3A_172 = arith.ori %or3A_170, %or3A_171 : i1
        %ge3A_173 = arith.constant 1 : i32
        %ge3A_174 = arith.cmpi sge, %scan3A_121, %ge3A_173 : i32
        %not3A_175 = arith.constant true
        %not3A_176 = arith.xori %ge3A_174, %not3A_175 : i1
        %and3A_177 = arith.andi %or3A_172, %not3A_176 : i1
        %ne3A_178 = arith.cmpi ne, %add3A_131, %add3A_140 : i32
        %or3A_179 = arith.constant false
        %or3A_180 = arith.ori %or3A_179, %ne3A_178 : i1
        %or3A_181 = arith.ori %or3A_180, %eq3A_128 : i1
        %convert_element_type3A_182 = arith.extui %or3A_181 : i1 to i32
        %cond3A_183 = arith.constant 0 : i32
        %cond3A_184 = arith.cmpi ne, %convert_element_type3A_182, %cond3A_183 : i32
        scf.if %cond3A_184 {
          "tpu.trace_start"() <{level = 10 : i32, message = "ep_wait_in"}> : () -> ()
          %mul3A_264 = arith.constant 256 : i32
          %mul3A_265 = arith.muli %mul3A_264, %add3A_131 : i32
          %rem3A_266 = arith.constant 2 : i32
          %rem3A_267 = arith.remui %scan3A_123, %rem3A_266 : i32
          %dma_wait3A_268 = arith.constant 0 : i32
          %dma_wait3A_269 = arith.constant 0 : i32
          %dma_wait3A_270 = tpu.memref_slice %run_scoped3A[%rem3A_267, %dma_wait3A_268, %dma_wait3A_269] : memref<2x1x256xi32, #tpu.memory_space<vmem>> -> memref<1x1x256xi32, #tpu.memory_space<vmem>>
          %dma_wait3A_271 = tpu.memref_squeeze %dma_wait3A_270 : memref<1x1x256xi32, #tpu.memory_space<vmem>> -> memref<1x256xi32, #tpu.memory_space<vmem>>
          %dma_wait3A_272 = arith.constant 0 : i32
          %dma_wait3A_273 = tpu.memref_slice %arg3[%dma_wait3A_272, %mul3A_265] : memref<1x16384xi32, #tpu.memory_space<hbm>> -> memref<1x256xi32, #tpu.memory_space<hbm>>
          %dma_wait3A_274 = tpu.memref_slice %run_scoped3A_7[%rem3A_267] : memref<2x!tpu.dma_semaphore, #tpu.memory_space<semaphore_mem>> -> memref<1x!tpu.dma_semaphore, #tpu.memory_space<semaphore_mem>>
          %dma_wait3A_275 = tpu.memref_squeeze %dma_wait3A_274 : memref<1x!tpu.dma_semaphore, #tpu.memory_space<semaphore_mem>> -> memref<!tpu.dma_semaphore, #tpu.memory_space<semaphore_mem>>
          %dma_wait3A_276 = arith.constant 0 : i32
          %dma_wait3A_277 = arith.constant 0 : i32
          %dma_wait3A_278 = tpu.memref_slice %run_scoped3A[%rem3A_267, %dma_wait3A_276, %dma_wait3A_277] : memref<2x1x256xi32, #tpu.memory_space<vmem>> -> memref<1x1x256xi32, #tpu.memory_space<vmem>>
          %dma_wait3A_279 = tpu.memref_squeeze %dma_wait3A_278 : memref<1x1x256xi32, #tpu.memory_space<vmem>> -> memref<1x256xi32, #tpu.memory_space<vmem>>
          %dma_wait3A_280 = arith.constant 0 : i32
          %dma_wait3A_281 = tpu.memref_slice %arg3[%dma_wait3A_280, %mul3A_265] : memref<1x16384xi32, #tpu.memory_space<hbm>> -> memref<1x256xi32, #tpu.memory_space<hbm>>
          tpu.wait_dma2 semaphore(%dma_wait3A_275 : memref<!tpu.dma_semaphore, #tpu.memory_space<semaphore_mem>>) src(%dma_wait3A_281 : memref<1x256xi32, #tpu.memory_space<hbm>>) dst(%dma_wait3A_279 : memref<1x256xi32, #tpu.memory_space<vmem>>)
          "tpu.trace_stop"() : () -> ()
        } else {
        }
        %ne3A_185 = arith.cmpi ne, %add3A_131, %add3A_140 : i32
        %or3A_186 = arith.constant false
        %or3A_187 = arith.ori %or3A_186, %ne3A_185 : i1
        %or3A_188 = arith.constant false
        %or3A_189 = arith.ori %or3A_187, %or3A_188 : i1
        %or3A_190 = arith.ori %or3A_189, %eq3A_128 : i1
        %convert_element_type3A_191 = arith.extui %or3A_190 : i1 to i32
        %cond3A_192 = arith.constant 0 : i32
        %cond3A_193 = arith.cmpi ne, %convert_element_type3A_191, %cond3A_192 : i32
        scf.if %cond3A_193 {
        } else {
        }
        %rem3A_194 = arith.constant 2 : i32
        %rem3A_195 = arith.remui %scan3A_123, %rem3A_194 : i32
        %rem3A_196 = arith.constant 2 : i32
        %rem3A_197 = arith.remui %scan3A_124, %rem3A_196 : i32
        %run_scoped3A_198 = arith.constant 0 : i32
        "tpu.trace_start"() <{level = 10 : i32, message = "ep_run_kernel"}> : () -> ()
        "tpu.region"() ({
          %run_scoped3A_264 = tpu.sem_alloc : memref<!tpu.dma_semaphore, #tpu.memory_space<semaphore_mem>>
          %dma_start3A_265 = arith.constant 0 : i32
          %dma_start3A_266 = arith.constant 0 : i32
          %dma_start3A_267 = tpu.memref_slice %run_scoped3A_8[%rem3A_197, %dma_start3A_265, %dma_start3A_266] : memref<2x256x128xf32, #tpu.memory_space<vmem>> -> memref<1x256x128xf32, #tpu.memory_space<vmem>>
          %dma_start3A_268 = tpu.memref_squeeze %dma_start3A_267 : memref<1x256x128xf32, #tpu.memory_space<vmem>> -> memref<256x128xf32, #tpu.memory_space<vmem>>
          %dma_start3A_269 = arith.constant 0 : i32
          %dma_start3A_270 = arith.constant 0 : i32
          %dma_start3A_271 = tpu.memref_slice %run_scoped3A[%rem3A_195, %dma_start3A_269, %dma_start3A_270] : memref<2x1x256xi32, #tpu.memory_space<vmem>> -> memref<1x1x256xi32, #tpu.memory_space<vmem>>
          %dma_start3A_272 = tpu.memref_squeeze %dma_start3A_271 : memref<1x1x256xi32, #tpu.memory_space<vmem>> -> memref<1x256xi32, #tpu.memory_space<vmem>>
          %dma_start3A_273 = arith.constant 0 : i32
          %dma_start3A_274 = tpu.memref_slice %dma_start3A_272[%run_scoped3A_198, %dma_start3A_273] : memref<1x256xi32, #tpu.memory_space<vmem>> -> memref<1x256xi32, #tpu.memory_space<vmem>>
          %dma_start3A_275 = tpu.memref_squeeze %dma_start3A_274 : memref<1x256xi32, #tpu.memory_space<vmem>> -> memref<256xi32, #tpu.memory_space<vmem>>
          %dma_start3A_276 = arith.constant 0 : i32
          %dma_start3A_277 = arith.constant 0 : i32
          %dma_start3A_278 = tpu.memref_slice %arg2[%dma_start3A_276, %dma_start3A_277] : memref<8192x128xf32, #tpu.memory_space<hbm>> -> memref<8192x128xf32, #tpu.memory_space<hbm>>
          tpu.enqueue_indirect_dma source(%dma_start3A_278 : memref<8192x128xf32, #tpu.memory_space<hbm>>) target(%dma_start3A_268 : memref<256x128xf32, #tpu.memory_space<vmem>>) offsets(%dma_start3A_275 : memref<256xi32, #tpu.memory_space<vmem>>) semaphore(%run_scoped3A_264 : memref<!tpu.dma_semaphore, #tpu.memory_space<semaphore_mem>>)
          %dma_wait3A_279 = arith.constant 0 : i32
          %dma_wait3A_280 = arith.constant 0 : i32
          %dma_wait3A_281 = tpu.memref_slice %run_scoped3A_8[%rem3A_197, %dma_wait3A_279, %dma_wait3A_280] : memref<2x256x128xf32, #tpu.memory_space<vmem>> -> memref<1x256x128xf32, #tpu.memory_space<vmem>>
          %dma_wait3A_282 = tpu.memref_squeeze %dma_wait3A_281 : memref<1x256x128xf32, #tpu.memory_space<vmem>> -> memref<256x128xf32, #tpu.memory_space<vmem>>
          %dma_wait3A_283 = arith.constant 0 : i32
          %dma_wait3A_284 = arith.constant 0 : i32
          %dma_wait3A_285 = tpu.memref_slice %run_scoped3A[%rem3A_195, %dma_wait3A_283, %dma_wait3A_284] : memref<2x1x256xi32, #tpu.memory_space<vmem>> -> memref<1x1x256xi32, #tpu.memory_space<vmem>>
          %dma_wait3A_286 = tpu.memref_squeeze %dma_wait3A_285 : memref<1x1x256xi32, #tpu.memory_space<vmem>> -> memref<1x256xi32, #tpu.memory_space<vmem>>
          %dma_wait3A_287 = arith.constant 0 : i32
          %dma_wait3A_288 = tpu.memref_slice %dma_wait3A_286[%run_scoped3A_198, %dma_wait3A_287] : memref<1x256xi32, #tpu.memory_space<vmem>> -> memref<1x256xi32, #tpu.memory_space<vmem>>
          %dma_wait3A_289 = tpu.memref_squeeze %dma_wait3A_288 : memref<1x256xi32, #tpu.memory_space<vmem>> -> memref<256xi32, #tpu.memory_space<vmem>>
          %dma_wait3A_290 = arith.constant 0 : i32
          %dma_wait3A_291 = arith.constant 0 : i32
          %dma_wait3A_292 = tpu.memref_slice %arg2[%dma_wait3A_290, %dma_wait3A_291] : memref<8192x128xf32, #tpu.memory_space<hbm>> -> memref<8192x128xf32, #tpu.memory_space<hbm>>
          tpu.wait_indirect_dma semaphore(%run_scoped3A_264 : memref<!tpu.dma_semaphore, #tpu.memory_space<semaphore_mem>>) src(%dma_wait3A_292 : memref<8192x128xf32, #tpu.memory_space<hbm>>) dst(%dma_wait3A_282 : memref<256x128xf32, #tpu.memory_space<vmem>>)
          tpu.yield
        }) : () -> ()
        "tpu.trace_stop"() : () -> ()
        %ne3A_199 = arith.cmpi ne, %add3A_131, %add3A_149 : i32
        %or3A_200 = arith.constant false
        %or3A_201 = arith.ori %or3A_200, %ne3A_199 : i1
        %or3A_202 = arith.ori %or3A_201, %eq3A_130 : i1
        %convert_element_type3A_203 = arith.extui %or3A_202 : i1 to i32
        %cond3A_204 = arith.constant 0 : i32
        %cond3A_205 = arith.cmpi ne, %convert_element_type3A_203, %cond3A_204 : i32
        scf.if %cond3A_205 {
        } else {
        }
        %and3A_206 = arith.constant false
        %and3A_207 = arith.andi %or3A_202, %and3A_206 : i1
        %ne3A_208 = arith.cmpi ne, %add3A_131, %add3A_149 : i32
        %or3A_209 = arith.constant false
        %or3A_210 = arith.ori %or3A_209, %ne3A_208 : i1
        %or3A_211 = arith.constant false
        %or3A_212 = arith.ori %or3A_210, %or3A_211 : i1
        %or3A_213 = arith.ori %or3A_212, %eq3A_130 : i1
        %convert_element_type3A_214 = arith.extui %or3A_213 : i1 to i32
        %cond3A_215 = arith.constant 0 : i32
        %cond3A_216 = arith.cmpi ne, %convert_element_type3A_214, %cond3A_215 : i32
        scf.if %cond3A_216 {
          "tpu.trace_start"() <{level = 10 : i32, message = "ep_copy_out"}> : () -> ()
          %rem3A_264 = arith.constant 2 : i32
          %rem3A_265 = arith.remui %scan3A_124, %rem3A_264 : i32
          %mul3A_266 = arith.constant 256 : i32
          %mul3A_267 = arith.muli %mul3A_266, %add3A_131 : i32
          %dma_start3A_268 = arith.constant 0 : i32
          %dma_start3A_269 = arith.constant 0 : i32
          %dma_start3A_270 = tpu.memref_slice %run_scoped3A_8[%rem3A_265, %dma_start3A_268, %dma_start3A_269] : memref<2x256x128xf32, #tpu.memory_space<vmem>> -> memref<1x256x128xf32, #tpu.memory_space<vmem>>
          %dma_start3A_271 = tpu.memref_squeeze %dma_start3A_270 : memref<1x256x128xf32, #tpu.memory_space<vmem>> -> memref<256x128xf32, #tpu.memory_space<vmem>>
          %dma_start3A_272 = arith.constant 0 : i32
          %dma_start3A_273 = tpu.memref_slice %arg4[%mul3A_267, %dma_start3A_272] : memref<16384x128xf32, #tpu.memory_space<hbm>> -> memref<256x128xf32, #tpu.memory_space<hbm>>
          %dma_start3A_274 = tpu.memref_slice %run_scoped3A_9[%rem3A_265] : memref<2x!tpu.dma_semaphore, #tpu.memory_space<semaphore_mem>> -> memref<1x!tpu.dma_semaphore, #tpu.memory_space<semaphore_mem>>
          %dma_start3A_275 = tpu.memref_squeeze %dma_start3A_274 : memref<1x!tpu.dma_semaphore, #tpu.memory_space<semaphore_mem>> -> memref<!tpu.dma_semaphore, #tpu.memory_space<semaphore_mem>>
          %dma_start3A_276 = arith.constant 0 : i32
          %dma_start3A_277 = tpu.memref_slice %arg4[%mul3A_267, %dma_start3A_276] : memref<16384x128xf32, #tpu.memory_space<hbm>> -> memref<256x128xf32, #tpu.memory_space<hbm>>
          %dma_start3A_278 = arith.constant 0 : i32
          %dma_start3A_279 = arith.constant 0 : i32
          %dma_start3A_280 = tpu.memref_slice %run_scoped3A_8[%rem3A_265, %dma_start3A_278, %dma_start3A_279] : memref<2x256x128xf32, #tpu.memory_space<vmem>> -> memref<1x256x128xf32, #tpu.memory_space<vmem>>
          %dma_start3A_281 = tpu.memref_squeeze %dma_start3A_280 : memref<1x256x128xf32, #tpu.memory_space<vmem>> -> memref<256x128xf32, #tpu.memory_space<vmem>>
          tpu.enqueue_dma source(%dma_start3A_281 : memref<256x128xf32, #tpu.memory_space<vmem>>) target(%dma_start3A_277 : memref<256x128xf32, #tpu.memory_space<hbm>>) target_semaphore(%dma_start3A_275 : memref<!tpu.dma_semaphore, #tpu.memory_space<semaphore_mem>>)
          "tpu.trace_stop"() : () -> ()
        } else {
        }
        %and3A_217 = arith.constant true
        %and3A_218 = arith.andi %or3A_213, %and3A_217 : i1
        %add3A_219 = arith.constant 1 : i32
        %add3A_220 = arith.addi %scan3A_124, %add3A_219 : i32
        %select_n3A_221 = arith.select %and3A_218, %add3A_220, %scan3A_124 : i32
        %ne3A_222 = arith.cmpi ne, %add3A_131, %add3A_140 : i32
        %or3A_223 = arith.constant false
        %or3A_224 = arith.ori %or3A_223, %ne3A_222 : i1
        %not3A_225 = arith.constant true
        %not3A_226 = arith.xori %eq3A_128, %not3A_225 : i1
        %and3A_227 = arith.andi %or3A_224, %not3A_226 : i1
        %convert_element_type3A_228 = arith.extui %and3A_227 : i1 to i32
        %cond3A_229 = arith.constant 0 : i32
        %cond3A_230 = arith.cmpi ne, %convert_element_type3A_228, %cond3A_229 : i32
        scf.if %cond3A_230 {
        } else {
        }
        %and3A_231 = arith.constant false
        %and3A_232 = arith.andi %and3A_227, %and3A_231 : i1
        %ne3A_233 = arith.cmpi ne, %add3A_131, %add3A_140 : i32
        %or3A_234 = arith.constant false
        %or3A_235 = arith.ori %or3A_234, %ne3A_233 : i1
        %or3A_236 = arith.constant false
        %or3A_237 = arith.ori %or3A_235, %or3A_236 : i1
        %not3A_238 = arith.constant true
        %not3A_239 = arith.xori %eq3A_128, %not3A_238 : i1
        %and3A_240 = arith.andi %or3A_237, %not3A_239 : i1
        %convert_element_type3A_241 = arith.extui %and3A_240 : i1 to i32
        %cond3A_242 = arith.constant 0 : i32
        %cond3A_243 = arith.cmpi ne, %convert_element_type3A_241, %cond3A_242 : i32
        scf.if %cond3A_243 {
          "tpu.trace_start"() <{level = 10 : i32, message = "ep_wait_out"}> : () -> ()
          %rem3A_264 = arith.constant 2 : i32
          %rem3A_265 = arith.remui %scan3A_125, %rem3A_264 : i32
          %mul3A_266 = arith.constant 256 : i32
          %mul3A_267 = arith.muli %mul3A_266, %add3A_140 : i32
          %dma_wait3A_268 = arith.constant 0 : i32
          %dma_wait3A_269 = arith.constant 0 : i32
          %dma_wait3A_270 = tpu.memref_slice %run_scoped3A_8[%rem3A_265, %dma_wait3A_268, %dma_wait3A_269] : memref<2x256x128xf32, #tpu.memory_space<vmem>> -> memref<1x256x128xf32, #tpu.memory_space<vmem>>
          %dma_wait3A_271 = tpu.memref_squeeze %dma_wait3A_270 : memref<1x256x128xf32, #tpu.memory_space<vmem>> -> memref<256x128xf32, #tpu.memory_space<vmem>>
          %dma_wait3A_272 = arith.constant 0 : i32
          %dma_wait3A_273 = tpu.memref_slice %arg4[%mul3A_267, %dma_wait3A_272] : memref<16384x128xf32, #tpu.memory_space<hbm>> -> memref<256x128xf32, #tpu.memory_space<hbm>>
          %dma_wait3A_274 = tpu.memref_slice %run_scoped3A_9[%rem3A_265] : memref<2x!tpu.dma_semaphore, #tpu.memory_space<semaphore_mem>> -> memref<1x!tpu.dma_semaphore, #tpu.memory_space<semaphore_mem>>
          %dma_wait3A_275 = tpu.memref_squeeze %dma_wait3A_274 : memref<1x!tpu.dma_semaphore, #tpu.memory_space<semaphore_mem>> -> memref<!tpu.dma_semaphore, #tpu.memory_space<semaphore_mem>>
          %dma_wait3A_276 = arith.constant 0 : i32
          %dma_wait3A_277 = tpu.memref_slice %arg4[%mul3A_267, %dma_wait3A_276] : memref<16384x128xf32, #tpu.memory_space<hbm>> -> memref<256x128xf32, #tpu.memory_space<hbm>>
          %dma_wait3A_278 = arith.constant 0 : i32
          %dma_wait3A_279 = arith.constant 0 : i32
          %dma_wait3A_280 = tpu.memref_slice %run_scoped3A_8[%rem3A_265, %dma_wait3A_278, %dma_wait3A_279] : memref<2x256x128xf32, #tpu.memory_space<vmem>> -> memref<1x256x128xf32, #tpu.memory_space<vmem>>
          %dma_wait3A_281 = tpu.memref_squeeze %dma_wait3A_280 : memref<1x256x128xf32, #tpu.memory_space<vmem>> -> memref<256x128xf32, #tpu.memory_space<vmem>>
          tpu.wait_dma2 semaphore(%dma_wait3A_275 : memref<!tpu.dma_semaphore, #tpu.memory_space<semaphore_mem>>) src(%dma_wait3A_281 : memref<256x128xf32, #tpu.memory_space<vmem>>) dst(%dma_wait3A_277 : memref<256x128xf32, #tpu.memory_space<hbm>>)
          "tpu.trace_stop"() : () -> ()
        } else {
        }
        %and3A_244 = arith.constant true
        %and3A_245 = arith.andi %and3A_240, %and3A_244 : i1
        %add3A_246 = arith.constant 1 : i32
        %add3A_247 = arith.addi %scan3A_125, %add3A_246 : i32
        %select_n3A_248 = arith.select %and3A_245, %add3A_247, %scan3A_125 : i32
        %ne3A_249 = arith.cmpi ne, %add3A_131, %add3A_149 : i32
        %or3A_250 = arith.constant false
        %or3A_251 = arith.ori %or3A_250, %ne3A_249 : i1
        %or3A_252 = arith.ori %or3A_251, %eq3A_130 : i1
        %add3A_253 = arith.constant 1 : i32
        %add3A_254 = arith.addi %scan3A_123, %add3A_253 : i32
        %select_n3A_255 = arith.select %or3A_252, %add3A_254, %scan3A_123 : i32
        %add3A_256 = arith.constant 1 : i32
        %add3A_257 = arith.addi %scan3A_126, %add3A_256 : i32
        %select_n3A_258 = arith.constant true
        %select_n3A_259 = arith.select %select_n3A_258, %add3A_257, %scan3A_126 : i32
        %eq3A_260 = arith.constant 2 : i32
        %eq3A_261 = arith.cmpi eq, %select_n3A_259, %eq3A_260 : i32
        %select_n3A_262 = arith.constant 0 : i32
        %select_n3A_263 = arith.select %eq3A_261, %select_n3A_262, %select_n3A_259 : i32
        scf.yield %select_n3A_167, %select_n3A_255, %select_n3A_221, %select_n3A_248, %select_n3A_263 : i32, i32, i32, i32, i32
      }
      %scan3A_68 = arith.constant 2 : i32
      %sub3A = arith.constant 1 : i32
      %sub3A_69 = arith.subi %scan3A_67#4, %sub3A : i32
      %select_n3A_70 = arith.constant true
      %select_n3A_71 = arith.select %select_n3A_70, %sub3A_69, %scan3A_67#4 : i32
      %eq3A_72 = arith.constant -1 : i32
      %eq3A_73 = arith.cmpi eq, %select_n3A_71, %eq3A_72 : i32
      %select_n3A_74 = arith.constant 1 : i32
      %select_n3A_75 = arith.select %eq3A_73, %select_n3A_74, %select_n3A_71 : i32
      %add3A_76 = arith.addi %select_n3A_75, %mul3A_6 : i32
      %sub3A_77 = arith.constant 1 : i32
      %sub3A_78 = arith.subi %select_n3A_75, %sub3A_77 : i32
      %select_n3A_79 = arith.constant true
      %select_n3A_80 = arith.select %select_n3A_79, %sub3A_78, %select_n3A_75 : i32
      %eq3A_81 = arith.constant -1 : i32
      %eq3A_82 = arith.cmpi eq, %select_n3A_80, %eq3A_81 : i32
      %select_n3A_83 = arith.constant 1 : i32
      %select_n3A_84 = arith.select %eq3A_82, %select_n3A_83, %select_n3A_80 : i32
      %add3A_85 = arith.addi %select_n3A_84, %mul3A_6 : i32
      %add3A_86 = arith.constant 1 : i32
      %add3A_87 = arith.addi %select_n3A_75, %add3A_86 : i32
      %select_n3A_88 = arith.constant true
      %select_n3A_89 = arith.select %select_n3A_88, %add3A_87, %select_n3A_75 : i32
      %eq3A_90 = arith.constant 2 : i32
      %eq3A_91 = arith.cmpi eq, %select_n3A_89, %eq3A_90 : i32
      %select_n3A_92 = arith.constant 0 : i32
      %select_n3A_93 = arith.select %eq3A_91, %select_n3A_92, %select_n3A_89 : i32
      %add3A_94 = arith.addi %select_n3A_93, %mul3A_6 : i32
      %add3A_95 = arith.constant 1 : i32
      %add3A_96 = arith.addi %select_n3A_93, %add3A_95 : i32
      %select_n3A_97 = arith.constant true
      %select_n3A_98 = arith.select %select_n3A_97, %add3A_96, %select_n3A_93 : i32
      %eq3A_99 = arith.constant 2 : i32
      %eq3A_100 = arith.cmpi eq, %select_n3A_98, %eq3A_99 : i32
      %select_n3A_101 = arith.constant 0 : i32
      %select_n3A_102 = arith.select %eq3A_100, %select_n3A_101, %select_n3A_98 : i32
      %add3A_103 = arith.addi %select_n3A_102, %mul3A_6 : i32
      "tpu.trace_start"() <{level = 10 : i32, message = "ep_finalize"}> : () -> ()
      %rem3A_104 = arith.constant 2 : i32
      %rem3A_105 = arith.remui %scan3A_67#3, %rem3A_104 : i32
      %mul3A_106 = arith.constant 256 : i32
      %mul3A_107 = arith.muli %mul3A_106, %add3A_76 : i32
      %dma_wait3A = arith.constant 0 : i32
      %dma_wait3A_108 = arith.constant 0 : i32
      %dma_wait3A_109 = tpu.memref_slice %run_scoped3A_8[%rem3A_105, %dma_wait3A, %dma_wait3A_108] : memref<2x256x128xf32, #tpu.memory_space<vmem>> -> memref<1x256x128xf32, #tpu.memory_space<vmem>>
      %dma_wait3A_110 = tpu.memref_squeeze %dma_wait3A_109 : memref<1x256x128xf32, #tpu.memory_space<vmem>> -> memref<256x128xf32, #tpu.memory_space<vmem>>
      %dma_wait3A_111 = arith.constant 0 : i32
      %dma_wait3A_112 = tpu.memref_slice %arg4[%mul3A_107, %dma_wait3A_111] : memref<16384x128xf32, #tpu.memory_space<hbm>> -> memref<256x128xf32, #tpu.memory_space<hbm>>
      %dma_wait3A_113 = tpu.memref_slice %run_scoped3A_9[%rem3A_105] : memref<2x!tpu.dma_semaphore, #tpu.memory_space<semaphore_mem>> -> memref<1x!tpu.dma_semaphore, #tpu.memory_space<semaphore_mem>>
      %dma_wait3A_114 = tpu.memref_squeeze %dma_wait3A_113 : memref<1x!tpu.dma_semaphore, #tpu.memory_space<semaphore_mem>> -> memref<!tpu.dma_semaphore, #tpu.memory_space<semaphore_mem>>
      %dma_wait3A_115 = arith.constant 0 : i32
      %dma_wait3A_116 = tpu.memref_slice %arg4[%mul3A_107, %dma_wait3A_115] : memref<16384x128xf32, #tpu.memory_space<hbm>> -> memref<256x128xf32, #tpu.memory_space<hbm>>
      %dma_wait3A_117 = arith.constant 0 : i32
      %dma_wait3A_118 = arith.constant 0 : i32
      %dma_wait3A_119 = tpu.memref_slice %run_scoped3A_8[%rem3A_105, %dma_wait3A_117, %dma_wait3A_118] : memref<2x256x128xf32, #tpu.memory_space<vmem>> -> memref<1x256x128xf32, #tpu.memory_space<vmem>>
      %dma_wait3A_120 = tpu.memref_squeeze %dma_wait3A_119 : memref<1x256x128xf32, #tpu.memory_space<vmem>> -> memref<256x128xf32, #tpu.memory_space<vmem>>
      tpu.wait_dma2 semaphore(%dma_wait3A_114 : memref<!tpu.dma_semaphore, #tpu.memory_space<semaphore_mem>>) src(%dma_wait3A_120 : memref<256x128xf32, #tpu.memory_space<vmem>>) dst(%dma_wait3A_116 : memref<256x128xf32, #tpu.memory_space<hbm>>)
      "tpu.trace_stop"() : () -> ()
      tpu.yield
    }) : () -> ()
    return
  }
}

module attributes {stable_mosaic.version = 14 : i64} {
  func.func @_lse_body(%arg0: i32, %arg1: memref<8192x256xf32, #tpu.memory_space<vmem>>, %arg2: memref<2048x128xf32, #tpu.memory_space<vmem>>, %arg3: memref<8192x256xbf16, #tpu.memory_space<vmem>>, %arg4: memref<8192x256xbf16, #tpu.memory_space<vmem>>, %arg5: memref<1x8192xf32, #tpu.memory_space<vmem>>, %arg6: memref<2048x1xf32, #tpu.memory_space<vmem>>) attributes {dimension_semantics = [#tpu.dimension_semantics<arbitrary>], iteration_bounds = array<i64: 4>, scalar_prefetch = 0 : i64, scratch_operands = 4 : i64, tpu.core_type = #tpu.core_type<tc>, window_params = [{pipeline_mode = #tpu.pipeline_mode<synchronous>, transform_indices = @transform_0, window_bounds = array<i64: 8192, 256>}, {transform_indices = @transform_1, window_bounds = array<i64: 2048, 128>}]} {
    %eq3A = arith.constant 0 : i32
    %eq3A_0 = arith.cmpi eq, %arg0, %eq3A : i32
    %convert_element_type3A = arith.extui %eq3A_0 : i1 to i32
    %cond3A = arith.constant 0 : i32
    %cond3A_1 = arith.cmpi ne, %convert_element_type3A, %cond3A : i32
    scf.if %cond3A_1 {
      %get3A_43 = arith.constant 0 : index
      %get3A_44 = arith.constant 0 : index
      %get3A_45 = vector.load %arg1[%get3A_43, %get3A_44] : memref<8192x256xf32, #tpu.memory_space<vmem>>, vector<1024x256xf32>
      %mul3A_46 = arith.mulf %get3A_45, %get3A_45 : vector<1024x256xf32>
      %reduce_sum3A = arith.constant dense<0.000000e+00> : vector<1024xf32>
      %reduce_sum3A_47 = vector.multi_reduction <add>, %mul3A_46, %reduce_sum3A [1] : vector<1024x256xf32> to vector<1024xf32>
      %broadcast_in_dim3A_48 = vector.shape_cast %reduce_sum3A_47 : vector<1024xf32> to vector<1024x1xf32>
      %sqrt3A = math.sqrt %broadcast_in_dim3A_48 : vector<1024x1xf32>
      %max3A = arith.constant 9.99999993E-9 : f32
      %max3A_49 = vector.broadcast %max3A : f32 to vector<1024x1xf32>
      %max3A_50 = arith.maximumf %sqrt3A, %max3A_49 : vector<1024x1xf32>
      %div3A = arith.constant 1.000000e+00 : f32
      %div3A_51 = vector.broadcast %div3A : f32 to vector<1024x1xf32>
      %div3A_52 = arith.divf %div3A_51, %max3A_50 : vector<1024x1xf32>
      %mul3A_53 = vector.broadcast %div3A_52 : vector<1024x1xf32> to vector<1024x256xf32>
      %mul3A_54 = arith.mulf %get3A_45, %mul3A_53 : vector<1024x256xf32>
      %convert_element_type3A_55 = arith.truncf %mul3A_54 : vector<1024x256xf32> to vector<1024x256xbf16>
      %swap3A_56 = arith.constant 0 : index
      %swap3A_57 = arith.constant 0 : index
      %swap3A_58 = vector.load %arg3[%swap3A_56, %swap3A_57] : memref<8192x256xbf16, #tpu.memory_space<vmem>>, vector<1024x256xbf16>
      tpu.vector_store %arg3[%swap3A_56, %swap3A_57], %convert_element_type3A_55 {strides = array<i32>} : memref<8192x256xbf16, #tpu.memory_space<vmem>>, vector<1024x256xbf16>,
      %mul3A_59 = arith.constant 14.4269505 : f32
      %mul3A_60 = vector.broadcast %mul3A_59 : f32 to vector<1024x256xf32>
      %mul3A_61 = arith.mulf %mul3A_54, %mul3A_60 : vector<1024x256xf32>
      %convert_element_type3A_62 = arith.truncf %mul3A_61 : vector<1024x256xf32> to vector<1024x256xbf16>
      %swap3A_63 = arith.constant 0 : index
      %swap3A_64 = arith.constant 0 : index
      %swap3A_65 = vector.load %arg4[%swap3A_63, %swap3A_64] : memref<8192x256xbf16, #tpu.memory_space<vmem>>, vector<1024x256xbf16>
      tpu.vector_store %arg4[%swap3A_63, %swap3A_64], %convert_element_type3A_62 {strides = array<i32>} : memref<8192x256xbf16, #tpu.memory_space<vmem>>, vector<1024x256xbf16>,
      %get3A_66 = arith.constant 1024 : index
      %get3A_67 = arith.constant 0 : index
      %get3A_68 = vector.load %arg1[%get3A_66, %get3A_67] : memref<8192x256xf32, #tpu.memory_space<vmem>>, vector<1024x256xf32>
      %mul3A_69 = arith.mulf %get3A_68, %get3A_68 : vector<1024x256xf32>
      %reduce_sum3A_70 = arith.constant dense<0.000000e+00> : vector<1024xf32>
      %reduce_sum3A_71 = vector.multi_reduction <add>, %mul3A_69, %reduce_sum3A_70 [1] : vector<1024x256xf32> to vector<1024xf32>
      %broadcast_in_dim3A_72 = vector.shape_cast %reduce_sum3A_71 : vector<1024xf32> to vector<1024x1xf32>
      %sqrt3A_73 = math.sqrt %broadcast_in_dim3A_72 : vector<1024x1xf32>
      %max3A_74 = arith.constant 9.99999993E-9 : f32
      %max3A_75 = vector.broadcast %max3A_74 : f32 to vector<1024x1xf32>
      %max3A_76 = arith.maximumf %sqrt3A_73, %max3A_75 : vector<1024x1xf32>
      %div3A_77 = arith.constant 1.000000e+00 : f32
      %div3A_78 = vector.broadcast %div3A_77 : f32 to vector<1024x1xf32>
      %div3A_79 = arith.divf %div3A_78, %max3A_76 : vector<1024x1xf32>
      %mul3A_80 = vector.broadcast %div3A_79 : vector<1024x1xf32> to vector<1024x256xf32>
      %mul3A_81 = arith.mulf %get3A_68, %mul3A_80 : vector<1024x256xf32>
      %convert_element_type3A_82 = arith.truncf %mul3A_81 : vector<1024x256xf32> to vector<1024x256xbf16>
      %swap3A_83 = arith.constant 1024 : index
      %swap3A_84 = arith.constant 0 : index
      %swap3A_85 = vector.load %arg3[%swap3A_83, %swap3A_84] : memref<8192x256xbf16, #tpu.memory_space<vmem>>, vector<1024x256xbf16>
      tpu.vector_store %arg3[%swap3A_83, %swap3A_84], %convert_element_type3A_82 {strides = array<i32>} : memref<8192x256xbf16, #tpu.memory_space<vmem>>, vector<1024x256xbf16>,
      %mul3A_86 = arith.constant 14.4269505 : f32
      %mul3A_87 = vector.broadcast %mul3A_86 : f32 to vector<1024x256xf32>
      %mul3A_88 = arith.mulf %mul3A_81, %mul3A_87 : vector<1024x256xf32>
      %convert_element_type3A_89 = arith.truncf %mul3A_88 : vector<1024x256xf32> to vector<1024x256xbf16>
      %swap3A_90 = arith.constant 1024 : index
      %swap3A_91 = arith.constant 0 : index
      %swap3A_92 = vector.load %arg4[%swap3A_90, %swap3A_91] : memref<8192x256xbf16, #tpu.memory_space<vmem>>, vector<1024x256xbf16>
      tpu.vector_store %arg4[%swap3A_90, %swap3A_91], %convert_element_type3A_89 {strides = array<i32>} : memref<8192x256xbf16, #tpu.memory_space<vmem>>, vector<1024x256xbf16>,
      %get3A_93 = arith.constant 2048 : index
      %get3A_94 = arith.constant 0 : index
      %get3A_95 = vector.load %arg1[%get3A_93, %get3A_94] : memref<8192x256xf32, #tpu.memory_space<vmem>>, vector<1024x256xf32>
      %mul3A_96 = arith.mulf %get3A_95, %get3A_95 : vector<1024x256xf32>
      %reduce_sum3A_97 = arith.constant dense<0.000000e+00> : vector<1024xf32>
      %reduce_sum3A_98 = vector.multi_reduction <add>, %mul3A_96, %reduce_sum3A_97 [1] : vector<1024x256xf32> to vector<1024xf32>
      %broadcast_in_dim3A_99 = vector.shape_cast %reduce_sum3A_98 : vector<1024xf32> to vector<1024x1xf32>
      %sqrt3A_100 = math.sqrt %broadcast_in_dim3A_99 : vector<1024x1xf32>
      %max3A_101 = arith.constant 9.99999993E-9 : f32
      %max3A_102 = vector.broadcast %max3A_101 : f32 to vector<1024x1xf32>
      %max3A_103 = arith.maximumf %sqrt3A_100, %max3A_102 : vector<1024x1xf32>
      %div3A_104 = arith.constant 1.000000e+00 : f32
      %div3A_105 = vector.broadcast %div3A_104 : f32 to vector<1024x1xf32>
      %div3A_106 = arith.divf %div3A_105, %max3A_103 : vector<1024x1xf32>
      %mul3A_107 = vector.broadcast %div3A_106 : vector<1024x1xf32> to vector<1024x256xf32>
      %mul3A_108 = arith.mulf %get3A_95, %mul3A_107 : vector<1024x256xf32>
      %convert_element_type3A_109 = arith.truncf %mul3A_108 : vector<1024x256xf32> to vector<1024x256xbf16>
      %swap3A_110 = arith.constant 2048 : index
      %swap3A_111 = arith.constant 0 : index
      %swap3A_112 = vector.load %arg3[%swap3A_110, %swap3A_111] : memref<8192x256xbf16, #tpu.memory_space<vmem>>, vector<1024x256xbf16>
      tpu.vector_store %arg3[%swap3A_110, %swap3A_111], %convert_element_type3A_109 {strides = array<i32>} : memref<8192x256xbf16, #tpu.memory_space<vmem>>, vector<1024x256xbf16>,
      %mul3A_113 = arith.constant 14.4269505 : f32
      %mul3A_114 = vector.broadcast %mul3A_113 : f32 to vector<1024x256xf32>
      %mul3A_115 = arith.mulf %mul3A_108, %mul3A_114 : vector<1024x256xf32>
      %convert_element_type3A_116 = arith.truncf %mul3A_115 : vector<1024x256xf32> to vector<1024x256xbf16>
      %swap3A_117 = arith.constant 2048 : index
      %swap3A_118 = arith.constant 0 : index
      %swap3A_119 = vector.load %arg4[%swap3A_117, %swap3A_118] : memref<8192x256xbf16, #tpu.memory_space<vmem>>, vector<1024x256xbf16>
      tpu.vector_store %arg4[%swap3A_117, %swap3A_118], %convert_element_type3A_116 {strides = array<i32>} : memref<8192x256xbf16, #tpu.memory_space<vmem>>, vector<1024x256xbf16>,
      %get3A_120 = arith.constant 3072 : index
      %get3A_121 = arith.constant 0 : index
      %get3A_122 = vector.load %arg1[%get3A_120, %get3A_121] : memref<8192x256xf32, #tpu.memory_space<vmem>>, vector<1024x256xf32>
      %mul3A_123 = arith.mulf %get3A_122, %get3A_122 : vector<1024x256xf32>
      %reduce_sum3A_124 = arith.constant dense<0.000000e+00> : vector<1024xf32>
      %reduce_sum3A_125 = vector.multi_reduction <add>, %mul3A_123, %reduce_sum3A_124 [1] : vector<1024x256xf32> to vector<1024xf32>
      %broadcast_in_dim3A_126 = vector.shape_cast %reduce_sum3A_125 : vector<1024xf32> to vector<1024x1xf32>
      %sqrt3A_127 = math.sqrt %broadcast_in_dim3A_126 : vector<1024x1xf32>
      %max3A_128 = arith.constant 9.99999993E-9 : f32
      %max3A_129 = vector.broadcast %max3A_128 : f32 to vector<1024x1xf32>
      %max3A_130 = arith.maximumf %sqrt3A_127, %max3A_129 : vector<1024x1xf32>
      %div3A_131 = arith.constant 1.000000e+00 : f32
      %div3A_132 = vector.broadcast %div3A_131 : f32 to vector<1024x1xf32>
      %div3A_133 = arith.divf %div3A_132, %max3A_130 : vector<1024x1xf32>
      %mul3A_134 = vector.broadcast %div3A_133 : vector<1024x1xf32> to vector<1024x256xf32>
      %mul3A_135 = arith.mulf %get3A_122, %mul3A_134 : vector<1024x256xf32>
      %convert_element_type3A_136 = arith.truncf %mul3A_135 : vector<1024x256xf32> to vector<1024x256xbf16>
      %swap3A_137 = arith.constant 3072 : index
      %swap3A_138 = arith.constant 0 : index
      %swap3A_139 = vector.load %arg3[%swap3A_137, %swap3A_138] : memref<8192x256xbf16, #tpu.memory_space<vmem>>, vector<1024x256xbf16>
      tpu.vector_store %arg3[%swap3A_137, %swap3A_138], %convert_element_type3A_136 {strides = array<i32>} : memref<8192x256xbf16, #tpu.memory_space<vmem>>, vector<1024x256xbf16>,
      %mul3A_140 = arith.constant 14.4269505 : f32
      %mul3A_141 = vector.broadcast %mul3A_140 : f32 to vector<1024x256xf32>
      %mul3A_142 = arith.mulf %mul3A_135, %mul3A_141 : vector<1024x256xf32>
      %convert_element_type3A_143 = arith.truncf %mul3A_142 : vector<1024x256xf32> to vector<1024x256xbf16>
      %swap3A_144 = arith.constant 3072 : index
      %swap3A_145 = arith.constant 0 : index
      %swap3A_146 = vector.load %arg4[%swap3A_144, %swap3A_145] : memref<8192x256xbf16, #tpu.memory_space<vmem>>, vector<1024x256xbf16>
      tpu.vector_store %arg4[%swap3A_144, %swap3A_145], %convert_element_type3A_143 {strides = array<i32>} : memref<8192x256xbf16, #tpu.memory_space<vmem>>, vector<1024x256xbf16>,
      %get3A_147 = arith.constant 4096 : index
      %get3A_148 = arith.constant 0 : index
      %get3A_149 = vector.load %arg1[%get3A_147, %get3A_148] : memref<8192x256xf32, #tpu.memory_space<vmem>>, vector<1024x256xf32>
      %mul3A_150 = arith.mulf %get3A_149, %get3A_149 : vector<1024x256xf32>
      %reduce_sum3A_151 = arith.constant dense<0.000000e+00> : vector<1024xf32>
      %reduce_sum3A_152 = vector.multi_reduction <add>, %mul3A_150, %reduce_sum3A_151 [1] : vector<1024x256xf32> to vector<1024xf32>
      %broadcast_in_dim3A_153 = vector.shape_cast %reduce_sum3A_152 : vector<1024xf32> to vector<1024x1xf32>
      %sqrt3A_154 = math.sqrt %broadcast_in_dim3A_153 : vector<1024x1xf32>
      %max3A_155 = arith.constant 9.99999993E-9 : f32
      %max3A_156 = vector.broadcast %max3A_155 : f32 to vector<1024x1xf32>
      %max3A_157 = arith.maximumf %sqrt3A_154, %max3A_156 : vector<1024x1xf32>
      %div3A_158 = arith.constant 1.000000e+00 : f32
      %div3A_159 = vector.broadcast %div3A_158 : f32 to vector<1024x1xf32>
      %div3A_160 = arith.divf %div3A_159, %max3A_157 : vector<1024x1xf32>
      %mul3A_161 = vector.broadcast %div3A_160 : vector<1024x1xf32> to vector<1024x256xf32>
      %mul3A_162 = arith.mulf %get3A_149, %mul3A_161 : vector<1024x256xf32>
      %convert_element_type3A_163 = arith.truncf %mul3A_162 : vector<1024x256xf32> to vector<1024x256xbf16>
      %swap3A_164 = arith.constant 4096 : index
      %swap3A_165 = arith.constant 0 : index
      %swap3A_166 = vector.load %arg3[%swap3A_164, %swap3A_165] : memref<8192x256xbf16, #tpu.memory_space<vmem>>, vector<1024x256xbf16>
      tpu.vector_store %arg3[%swap3A_164, %swap3A_165], %convert_element_type3A_163 {strides = array<i32>} : memref<8192x256xbf16, #tpu.memory_space<vmem>>, vector<1024x256xbf16>,
      %mul3A_167 = arith.constant 14.4269505 : f32
      %mul3A_168 = vector.broadcast %mul3A_167 : f32 to vector<1024x256xf32>
      %mul3A_169 = arith.mulf %mul3A_162, %mul3A_168 : vector<1024x256xf32>
      %convert_element_type3A_170 = arith.truncf %mul3A_169 : vector<1024x256xf32> to vector<1024x256xbf16>
      %swap3A_171 = arith.constant 4096 : index
      %swap3A_172 = arith.constant 0 : index
      %swap3A_173 = vector.load %arg4[%swap3A_171, %swap3A_172] : memref<8192x256xbf16, #tpu.memory_space<vmem>>, vector<1024x256xbf16>
      tpu.vector_store %arg4[%swap3A_171, %swap3A_172], %convert_element_type3A_170 {strides = array<i32>} : memref<8192x256xbf16, #tpu.memory_space<vmem>>, vector<1024x256xbf16>,
      %get3A_174 = arith.constant 5120 : index
      %get3A_175 = arith.constant 0 : index
      %get3A_176 = vector.load %arg1[%get3A_174, %get3A_175] : memref<8192x256xf32, #tpu.memory_space<vmem>>, vector<1024x256xf32>
      %mul3A_177 = arith.mulf %get3A_176, %get3A_176 : vector<1024x256xf32>
      %reduce_sum3A_178 = arith.constant dense<0.000000e+00> : vector<1024xf32>
      %reduce_sum3A_179 = vector.multi_reduction <add>, %mul3A_177, %reduce_sum3A_178 [1] : vector<1024x256xf32> to vector<1024xf32>
      %broadcast_in_dim3A_180 = vector.shape_cast %reduce_sum3A_179 : vector<1024xf32> to vector<1024x1xf32>
      %sqrt3A_181 = math.sqrt %broadcast_in_dim3A_180 : vector<1024x1xf32>
      %max3A_182 = arith.constant 9.99999993E-9 : f32
      %max3A_183 = vector.broadcast %max3A_182 : f32 to vector<1024x1xf32>
      %max3A_184 = arith.maximumf %sqrt3A_181, %max3A_183 : vector<1024x1xf32>
      %div3A_185 = arith.constant 1.000000e+00 : f32
      %div3A_186 = vector.broadcast %div3A_185 : f32 to vector<1024x1xf32>
      %div3A_187 = arith.divf %div3A_186, %max3A_184 : vector<1024x1xf32>
      %mul3A_188 = vector.broadcast %div3A_187 : vector<1024x1xf32> to vector<1024x256xf32>
      %mul3A_189 = arith.mulf %get3A_176, %mul3A_188 : vector<1024x256xf32>
      %convert_element_type3A_190 = arith.truncf %mul3A_189 : vector<1024x256xf32> to vector<1024x256xbf16>
      %swap3A_191 = arith.constant 5120 : index
      %swap3A_192 = arith.constant 0 : index
      %swap3A_193 = vector.load %arg3[%swap3A_191, %swap3A_192] : memref<8192x256xbf16, #tpu.memory_space<vmem>>, vector<1024x256xbf16>
      tpu.vector_store %arg3[%swap3A_191, %swap3A_192], %convert_element_type3A_190 {strides = array<i32>} : memref<8192x256xbf16, #tpu.memory_space<vmem>>, vector<1024x256xbf16>,
      %mul3A_194 = arith.constant 14.4269505 : f32
      %mul3A_195 = vector.broadcast %mul3A_194 : f32 to vector<1024x256xf32>
      %mul3A_196 = arith.mulf %mul3A_189, %mul3A_195 : vector<1024x256xf32>
      %convert_element_type3A_197 = arith.truncf %mul3A_196 : vector<1024x256xf32> to vector<1024x256xbf16>
      %swap3A_198 = arith.constant 5120 : index
      %swap3A_199 = arith.constant 0 : index
      %swap3A_200 = vector.load %arg4[%swap3A_198, %swap3A_199] : memref<8192x256xbf16, #tpu.memory_space<vmem>>, vector<1024x256xbf16>
      tpu.vector_store %arg4[%swap3A_198, %swap3A_199], %convert_element_type3A_197 {strides = array<i32>} : memref<8192x256xbf16, #tpu.memory_space<vmem>>, vector<1024x256xbf16>,
      %get3A_201 = arith.constant 6144 : index
      %get3A_202 = arith.constant 0 : index
      %get3A_203 = vector.load %arg1[%get3A_201, %get3A_202] : memref<8192x256xf32, #tpu.memory_space<vmem>>, vector<1024x256xf32>
      %mul3A_204 = arith.mulf %get3A_203, %get3A_203 : vector<1024x256xf32>
      %reduce_sum3A_205 = arith.constant dense<0.000000e+00> : vector<1024xf32>
      %reduce_sum3A_206 = vector.multi_reduction <add>, %mul3A_204, %reduce_sum3A_205 [1] : vector<1024x256xf32> to vector<1024xf32>
      %broadcast_in_dim3A_207 = vector.shape_cast %reduce_sum3A_206 : vector<1024xf32> to vector<1024x1xf32>
      %sqrt3A_208 = math.sqrt %broadcast_in_dim3A_207 : vector<1024x1xf32>
      %max3A_209 = arith.constant 9.99999993E-9 : f32
      %max3A_210 = vector.broadcast %max3A_209 : f32 to vector<1024x1xf32>
      %max3A_211 = arith.maximumf %sqrt3A_208, %max3A_210 : vector<1024x1xf32>
      %div3A_212 = arith.constant 1.000000e+00 : f32
      %div3A_213 = vector.broadcast %div3A_212 : f32 to vector<1024x1xf32>
      %div3A_214 = arith.divf %div3A_213, %max3A_211 : vector<1024x1xf32>
      %mul3A_215 = vector.broadcast %div3A_214 : vector<1024x1xf32> to vector<1024x256xf32>
      %mul3A_216 = arith.mulf %get3A_203, %mul3A_215 : vector<1024x256xf32>
      %convert_element_type3A_217 = arith.truncf %mul3A_216 : vector<1024x256xf32> to vector<1024x256xbf16>
      %swap3A_218 = arith.constant 6144 : index
      %swap3A_219 = arith.constant 0 : index
      %swap3A_220 = vector.load %arg3[%swap3A_218, %swap3A_219] : memref<8192x256xbf16, #tpu.memory_space<vmem>>, vector<1024x256xbf16>
      tpu.vector_store %arg3[%swap3A_218, %swap3A_219], %convert_element_type3A_217 {strides = array<i32>} : memref<8192x256xbf16, #tpu.memory_space<vmem>>, vector<1024x256xbf16>,
      %mul3A_221 = arith.constant 14.4269505 : f32
      %mul3A_222 = vector.broadcast %mul3A_221 : f32 to vector<1024x256xf32>
      %mul3A_223 = arith.mulf %mul3A_216, %mul3A_222 : vector<1024x256xf32>
      %convert_element_type3A_224 = arith.truncf %mul3A_223 : vector<1024x256xf32> to vector<1024x256xbf16>
      %swap3A_225 = arith.constant 6144 : index
      %swap3A_226 = arith.constant 0 : index
      %swap3A_227 = vector.load %arg4[%swap3A_225, %swap3A_226] : memref<8192x256xbf16, #tpu.memory_space<vmem>>, vector<1024x256xbf16>
      tpu.vector_store %arg4[%swap3A_225, %swap3A_226], %convert_element_type3A_224 {strides = array<i32>} : memref<8192x256xbf16, #tpu.memory_space<vmem>>, vector<1024x256xbf16>,
      %get3A_228 = arith.constant 7168 : index
      %get3A_229 = arith.constant 0 : index
      %get3A_230 = vector.load %arg1[%get3A_228, %get3A_229] : memref<8192x256xf32, #tpu.memory_space<vmem>>, vector<1024x256xf32>
      %mul3A_231 = arith.mulf %get3A_230, %get3A_230 : vector<1024x256xf32>
      %reduce_sum3A_232 = arith.constant dense<0.000000e+00> : vector<1024xf32>
      %reduce_sum3A_233 = vector.multi_reduction <add>, %mul3A_231, %reduce_sum3A_232 [1] : vector<1024x256xf32> to vector<1024xf32>
      %broadcast_in_dim3A_234 = vector.shape_cast %reduce_sum3A_233 : vector<1024xf32> to vector<1024x1xf32>
      %sqrt3A_235 = math.sqrt %broadcast_in_dim3A_234 : vector<1024x1xf32>
      %max3A_236 = arith.constant 9.99999993E-9 : f32
      %max3A_237 = vector.broadcast %max3A_236 : f32 to vector<1024x1xf32>
      %max3A_238 = arith.maximumf %sqrt3A_235, %max3A_237 : vector<1024x1xf32>
      %div3A_239 = arith.constant 1.000000e+00 : f32
      %div3A_240 = vector.broadcast %div3A_239 : f32 to vector<1024x1xf32>
      %div3A_241 = arith.divf %div3A_240, %max3A_238 : vector<1024x1xf32>
      %mul3A_242 = vector.broadcast %div3A_241 : vector<1024x1xf32> to vector<1024x256xf32>
      %mul3A_243 = arith.mulf %get3A_230, %mul3A_242 : vector<1024x256xf32>
      %convert_element_type3A_244 = arith.truncf %mul3A_243 : vector<1024x256xf32> to vector<1024x256xbf16>
      %swap3A_245 = arith.constant 7168 : index
      %swap3A_246 = arith.constant 0 : index
      %swap3A_247 = vector.load %arg3[%swap3A_245, %swap3A_246] : memref<8192x256xbf16, #tpu.memory_space<vmem>>, vector<1024x256xbf16>
      tpu.vector_store %arg3[%swap3A_245, %swap3A_246], %convert_element_type3A_244 {strides = array<i32>} : memref<8192x256xbf16, #tpu.memory_space<vmem>>, vector<1024x256xbf16>,
      %mul3A_248 = arith.constant 14.4269505 : f32
      %mul3A_249 = vector.broadcast %mul3A_248 : f32 to vector<1024x256xf32>
      %mul3A_250 = arith.mulf %mul3A_243, %mul3A_249 : vector<1024x256xf32>
      %convert_element_type3A_251 = arith.truncf %mul3A_250 : vector<1024x256xf32> to vector<1024x256xbf16>
      %swap3A_252 = arith.constant 7168 : index
      %swap3A_253 = arith.constant 0 : index
      %swap3A_254 = vector.load %arg4[%swap3A_252, %swap3A_253] : memref<8192x256xbf16, #tpu.memory_space<vmem>>, vector<1024x256xbf16>
      tpu.vector_store %arg4[%swap3A_252, %swap3A_253], %convert_element_type3A_251 {strides = array<i32>} : memref<8192x256xbf16, #tpu.memory_space<vmem>>, vector<1024x256xbf16>,
      %broadcast_in_dim3A_255 = arith.constant 0.000000e+00 : f32
      %broadcast_in_dim3A_256 = vector.broadcast %broadcast_in_dim3A_255 : f32 to vector<1x8192xf32>
      %swap3A_257 = arith.constant 0 : index
      %swap3A_258 = arith.constant 0 : index
      %swap3A_259 = vector.load %arg5[%swap3A_257, %swap3A_258] : memref<1x8192xf32, #tpu.memory_space<vmem>>, vector<1x8192xf32>
      tpu.vector_store %arg5[%swap3A_257, %swap3A_258], %broadcast_in_dim3A_256 {strides = array<i32>} : memref<1x8192xf32, #tpu.memory_space<vmem>>, vector<1x8192xf32>,
    } else {
    }
    %mul3A = arith.constant 2048 : i32
    %mul3A_2 = arith.muli %arg0, %mul3A : i32
    %get3A = arith.index_cast %mul3A_2 : i32 to index
    %get3A_3 = arith.constant 0 : index
    %get3A_4 = vector.load %arg4[%get3A, %get3A_3] : memref<8192x256xbf16, #tpu.memory_space<vmem>>, vector<2048x256xbf16>
    %broadcast_in_dim3A = arith.constant 0.000000e+00 : f32
    %broadcast_in_dim3A_5 = vector.broadcast %broadcast_in_dim3A : f32 to vector<2048x1xf32>
    %swap3A = arith.constant 0 : index
    %swap3A_6 = arith.constant 0 : index
    %swap3A_7 = vector.load %arg6[%swap3A, %swap3A_6] : memref<2048x1xf32, #tpu.memory_space<vmem>>, vector<2048x1xf32>
    tpu.vector_store %arg6[%swap3A, %swap3A_6], %broadcast_in_dim3A_5 {strides = array<i32>} : memref<2048x1xf32, #tpu.memory_space<vmem>>, vector<2048x1xf32>,
    %le3A = arith.constant 0 : i32
    %le3A_8 = arith.cmpi sle, %arg0, %le3A : i32
    %convert_element_type3A_9 = arith.extui %le3A_8 : i1 to i32
    %cond3A_10 = arith.constant 0 : i32
    %cond3A_11 = arith.cmpi ne, %convert_element_type3A_9, %cond3A_10 : i32
    scf.if %cond3A_11 {
      %get3A_43 = arith.constant 0 : index
      %get3A_44 = arith.constant 0 : index
      %get3A_45 = vector.load %arg3[%get3A_43, %get3A_44] : memref<8192x256xbf16, #tpu.memory_space<vmem>>, vector<2048x256xbf16>
      %dot_general3A = arith.constant dense<0.000000e+00> : vector<2048x2048xf32>
      %dot_general3A_46 = tpu.matmul %get3A_4, %get3A_45, %dot_general3A {dimension_numbers = #tpu.dot_dimension_numbers<[1], [1], [0], [0], [0, 0, 1, 0], [], []>, transpose_lhs_hint = false} : vector<2048x256xbf16>, vector<2048x256xbf16>, vector<2048x2048xf32> -> vector<2048x2048xf32>
      %sub3A = arith.constant 14.4269505 : f32
      %sub3A_47 = vector.broadcast %sub3A : f32 to vector<2048x2048xf32>
      %sub3A_48 = arith.subf %dot_general3A_46, %sub3A_47 : vector<2048x2048xf32>
      %exp23A = math.exp2 %sub3A_48 : vector<2048x2048xf32>
      %get3A_49 = arith.constant 0 : index
      %get3A_50 = arith.constant 0 : index
      %get3A_51 = vector.load %arg6[%get3A_49, %get3A_50] : memref<2048x1xf32, #tpu.memory_space<vmem>>, vector<2048x1xf32>
      %reduce_sum3A = arith.constant dense<0.000000e+00> : vector<2048xf32>
      %reduce_sum3A_52 = vector.multi_reduction <add>, %exp23A, %reduce_sum3A [1] : vector<2048x2048xf32> to vector<2048xf32>
      %broadcast_in_dim3A_53 = vector.shape_cast %reduce_sum3A_52 : vector<2048xf32> to vector<2048x1xf32>
      %add3A_54 = arith.addf %get3A_51, %broadcast_in_dim3A_53 : vector<2048x1xf32>
      %swap3A_55 = arith.constant 0 : index
      %swap3A_56 = arith.constant 0 : index
      %swap3A_57 = vector.load %arg6[%swap3A_55, %swap3A_56] : memref<2048x1xf32, #tpu.memory_space<vmem>>, vector<2048x1xf32>
      tpu.vector_store %arg6[%swap3A_55, %swap3A_56], %add3A_54 {strides = array<i32>} : memref<2048x1xf32, #tpu.memory_space<vmem>>, vector<2048x1xf32>,
      %lt3A = arith.constant 0 : i32
      %lt3A_58 = arith.cmpi slt, %arg0, %lt3A : i32
      %convert_element_type3A_59 = arith.extui %lt3A_58 : i1 to i32
      %cond3A_60 = arith.constant 0 : i32
      %cond3A_61 = arith.cmpi ne, %convert_element_type3A_59, %cond3A_60 : i32
      scf.if %cond3A_61 {
        %get3A_62 = arith.constant 0 : index
        %get3A_63 = arith.constant 0 : index
        %get3A_64 = vector.load %arg5[%get3A_62, %get3A_63] : memref<1x8192xf32, #tpu.memory_space<vmem>>, vector<1x2048xf32>
        %reduce_sum3A_65 = arith.constant dense<0.000000e+00> : vector<2048xf32>
        %reduce_sum3A_66 = vector.multi_reduction <add>, %exp23A, %reduce_sum3A_65 [0] : vector<2048x2048xf32> to vector<2048xf32>
        %broadcast_in_dim3A_67 = vector.shape_cast %reduce_sum3A_66 : vector<2048xf32> to vector<1x2048xf32>
        %add3A_68 = arith.addf %get3A_64, %broadcast_in_dim3A_67 : vector<1x2048xf32>
        %swap3A_69 = arith.constant 0 : index
        %swap3A_70 = arith.constant 0 : index
        %swap3A_71 = vector.load %arg5[%swap3A_69, %swap3A_70] : memref<1x8192xf32, #tpu.memory_space<vmem>>, vector<1x2048xf32>
        tpu.vector_store %arg5[%swap3A_69, %swap3A_70], %add3A_68 {strides = array<i32>} : memref<1x8192xf32, #tpu.memory_space<vmem>>, vector<1x2048xf32>,
      } else {
      }
    } else {
    }
    %le3A_12 = arith.constant 1 : i32
    %le3A_13 = arith.cmpi sle, %arg0, %le3A_12 : i32
    %convert_element_type3A_14 = arith.extui %le3A_13 : i1 to i32
    %cond3A_15 = arith.constant 0 : i32
    %cond3A_16 = arith.cmpi ne, %convert_element_type3A_14, %cond3A_15 : i32
    scf.if %cond3A_16 {
      %get3A_43 = arith.constant 2048 : index
      %get3A_44 = arith.constant 0 : index
      %get3A_45 = vector.load %arg3[%get3A_43, %get3A_44] : memref<8192x256xbf16, #tpu.memory_space<vmem>>, vector<2048x256xbf16>
      %dot_general3A = arith.constant dense<0.000000e+00> : vector<2048x2048xf32>
      %dot_general3A_46 = tpu.matmul %get3A_4, %get3A_45, %dot_general3A {dimension_numbers = #tpu.dot_dimension_numbers<[1], [1], [0], [0], [0, 0, 1, 0], [], []>, transpose_lhs_hint = false} : vector<2048x256xbf16>, vector<2048x256xbf16>, vector<2048x2048xf32> -> vector<2048x2048xf32>
      %sub3A = arith.constant 14.4269505 : f32
      %sub3A_47 = vector.broadcast %sub3A : f32 to vector<2048x2048xf32>
      %sub3A_48 = arith.subf %dot_general3A_46, %sub3A_47 : vector<2048x2048xf32>
      %exp23A = math.exp2 %sub3A_48 : vector<2048x2048xf32>
      %get3A_49 = arith.constant 0 : index
      %get3A_50 = arith.constant 0 : index
      %get3A_51 = vector.load %arg6[%get3A_49, %get3A_50] : memref<2048x1xf32, #tpu.memory_space<vmem>>, vector<2048x1xf32>
      %reduce_sum3A = arith.constant dense<0.000000e+00> : vector<2048xf32>
      %reduce_sum3A_52 = vector.multi_reduction <add>, %exp23A, %reduce_sum3A [1] : vector<2048x2048xf32> to vector<2048xf32>
      %broadcast_in_dim3A_53 = vector.shape_cast %reduce_sum3A_52 : vector<2048xf32> to vector<2048x1xf32>
      %add3A_54 = arith.addf %get3A_51, %broadcast_in_dim3A_53 : vector<2048x1xf32>
      %swap3A_55 = arith.constant 0 : index
      %swap3A_56 = arith.constant 0 : index
      %swap3A_57 = vector.load %arg6[%swap3A_55, %swap3A_56] : memref<2048x1xf32, #tpu.memory_space<vmem>>, vector<2048x1xf32>
      tpu.vector_store %arg6[%swap3A_55, %swap3A_56], %add3A_54 {strides = array<i32>} : memref<2048x1xf32, #tpu.memory_space<vmem>>, vector<2048x1xf32>,
      %lt3A = arith.constant 1 : i32
      %lt3A_58 = arith.cmpi slt, %arg0, %lt3A : i32
      %convert_element_type3A_59 = arith.extui %lt3A_58 : i1 to i32
      %cond3A_60 = arith.constant 0 : i32
      %cond3A_61 = arith.cmpi ne, %convert_element_type3A_59, %cond3A_60 : i32
      scf.if %cond3A_61 {
        %get3A_62 = arith.constant 0 : index
        %get3A_63 = arith.constant 2048 : index
        %get3A_64 = vector.load %arg5[%get3A_62, %get3A_63] : memref<1x8192xf32, #tpu.memory_space<vmem>>, vector<1x2048xf32>
        %reduce_sum3A_65 = arith.constant dense<0.000000e+00> : vector<2048xf32>
        %reduce_sum3A_66 = vector.multi_reduction <add>, %exp23A, %reduce_sum3A_65 [0] : vector<2048x2048xf32> to vector<2048xf32>
        %broadcast_in_dim3A_67 = vector.shape_cast %reduce_sum3A_66 : vector<2048xf32> to vector<1x2048xf32>
        %add3A_68 = arith.addf %get3A_64, %broadcast_in_dim3A_67 : vector<1x2048xf32>
        %swap3A_69 = arith.constant 0 : index
        %swap3A_70 = arith.constant 2048 : index
        %swap3A_71 = vector.load %arg5[%swap3A_69, %swap3A_70] : memref<1x8192xf32, #tpu.memory_space<vmem>>, vector<1x2048xf32>
        tpu.vector_store %arg5[%swap3A_69, %swap3A_70], %add3A_68 {strides = array<i32>} : memref<1x8192xf32, #tpu.memory_space<vmem>>, vector<1x2048xf32>,
      } else {
      }
    } else {
    }
    %le3A_17 = arith.constant 2 : i32
    %le3A_18 = arith.cmpi sle, %arg0, %le3A_17 : i32
    %convert_element_type3A_19 = arith.extui %le3A_18 : i1 to i32
    %cond3A_20 = arith.constant 0 : i32
    %cond3A_21 = arith.cmpi ne, %convert_element_type3A_19, %cond3A_20 : i32
    scf.if %cond3A_21 {
      %get3A_43 = arith.constant 4096 : index
      %get3A_44 = arith.constant 0 : index
      %get3A_45 = vector.load %arg3[%get3A_43, %get3A_44] : memref<8192x256xbf16, #tpu.memory_space<vmem>>, vector<2048x256xbf16>
      %dot_general3A = arith.constant dense<0.000000e+00> : vector<2048x2048xf32>
      %dot_general3A_46 = tpu.matmul %get3A_4, %get3A_45, %dot_general3A {dimension_numbers = #tpu.dot_dimension_numbers<[1], [1], [0], [0], [0, 0, 1, 0], [], []>, transpose_lhs_hint = false} : vector<2048x256xbf16>, vector<2048x256xbf16>, vector<2048x2048xf32> -> vector<2048x2048xf32>
      %sub3A = arith.constant 14.4269505 : f32
      %sub3A_47 = vector.broadcast %sub3A : f32 to vector<2048x2048xf32>
      %sub3A_48 = arith.subf %dot_general3A_46, %sub3A_47 : vector<2048x2048xf32>
      %exp23A = math.exp2 %sub3A_48 : vector<2048x2048xf32>
      %get3A_49 = arith.constant 0 : index
      %get3A_50 = arith.constant 0 : index
      %get3A_51 = vector.load %arg6[%get3A_49, %get3A_50] : memref<2048x1xf32, #tpu.memory_space<vmem>>, vector<2048x1xf32>
      %reduce_sum3A = arith.constant dense<0.000000e+00> : vector<2048xf32>
      %reduce_sum3A_52 = vector.multi_reduction <add>, %exp23A, %reduce_sum3A [1] : vector<2048x2048xf32> to vector<2048xf32>
      %broadcast_in_dim3A_53 = vector.shape_cast %reduce_sum3A_52 : vector<2048xf32> to vector<2048x1xf32>
      %add3A_54 = arith.addf %get3A_51, %broadcast_in_dim3A_53 : vector<2048x1xf32>
      %swap3A_55 = arith.constant 0 : index
      %swap3A_56 = arith.constant 0 : index
      %swap3A_57 = vector.load %arg6[%swap3A_55, %swap3A_56] : memref<2048x1xf32, #tpu.memory_space<vmem>>, vector<2048x1xf32>
      tpu.vector_store %arg6[%swap3A_55, %swap3A_56], %add3A_54 {strides = array<i32>} : memref<2048x1xf32, #tpu.memory_space<vmem>>, vector<2048x1xf32>,
      %lt3A = arith.constant 2 : i32
      %lt3A_58 = arith.cmpi slt, %arg0, %lt3A : i32
      %convert_element_type3A_59 = arith.extui %lt3A_58 : i1 to i32
      %cond3A_60 = arith.constant 0 : i32
      %cond3A_61 = arith.cmpi ne, %convert_element_type3A_59, %cond3A_60 : i32
      scf.if %cond3A_61 {
        %get3A_62 = arith.constant 0 : index
        %get3A_63 = arith.constant 4096 : index
        %get3A_64 = vector.load %arg5[%get3A_62, %get3A_63] : memref<1x8192xf32, #tpu.memory_space<vmem>>, vector<1x2048xf32>
        %reduce_sum3A_65 = arith.constant dense<0.000000e+00> : vector<2048xf32>
        %reduce_sum3A_66 = vector.multi_reduction <add>, %exp23A, %reduce_sum3A_65 [0] : vector<2048x2048xf32> to vector<2048xf32>
        %broadcast_in_dim3A_67 = vector.shape_cast %reduce_sum3A_66 : vector<2048xf32> to vector<1x2048xf32>
        %add3A_68 = arith.addf %get3A_64, %broadcast_in_dim3A_67 : vector<1x2048xf32>
        %swap3A_69 = arith.constant 0 : index
        %swap3A_70 = arith.constant 4096 : index
        %swap3A_71 = vector.load %arg5[%swap3A_69, %swap3A_70] : memref<1x8192xf32, #tpu.memory_space<vmem>>, vector<1x2048xf32>
        tpu.vector_store %arg5[%swap3A_69, %swap3A_70], %add3A_68 {strides = array<i32>} : memref<1x8192xf32, #tpu.memory_space<vmem>>, vector<1x2048xf32>,
      } else {
      }
    } else {
    }
    %le3A_22 = arith.constant 3 : i32
    %le3A_23 = arith.cmpi sle, %arg0, %le3A_22 : i32
    %convert_element_type3A_24 = arith.extui %le3A_23 : i1 to i32
    %cond3A_25 = arith.constant 0 : i32
    %cond3A_26 = arith.cmpi ne, %convert_element_type3A_24, %cond3A_25 : i32
    scf.if %cond3A_26 {
      %get3A_43 = arith.constant 6144 : index
      %get3A_44 = arith.constant 0 : index
      %get3A_45 = vector.load %arg3[%get3A_43, %get3A_44] : memref<8192x256xbf16, #tpu.memory_space<vmem>>, vector<2048x256xbf16>
      %dot_general3A = arith.constant dense<0.000000e+00> : vector<2048x2048xf32>
      %dot_general3A_46 = tpu.matmul %get3A_4, %get3A_45, %dot_general3A {dimension_numbers = #tpu.dot_dimension_numbers<[1], [1], [0], [0], [0, 0, 1, 0], [], []>, transpose_lhs_hint = false} : vector<2048x256xbf16>, vector<2048x256xbf16>, vector<2048x2048xf32> -> vector<2048x2048xf32>
      %sub3A = arith.constant 14.4269505 : f32
      %sub3A_47 = vector.broadcast %sub3A : f32 to vector<2048x2048xf32>
      %sub3A_48 = arith.subf %dot_general3A_46, %sub3A_47 : vector<2048x2048xf32>
      %exp23A = math.exp2 %sub3A_48 : vector<2048x2048xf32>
      %get3A_49 = arith.constant 0 : index
      %get3A_50 = arith.constant 0 : index
      %get3A_51 = vector.load %arg6[%get3A_49, %get3A_50] : memref<2048x1xf32, #tpu.memory_space<vmem>>, vector<2048x1xf32>
      %reduce_sum3A = arith.constant dense<0.000000e+00> : vector<2048xf32>
      %reduce_sum3A_52 = vector.multi_reduction <add>, %exp23A, %reduce_sum3A [1] : vector<2048x2048xf32> to vector<2048xf32>
      %broadcast_in_dim3A_53 = vector.shape_cast %reduce_sum3A_52 : vector<2048xf32> to vector<2048x1xf32>
      %add3A_54 = arith.addf %get3A_51, %broadcast_in_dim3A_53 : vector<2048x1xf32>
      %swap3A_55 = arith.constant 0 : index
      %swap3A_56 = arith.constant 0 : index
      %swap3A_57 = vector.load %arg6[%swap3A_55, %swap3A_56] : memref<2048x1xf32, #tpu.memory_space<vmem>>, vector<2048x1xf32>
      tpu.vector_store %arg6[%swap3A_55, %swap3A_56], %add3A_54 {strides = array<i32>} : memref<2048x1xf32, #tpu.memory_space<vmem>>, vector<2048x1xf32>,
      %lt3A = arith.constant 3 : i32
      %lt3A_58 = arith.cmpi slt, %arg0, %lt3A : i32
      %convert_element_type3A_59 = arith.extui %lt3A_58 : i1 to i32
      %cond3A_60 = arith.constant 0 : i32
      %cond3A_61 = arith.cmpi ne, %convert_element_type3A_59, %cond3A_60 : i32
      scf.if %cond3A_61 {
        %get3A_62 = arith.constant 0 : index
        %get3A_63 = arith.constant 6144 : index
        %get3A_64 = vector.load %arg5[%get3A_62, %get3A_63] : memref<1x8192xf32, #tpu.memory_space<vmem>>, vector<1x2048xf32>
        %reduce_sum3A_65 = arith.constant dense<0.000000e+00> : vector<2048xf32>
        %reduce_sum3A_66 = vector.multi_reduction <add>, %exp23A, %reduce_sum3A_65 [0] : vector<2048x2048xf32> to vector<2048xf32>
        %broadcast_in_dim3A_67 = vector.shape_cast %reduce_sum3A_66 : vector<2048xf32> to vector<1x2048xf32>
        %add3A_68 = arith.addf %get3A_64, %broadcast_in_dim3A_67 : vector<1x2048xf32>
        %swap3A_69 = arith.constant 0 : index
        %swap3A_70 = arith.constant 6144 : index
        %swap3A_71 = vector.load %arg5[%swap3A_69, %swap3A_70] : memref<1x8192xf32, #tpu.memory_space<vmem>>, vector<1x2048xf32>
        tpu.vector_store %arg5[%swap3A_69, %swap3A_70], %add3A_68 {strides = array<i32>} : memref<1x8192xf32, #tpu.memory_space<vmem>>, vector<1x2048xf32>,
      } else {
      }
    } else {
    }
    %get3A_27 = arith.constant 0 : index
    %get3A_28 = arith.constant 0 : index
    %get3A_29 = vector.load %arg6[%get3A_27, %get3A_28] : memref<2048x1xf32, #tpu.memory_space<vmem>>, vector<2048x1xf32>
    %mul3A_30 = arith.constant 2048 : i32
    %mul3A_31 = arith.muli %arg0, %mul3A_30 : i32
    %get3A_32 = arith.constant 0 : index
    %get3A_33 = arith.index_cast %mul3A_31 : i32 to index
    %get3A_34 = vector.load %arg5[%get3A_32, %get3A_33] : memref<1x8192xf32, #tpu.memory_space<vmem>>, vector<1x2048xf32>
    %transpose3A = tpu.transpose %get3A_34, [1, 0] : vector<1x2048xf32> -> vector<2048x1xf32>
    %add3A = arith.addf %get3A_29, %transpose3A : vector<2048x1xf32>
    %log3A = math.log %add3A : vector<2048x1xf32>
    %add3A_35 = arith.constant 1.000000e+01 : f32
    %add3A_36 = vector.broadcast %add3A_35 : f32 to vector<2048x1xf32>
    %add3A_37 = arith.addf %add3A_36, %log3A : vector<2048x1xf32>
    %broadcast_in_dim3A_38 = vector.shape_cast %add3A_37 : vector<2048x1xf32> to vector<2048x1xf32>
    %broadcast_in_dim3A_39 = vector.broadcast %broadcast_in_dim3A_38 : vector<2048x1xf32> to vector<2048x128xf32>
    %swap3A_40 = arith.constant 0 : index
    %swap3A_41 = arith.constant 0 : index
    %swap3A_42 = vector.load %arg2[%swap3A_40, %swap3A_41] : memref<2048x128xf32, #tpu.memory_space<vmem>>, vector<2048x128xf32>
    tpu.vector_store %arg2[%swap3A_40, %swap3A_41], %broadcast_in_dim3A_39 {strides = array<i32>} : memref<2048x128xf32, #tpu.memory_space<vmem>>, vector<2048x128xf32>,
    return
  }
  func.func @transform_0(%arg0: i32) -> (i32, i32) {
    %c0_i32 = arith.constant 0 : i32
    %c0_i32_0 = arith.constant 0 : i32
    %c0_i32_1 = arith.constant 0 : i32
    return %c0_i32, %c0_i32_0 : i32, i32
  }
  func.func @transform_1(%arg0: i32) -> (i32, i32) {
    %c0_i32 = arith.constant 0 : i32
    %c0_i32_0 = arith.constant 0 : i32
    return %arg0, %c0_i32 : i32, i32
  }
}

module attributes {stable_mosaic.version = 14 : i64} {
  func.func @_pair_body(%arg0: i32, %arg1: memref<4096x256xf32, #tpu.memory_space<vmem>>, %arg2: memref<4096x256xf32, #tpu.memory_space<vmem>>, %arg3: memref<4096x128xf32, #tpu.memory_space<vmem>>, %arg4: memref<4096x1xi32, #tpu.memory_space<vmem>>, %arg5: memref<4096x1xi32, #tpu.memory_space<vmem>>, %arg6: memref<1x1xf32, #tpu.memory_space<smem>>) attributes {dimension_semantics = [#tpu.dimension_semantics<arbitrary>], iteration_bounds = array<i64: 4>, scalar_prefetch = 0 : i64, scratch_operands = 0 : i64, tpu.core_type = #tpu.core_type<tc>, window_params = [{transform_indices = @transform_0, window_bounds = array<i64: 4096, 256>}, {transform_indices = @transform_1, window_bounds = array<i64: 4096, 256>}, {transform_indices = @transform_2, window_bounds = array<i64: 4096, 128>}, {transform_indices = @transform_3, window_bounds = array<i64: 4096, 1>}, {transform_indices = @transform_4, window_bounds = array<i64: 4096, 1>}, {transform_indices = @transform_5, window_bounds = array<i64: 1, 1>}]} {
    %get3A = arith.constant 0 : index
    %get3A_0 = arith.constant 0 : index
    %get3A_1 = vector.load %arg1[%get3A, %get3A_0] : memref<4096x256xf32, #tpu.memory_space<vmem>>, vector<4096x256xf32>
    %get3A_2 = arith.constant 0 : index
    %get3A_3 = arith.constant 0 : index
    %get3A_4 = vector.load %arg2[%get3A_2, %get3A_3] : memref<4096x256xf32, #tpu.memory_space<vmem>>, vector<4096x256xf32>
    %mul3A = arith.mulf %get3A_1, %get3A_4 : vector<4096x256xf32>
    %reduce_sum3A = arith.constant dense<0.000000e+00> : vector<4096xf32>
    %reduce_sum3A_5 = vector.multi_reduction <add>, %mul3A, %reduce_sum3A [1] : vector<4096x256xf32> to vector<4096xf32>
    %broadcast_in_dim3A = vector.shape_cast %reduce_sum3A_5 : vector<4096xf32> to vector<4096x1xf32>
    %mul3A_6 = arith.mulf %get3A_1, %get3A_1 : vector<4096x256xf32>
    %reduce_sum3A_7 = arith.constant dense<0.000000e+00> : vector<4096xf32>
    %reduce_sum3A_8 = vector.multi_reduction <add>, %mul3A_6, %reduce_sum3A_7 [1] : vector<4096x256xf32> to vector<4096xf32>
    %broadcast_in_dim3A_9 = vector.shape_cast %reduce_sum3A_8 : vector<4096xf32> to vector<4096x1xf32>
    %sqrt3A = math.sqrt %broadcast_in_dim3A_9 : vector<4096x1xf32>
    %max3A = arith.constant 9.99999993E-9 : f32
    %max3A_10 = vector.broadcast %max3A : f32 to vector<4096x1xf32>
    %max3A_11 = arith.maximumf %sqrt3A, %max3A_10 : vector<4096x1xf32>
    %mul3A_12 = arith.mulf %get3A_4, %get3A_4 : vector<4096x256xf32>
    %reduce_sum3A_13 = arith.constant dense<0.000000e+00> : vector<4096xf32>
    %reduce_sum3A_14 = vector.multi_reduction <add>, %mul3A_12, %reduce_sum3A_13 [1] : vector<4096x256xf32> to vector<4096xf32>
    %broadcast_in_dim3A_15 = vector.shape_cast %reduce_sum3A_14 : vector<4096xf32> to vector<4096x1xf32>
    %sqrt3A_16 = math.sqrt %broadcast_in_dim3A_15 : vector<4096x1xf32>
    %max3A_17 = arith.constant 9.99999993E-9 : f32
    %max3A_18 = vector.broadcast %max3A_17 : f32 to vector<4096x1xf32>
    %max3A_19 = arith.maximumf %sqrt3A_16, %max3A_18 : vector<4096x1xf32>
    %mul3A_20 = arith.mulf %max3A_11, %max3A_19 : vector<4096x1xf32>
    %div3A = arith.divf %broadcast_in_dim3A, %mul3A_20 : vector<4096x1xf32>
    %get3A_21 = arith.constant 0 : index
    %get3A_22 = arith.constant 0 : index
    %get3A_23 = vector.load %arg3[%get3A_21, %get3A_22] : memref<4096x128xf32, #tpu.memory_space<vmem>>, vector<4096x1xf32>
    %sub3A = arith.subf %get3A_23, %div3A : vector<4096x1xf32>
    %max3A_24 = arith.constant 0.000000e+00 : f32
    %max3A_25 = vector.broadcast %max3A_24 : f32 to vector<4096x1xf32>
    %max3A_26 = arith.maximumf %sub3A, %max3A_25 : vector<4096x1xf32>
    %abs3A = math.absf %sub3A : vector<4096x1xf32>
    %neg3A = arith.constant 0.000000e+00 : f32
    %neg3A_27 = vector.broadcast %neg3A : f32 to vector<4096x1xf32>
    %neg3A_28 = arith.subf %neg3A_27, %abs3A : vector<4096x1xf32>
    %exp3A = math.exp %neg3A_28 : vector<4096x1xf32>
    %add3A = arith.constant 1.000000e+00 : f32
    %add3A_29 = vector.broadcast %add3A : f32 to vector<4096x1xf32>
    %add3A_30 = arith.addf %add3A_29, %exp3A : vector<4096x1xf32>
    %log3A = math.log %add3A_30 : vector<4096x1xf32>
    %add3A_31 = arith.addf %max3A_26, %log3A : vector<4096x1xf32>
    %get3A_32 = arith.constant 0 : index
    %get3A_33 = arith.constant 0 : index
    %get3A_34 = vector.load %arg4[%get3A_32, %get3A_33] : memref<4096x1xi32, #tpu.memory_space<vmem>>, vector<4096x1xi32>
    %get3A_35 = arith.constant 0 : index
    %get3A_36 = arith.constant 0 : index
    %get3A_37 = vector.load %arg5[%get3A_35, %get3A_36] : memref<4096x1xi32, #tpu.memory_space<vmem>>, vector<4096x1xi32>
    %ne3A = arith.cmpi ne, %get3A_34, %get3A_37 : vector<4096x1xi32>
    %jit3A = arith.constant 0.000000e+00 : f32
    %broadcast_in_dim3A_38 = vector.broadcast %jit3A : f32 to vector<4096x1xf32>
    %select_n3A = arith.select %ne3A, %add3A_31, %broadcast_in_dim3A_38 : vector<4096x1xi1>, vector<4096x1xf32>
    %reduce_sum3A_39 = vector.shape_cast %select_n3A : vector<4096x1xf32> to vector<1x4096x1xf32>
    %reduce_sum3A_40 = arith.constant dense<0.000000e+00> : vector<1xf32>
    %reduce_sum3A_41 = vector.multi_reduction <add>, %reduce_sum3A_39, %reduce_sum3A_40 [1, 2] : vector<1x4096x1xf32> to vector<1xf32>
    %reduce_sum3A_42 = vector.shape_cast %reduce_sum3A_41 : vector<1xf32> to vector<1x1x1xf32>
    %reduce_sum3A_43 = vector.extract %reduce_sum3A_42[0, 0, 0] : f32 from vector<1x1x1xf32>
    %div3A_44 = arith.constant 1.638400e+04 : f32
    %div3A_45 = arith.divf %reduce_sum3A_43, %div3A_44 : f32
    %eq3A = arith.constant 0 : i32
    %eq3A_46 = arith.cmpi eq, %arg0, %eq3A : i32
    %convert_element_type3A = arith.extui %eq3A_46 : i1 to i32
    %cond3A = arith.constant 0 : i32
    %cond3A_47 = arith.cmpi ne, %convert_element_type3A, %cond3A : i32
    scf.if %cond3A_47 {
      %swap3A_54 = arith.constant 0.000000e+00 : f32
      %swap3A_55 = arith.constant 0 : index
      %swap3A_56 = arith.constant 0 : index
      %swap3A_57 = memref.load %arg6[%swap3A_55, %swap3A_56] : memref<1x1xf32, #tpu.memory_space<smem>>
      memref.store %swap3A_54, %arg6[%swap3A_55, %swap3A_56] : memref<1x1xf32, #tpu.memory_space<smem>>
    } else {
    }
    %get3A_48 = arith.constant 0 : index
    %get3A_49 = arith.constant 0 : index
    %get3A_50 = memref.load %arg6[%get3A_48, %get3A_49] : memref<1x1xf32, #tpu.memory_space<smem>>
    %add3A_51 = arith.addf %get3A_50, %div3A_45 : f32
    %swap3A = arith.constant 0 : index
    %swap3A_52 = arith.constant 0 : index
    %swap3A_53 = memref.load %arg6[%swap3A, %swap3A_52] : memref<1x1xf32, #tpu.memory_space<smem>>
    memref.store %add3A_51, %arg6[%swap3A, %swap3A_52] : memref<1x1xf32, #tpu.memory_space<smem>>
    return
  }
  func.func @transform_0(%arg0: i32) -> (i32, i32) {
    %c0_i32 = arith.constant 0 : i32
    %c0_i32_0 = arith.constant 0 : i32
    return %arg0, %c0_i32 : i32, i32
  }
  func.func @transform_1(%arg0: i32) -> (i32, i32) {
    %c0_i32 = arith.constant 0 : i32
    %c0_i32_0 = arith.constant 0 : i32
    return %arg0, %c0_i32 : i32, i32
  }
  func.func @transform_2(%arg0: i32) -> (i32, i32) {
    %c0_i32 = arith.constant 0 : i32
    %c0_i32_0 = arith.constant 0 : i32
    return %arg0, %c0_i32 : i32, i32
  }
  func.func @transform_3(%arg0: i32) -> (i32, i32) {
    %c0_i32 = arith.constant 0 : i32
    %c0_i32_0 = arith.constant 0 : i32
    return %arg0, %c0_i32 : i32, i32
  }
  func.func @transform_4(%arg0: i32) -> (i32, i32) {
    %c0_i32 = arith.constant 0 : i32
    %c0_i32_0 = arith.constant 0 : i32
    return %arg0, %c0_i32 : i32, i32
  }
  func.func @transform_5(%arg0: i32) -> (i32, i32) {
    %c0_i32 = arith.constant 0 : i32
    %c0_i32_0 = arith.constant 0 : i32
    %c0_i32_1 = arith.constant 0 : i32
    return %c0_i32, %c0_i32_0 : i32, i32
  }
}

</mosaic_0001>

<sc_bundles>
// kernel: kernel.10.cloned.1.call-start
scs
__scs_entry_jumppad:
0x0: {  	(pc) =	sbr.rel $0x88, $3  }
0x1: {  	(tag) =	ssettag $0x0;
	lr =	simm.s32 $0x1  }
0x2: {  	[smem:$0x3F9F] =	sst lr;
	_ =	strace $0xD0000000  }
0x3: {  	_ = 	snop  }
0x4: {  	_ = 	snop  }
0x5: {  	_ = 	snop  }
0x6: {  	_ = 	snop  }
0x7: {  	_ = 	snop  }
__scs_overlays_trampoline_lowered:
0x8: {  	[smem:$0x3FAE] =	sst s0  }
0x9: {  	[smem:$0x3FAF] =	sst s1  }
0xa: {  	[smem:$0x3FB0] =	sst s2  }
0xb: {  	[smem:$0x3FB1] =	sst s3  }
0xc: {  	[smem:$0x3FB2] =	sst s4  }
0xd: {  	[smem:$0x3FB3] =	sst s5  }
0xe: {  	[smem:$0x3FB4] =	sst s6  }
0xf: {  	[smem:$0x3FB5] =	sst s7  }
0x10: {  	[smem:$0x3FB6] =	sst s8  }
0x11: {  	[smem:$0x3FB7] =	sst s9;
	s0 =	simm.s32 @!p0 $0x0  }
0x12: {  	s1 =	sld [smem:$0x3F9D];
	s0 =	simm.s32 @p0 $0x1  }
0x13: {  	[smem:$0x3FB8] =	sst s0;
	s0 =	simm.s32 @!p1 $0x0  }
0x14: {  	s2 =	sld [smem:$0x3F9C];
	s0 =	simm.s32 @p1 $0x1  }
0x15: {  	[smem:$0x3FB9] =	sst s0;
	s0 =	simm.s32 @!p2 $0x0  }
0x16: {  	s3 =	sld [smem:$0x3FDB];
	s0 =	simm.s32 @p2 $0x1  }
0x17: {  	s4 =	simm.s32 $0x1BF5;
	[smem:$0x3FBB] =	sst s0  }
0x18: {  	s0 =	sld [smem:$0x3F9E];
	_ =	swait.ge [sflag:s4], $0x0  }
0x19: {  	s7 =	sld [smem:$0x3F9F]  }
0x1a: {  	s8 =	sadd.s32 $0xFFFFE003, lr  }
0x1b: {  	s9 =	sadd.s32 $0xFFFFFEF7, lr;
	s5 =	simm.s32 $0xFFFFFFFF;
	p2 =	slt.u32 s8, $0xFFFFF086  }
0x1c: {  	p1 =	slt.u32 s9, $0xF7A;
	s5 =	simm.s32 @!p2 $0x0  }
0x1d: {  	s5 =	simm.s32 @p1 $0x1;
	p0 =	seq.s32 s7, s2  }
0x1e: {  	s7 =	smul.u32 @!p0 $0xF7A, s2;
	p2 =	seq.s32 @!p0 s5, $0x0  }
0x1f: {  	s9 =	smul.u32 $0xF7A, s1;
	s8 =	simm.s32 @!p0 $0x1BF5;
	p2 =	por !p2, p0  }
0x20: {  	[sflag:s8] =	ssyncset.s32 @!p0 $0xFFFFF086;
	s6 =	sadd.s32 @!p0 s3, s7;
	s7 =	simm.s32 @!p0 $0x108  }
0x21: {  	s3 =	sadd.s32 s3, s9;
	s6 =	sadd.s32 @!p0 $0x88, s6;
	s7 =	simm.s32 @p2 $0x1082  }
0x22: {  	[simem:s7], [sflag:s8] =	dma.local @!p0 [hbm:s6], $0xF7A  }
0x23: {  	s9 =	sor.u32 $0xD0000000, s2;
	s6 =	simm.s32 $0x108;
	_ =	swait.ge @!p0 [sflag:s8], $0x0  }
0x24: {  	s3 =	sadd.s32 $0x88, s3;
	s6 =	simm.s32 @!p1 $0x1082;
	[sflag:s4] =	ssyncset.s32 $0xFFFFF086  }
0x25: {  	[simem:s6], [sflag:s4] =	dma.local [hbm:s3], $0xF7A  }
0x26: {  	[smem:$0x3F9F] =	sst s1;
	(tag) =	ssettag s2;
	_ =	strace s9  }
0x27: {  	s1 =	sld [smem:$0x3FAF]  }
0x28: {  	s2 =	sld [smem:$0x3FB0]  }
0x29: {  	s4 =	sld [smem:$0x3FB2]  }
0x2a: {  	p0 =	seq.s32 s5, $0x0;
	s5 =	sld [smem:$0x3FB3]  }
0x2b: {  	s6 =	sld [smem:$0x3FB4]  }
0x2c: {  	s7 =	sld [smem:$0x3FB5]  }
0x2d: {  	s3 =	simm.s32 $0x108;
	s8 =	sld [smem:$0x3FB6]  }
0x2e: {  	s3 =	simm.s32 @!p0 $0x1082;
	s9 =	sld [smem:$0x3FB7]  }
0x2f: {  	lr =	sadd.s32 s0, s3;
	s0 =	sld [smem:$0x3FAE]  }
0x30: {  	s3 =	sld [smem:$0x3FB1]  }
0x31: {  	[smem:$0x3FBA] =	sst s10  }
0x32: {  	s10 =	sld [smem:$0x3FB8];
	_ =	sdelay $0x3  }
0x33: {  	p0 =	seq.s32 s10, $0x1;
	s10 =	sld [smem:$0x3FBA];
	_ =	sdelay $0x3  }
0x34: {  	[smem:$0x3FBA] =	sst s10  }
0x35: {  	s10 =	sld [smem:$0x3FB9];
	_ =	sdelay $0x3  }
0x36: {  	p1 =	seq.s32 s10, $0x1;
	s10 =	sld [smem:$0x3FBA];
	_ =	sdelay $0x3  }
0x37: {  	[smem:$0x3FBA] =	sst s10  }
0x38: {  	s10 =	sld [smem:$0x3FBB]  }
0x39: {  	_ = 	snop;
	(pc) =	sbr.ind lr, $3  }
0x3a: {  	_ = 	snop  }
0x3b: {  	_ = 	snop  }
0x3c: {  	p2 =	seq.s32 s10, $0x1;
	s10 =	sld [smem:$0x3FBA]  }
0x3d: {  	_ =	shalt  }
0x3e: {  	_ =	shalt  }
0x3f: {  	_ =	shalt  }
0x40: {  	_ =	shalt  }
0x41: {  	_ =	shalt  }
0x42: {  	_ =	shalt  }
0x43: {  	_ =	shalt  }
0x44: {  	_ =	shalt  }
0x45: {  	_ =	shalt  }
0x46: {  	_ =	shalt  }
0x47: {  	_ =	shalt  }
0x48: {  	_ =	shalt  }
0x49: {  	_ =	shalt  }
0x4a: {  	_ =	shalt  }
0x4b: {  	_ =	shalt  }
0x4c: {  	_ =	shalt  }
0x4d: {  	_ =	shalt  }
0x4e: {  	_ =	shalt  }
0x4f: {  	_ =	shalt  }
0x50: {  	_ =	shalt  }
0x51: {  	_ =	shalt  }
0x52: {  	_ =	shalt  }
0x53: {  	_ =	shalt  }
0x54: {  	_ =	shalt  }
0x55: {  	_ =	shalt  }
0x56: {  	_ =	shalt  }
0x57: {  	_ =	shalt  }
0x58: {  	_ =	shalt  }
0x59: {  	_ =	shalt  }
0x5a: {  	_ =	shalt  }
0x5b: {  	_ =	shalt  }
0x5c: {  	_ =	shalt  }
0x5d: {  	_ =	shalt  }
0x5e: {  	_ =	shalt  }
0x5f: {  	_ =	shalt  }
0x60: {  	_ =	shalt  }
0x61: {  	_ =	shalt  }
0x62: {  	_ =	shalt  }
0x63: {  	_ =	shalt  }
0x64: {  	_ =	shalt  }
0x65: {  	_ =	shalt  }
0x66: {  	_ =	shalt  }
0x67: {  	_ =	shalt  }
0x68: {  	_ =	shalt  }
0x69: {  	_ =	shalt  }
0x6a: {  	_ =	shalt  }
0x6b: {  	_ =	shalt  }
0x6c: {  	_ =	shalt  }
0x6d: {  	_ =	shalt  }
0x6e: {  	_ =	shalt  }
0x6f: {  	_ =	shalt  }
0x70: {  	_ =	shalt  }
0x71: {  	_ =	shalt  }
0x72: {  	_ =	shalt  }
0x73: {  	_ =	shalt  }
0x74: {  	_ =	shalt  }
0x75: {  	_ =	shalt  }
0x76: {  	_ =	shalt  }
0x77: {  	_ =	shalt  }
0x78: {  	_ =	shalt  }
0x79: {  	_ =	shalt  }
0x7a: {  	_ =	shalt  }
0x7b: {  	_ =	shalt  }
0x7c: {  	_ =	shalt  }
0x7d: {  	_ =	shalt  }
0x7e: {  	_ =	shalt  }
0x7f: {  	_ =	shalt  }
0x80: {  	_ =	shalt  }
0x81: {  	_ =	shalt  }
0x82: {  	_ =	shalt  }
0x83: {  	_ =	shalt  }
0x84: {  	_ =	shalt  }
0x85: {  	_ =	shalt  }
0x86: {  	_ =	shalt  }
0x87: {  	_ =	shalt  }
.Lfunc_end0:
.L_simem_size_0:
called_computation.1_lowered:
.L_overlay_start_0:
0x88: {  	s2 =	sld [smem:$0x3FD9]  }
0x89: {  	s3 =	sld [smem:$0x3FFE];
	_ =	sdelay $0x1  }
0x8a: {  	s1 =	srdreg.scid  }
0x8b: {  	s0 =	sand.u32 $0x1, s1  }
0x8c: {  	s17 =	sshll.u32 s0, $0xA;
	s2 =	sadd.s32 s3, s2  }
0x8d: {  	s2 =	sadd.s32 s2, s17  }
0x8e: {  	[smem:$0x3FC6] =	sst s2  }
0x8f: {  	_ = 	snop  }
0x90: {  	s18 =	sld [smem:$0x3FC9];
	(tm) =	ssettm $0x1  }
0x91: {  	s19 =	sld [smem:$0x3FFB];
	_ =	sdelay $0x3  }
0x92: {  	_ =	strace s19  }
0x93: {  	s2 =	sld [smem:$0x3FFC];
	_ =	sdelay $0x3  }
0x94: {  	_ =	strace s2  }
0x95: {  	s2 =	sld [smem:$0x3FFD];
	_ =	sdelay $0x3  }
0x96: {  	_ =	strace s2  }
0x97: {  	_ =	strace $0x8FFFFFFF  }
0x98: {  	s20 =	sld [smem:$0x3FDB];
	_ =	sdelay $0x1  }
0x99: {  	s4 =	simm.s32 $_scs_section_size  }
0x9a: {  	s5 =	simm.s32 $_size__tile_overlayer_lowered;
	s6 =	simm.s32 $_tile_overlayer_lowered  }
0x9b: {  	s7 =	simm.s32 $0x1BFF;
	s21 =	sshll.u32 s6, $0x1;
	s4 =	sadd.s32 s4, s20  }
0x9c: {  	s22 =	simm.s32 $0x0;
	s5 =	sshll.u32 s5, $0x1;
	s6 =	sadd.s32 s21, s4  }
0x9d: {  	[timem:s22], [sflag:s7] =	dma.local [hbm:s6], s5  }
0x9e: {  	_ =	swait.ge [sflag:s7], s5  }
0x9f: {  	s5 =	ssub.s32 $0x0, s5;
	[sflag:s7] =	ssyncset.done $0x0  }
0xa0: {  	[sflag:s7] =	ssyncadd.s32 s5;
	_ =	sdelay $0x1  }
0xa1: {  	s23 =	simm.s32 $0x1B8B  }
0xa2: {  	_ =	swait.ge [sflag:s23], $0x1  }
0xa3: {  	[sflag:s23] =	ssyncset.done $0x0  }
0xa4: {  	[sflag:s23] =	ssyncadd.s32 $0xFFFFFFFF  }
0xa5: {  	s5 =	sld [smem:$0x0]  }
0xa6: {  	s6 =	sand.u32 $0xFFFFFFFE, s1  }
0xa7: {  	p0 =	sne.s32 s1, s6  }
0xa8: {  	s6 =	sshll.u32 @p0 s6, $0xE  }
0xa9: {  	s6 =	sadd.s32 @p0 $0x11B8D, s6;
	s7 =	sshll.u32 @p0 s5, $0x11  }
0xaa: {  	s6 =	sor.u32 @p0 s7, s6  }
0xab: {  	[sflag:s6] =	ssyncadd.remote.s32 @p0 $0x1;
	_ =	sdelay $0x1  }
0xac: {  	s6 =	simm.s32 @p0 $0x1B8D  }
0xad: {  	_ =	swait.eq @p0 [sflag:s6], $0x1  }
0xae: {  	[sflag:s6] =	ssyncadd.s32 @p0 $0xFFFFFFFF  }
0xaf: {  	s7 =	sshll.u32 @!p0 s1, $0xE  }
0xb0: {  	s7 =	sor.u32 @!p0 $0x4000, s7;
	s6 =	simm.s32 @!p0 $0x1B8D  }
0xb1: {  	s5 =	sshll.u32 @!p0 s5, $0x11;
	s7 =	sadd.s32 @!p0 $0x11B8D, s7;
	_ =	swait.eq @!p0 [sflag:s6], $0x1  }
0xb2: {  	s5 =	sor.u32 @!p0 s5, s7;
	[sflag:s6] =	ssyncadd.s32 @!p0 $0xFFFFFFFF  }
0xb3: {  	s25 =	simm.s32 $0x1B8E;
	s24 =	sld [smem:$0x3FFE];
	[sflag:s5] =	ssyncadd.remote.s32 @!p0 $0x1  }
0xb4: {  	s26 =	simm.s32 $execute0_lowered;
	[smem:$0x3FD2] =	sst s25  }
0xb5: {  	s6 =	sshll.u32 s26, $0x1;
	_ =	strace $0x80000050;
	[dreg:$0x1] =	wrdreg $0xFFFFFFFF  }
0xb6: {  	s28 =	simm.s32 $_size_execute0_lowered;
	s4 =	sadd.s32 s4, s6;
	[dreg:$0x0] =	wrdreg $0x0  }
0xb7: {  	s6 =	sshll.u32 s28, $0x1;
	[dreg:$0x2] =	wrdreg s4  }
0xb8: {  	[dreg:$0x3] =	wrdreg s6  }
0xb9: {  	[dreg:$0x4] =	wrdreg $0xC0  }
0xba: {  	_ =	task [dreg:s22], $0x5FFFF  }
0xbb: {  	[dreg:$0x1] =	wrdreg $0xFFFFFFFF  }
0xbc: {  	[dreg:$0x0] =	wrdreg $0x60  }
0xbd: {  	[dreg:$0x2] =	wrdreg s18  }
0xbe: {  	[dreg:$0x3] =	wrdreg s24  }
0xbf: {  	[dreg:$0x4] =	wrdreg $0xA  }
0xc0: {  	_ =	task.clear_ibuf [dreg:s22], $0x5FFFF;
	_ =	strace $0x90000050  }
0xc1: {  	s29 =	simm.s32 $0xA;
	_ =	strace $0x80000059  }
0xc2: {  	_ =	swait.ge [sflag:s29], $0x1  }
0xc3: {  	[sflag:s29] =	ssyncadd.s32 $0xFFFFFFFF  }
0xc4: {  	_ =	strace $0x90000059  }
0xc5: {  	_ =	sfence  }
0xc6: {  	s30 =	sld [smem:$0x0];
	_ =	sdelay $0x2  }
0xc7: {  	s31 =	sshll.u32 s1, $0xD;
	s1 =	sshrl.u32 s1, $0x2  }
0xc8: {  	s4 =	sand.u32 $0x4000, s31;
	s1 =	sadd.s32 s1, s30  }
0xc9: {  	s0 =	sor.u32 s4, s0;
	s1 =	sshll.u32 s1, $0x11  }
0xca: {  	s0 =	sor.u32 s1, s0  }
0xcb: {  	s0 =	sadd.s32 $0x8F2B, s0  }
0xcc: {  	[sflag:s0] =	ssyncadd.remote.s32 $0x1  }
0xcd: {  	_ =	sfence.sel $0xFFFF  }
0xce: {  	[dreg:$0x0] =	wrdreg $0xFFFFFFFF;
	(pc) =	sbr.abs _section_cstart, $3  }
0xcf: {  	[dreg:$0x1] =	wrdreg $0xFFFFFFFF  }
0xd0: {  	_ =	task.clear_ibuf [dreg:s22], $0x2FFFF;
	_ =	strace $0x9FFFFFFF  }
0xd1: {  	(tm) =	ssettm $0x7FFFFFFF  }
tec
execute0_lowered:
.L_overlay_start_1:
0x0: {  	(tag) =	ssettag $0x1  }
0x1: {  	s1 =	rddreg [dreg:$0x0]  }
0x2: {  	s5 =	rddreg [dreg:$0x1]  }
0x3: {  	s0 =	rddreg [dreg:$0x2]  }
0x4: {  	s2 =	simm.s32 $0x0;
	s3 =	srdreg.scid;
	s9 =	simm.s32 $0x4  }
0x5: {  	s10 =	simm.s32 $0x0;
	[smem:$0x7FF] =	sst s2;
	s4 =	sadd.s32 $0x1A00, s5  }
0x6: {  	s6 =	sand.u32 $0x1, s3;
	s3 =	stileid.u32;
	s5 =	sadd.s32 $0x82A00, s5  }
0x7: {  	_ =	strace $0x80000051;
	s7 =	ssub.s32 $0x2, s6;
	s6 =	sshll.u32 s6, $0x4  }
0x8: {  	v2 =	vlaneseq.u32;
	[dreg:$0x3] =	wrdreg s5;
	s8 =	sshrl.u32 s7, $0x1;
	s6 =	sor.u32 s3, s6  }
0x9: {  	vm0 =	vmmov $0xffff;
	v1 =	vshrl.u32 v2, $0x3;
	s7 =	ssub.s32 s7, s8;
	s31 =	sshll.u32 s6, $0x6;
	s5 =	sshll.u32 s6, $0x2  }
0xa: {  	v0 =	vand.u32 $0x7, v2;
	v2 =	vor.u32 $0x8, v2;
	v1 =	vmul.u32 $0x8, v1;
	s8 =	simm.s32 $0x5;
	s6 =	sadd.s32 s4, s31;
	s7 =	smax.u32 s7, $0x1  }
.LBB2_1:
0xb: {  	_ =	strace $0x80000052;
	s11 =	simm.s32 $0x4  }
0xc: {  	s12 =	simm.s32 $0x0;
	s13 =	simm.s32 $0x0;
	s14 =	simm.s32 $0x0  }
0xd: {  	[tilespmem:s2], [sflag:$0x1] =	stream.linear.gather [hbm4b:s6+s2], $0x80, $0x200038;
	[tilespmem:$0x10100] =	vst v63  }
0xe: {  	s15 =	simm.s32 $0x0;
	s16 =	simm.s32 $0x1;
	_ =	strace $0x90000052  }
.LBB2_2:
0xf: {  	s17 =	smov.u32 s12;
	s12 =	sadd.s32 $0x1, s12  }
0x10: {  	p0 =	seq.s32 s12, $0x4  }
0x11: {  	s12 =	simm.s32 @p0 $0x0  }
0x12: {  	p6 =	sne.s32 s11, $0x1;
	p1 =	sne.s32 s17, s12  }
0x13: {  	p0 =	por !p6, !p1  }
0x14: {  	p0 =	por !p0, !p0  }
0x15: {  	s18 =	sadd.s32 @p0 s5, s12  }
0x16: {  	s19 =	sand.u32 @p0 $0x1, s16;
	s18 =	sshll.u32 @p0 s18, $0x4  }
0x17: {  	_ =	strace @p0 $0x80000053;
	s21 =	simm.s32 @p0 $0x0;
	s18 =	sand.u32 @p0 $0x1FFFFFF0, s18  }
0x18: {  	s20 =	sshll.u32 @p0 s19, $0x7;
	s19 =	sadd.s32 @p0 $0x1, s19;
	s18 =	sadd.s32 @p0 s4, s18  }
0x19: {  	[tilespmem:s20], [sflag:s19] =	stream.linear.gather @p0 [hbm4b:s18+s21], $0x80, $0x200038;
	[tilespmem:$0x10100] =	vst v63  }
0x1a: {  	s24 =	sand.u32 $0x1, s15;
	_ =	strace @p0 $0x90000053  }
0x1b: {  	s18 =	sadd.s32 $0x1, s24;
	_ =	strace $0x80000054  }
0x1c: {  	_ =	swait.ge [sflag:s18], $0x80  }
0x1d: {  	[sflag:s18] =	ssyncset.done $0x0  }
0x1e: {  	[sflag:s18] =	ssyncadd.s32 $0xFFFFFF80  }
0x1f: {  	s25 =	sshll.u32 s15, $0x7;
	_ =	strace $0x90000054  }
0x20: {  	s21 =	sand.u32 $0x80, s25;
	_ =	strace $0x80000055  }
0x21: {  	v3 =	vld [tilespmem:s21+$0x0];
	_ =	sdelay $0x4  }
0x22: {  	v4 =	vshll.u32 v3, $0x1  }
0x23: {  	v3 =	vand.u32 $0x7, v3;
	v4 =	vand.u32 $0xFFFFFFF0, v4  }
0x24: {  	v3 =	vor.u32 v3, v4  }
0x25: {  	v4 =	vperm.xlane v3, v0;
	_ =	sdelay $0x1  }
0x26: {  	v3 =	vperm.xlane v3, v2;
	v4 =	vadd.s32 v1, v4;
	_ =	sdelay $0x1  }
0x27: {  	s18 =	sand.u32 $0x1, s14;
	v3 =	vadd.s32 v1, v3  }
0x28: {  	s20 =	sshll.u32 s18, $0xF  }
0x29: {  	s19 =	sor.u32 $0x100, s20  }
0x2a: {  	[tilespmem:s19], [sflag:$0x5] =	stream.indirect_vreg.gather [hbm4b:s1+s2], $0x80, v4, vm0, $0x2000b8;
	[tilespmem:$0x10100] =	vst v63  }
0x2b: {  	s22 =	sor.u32 $0x900, s20  }
0x2c: {  	[tilespmem:s22], [sflag:$0x5] =	stream.indirect_vreg.gather [hbm4b:s1+s2], $0x80, v3, vm0, $0x2000b8;
	[tilespmem:$0x10100] =	vst v63  }
0x2d: {  	v3 =	vld [tilespmem:s21+$0x10];
	_ =	sdelay $0x4  }
0x2e: {  	v57 =	vshll.u32 v3, $0x1  }
0x2f: {  	v3 =	vand.u32 $0x7, v3;
	v4 =	vand.u32 $0xFFFFFFF0, v57  }
0x30: {  	v3 =	vor.u32 v3, v4  }
0x31: {  	v4 =	vperm.xlane v3, v0;
	_ =	sdelay $0x1  }
0x32: {  	v3 =	vperm.xlane v3, v2;
	v4 =	vadd.s32 v1, v4;
	_ =	sdelay $0x1  }
0x33: {  	v3 =	vadd.s32 v1, v3;
	_ =	sdelay $0x1  }
0x34: {  	s26 =	sor.u32 $0x1100, s20  }
0x35: {  	[tilespmem:s26], [sflag:$0x5] =	stream.indirect_vreg.gather [hbm4b:s1+s2], $0x80, v4, vm0, $0x2000b8;
	[tilespmem:$0x10100] =	vst v63  }
0x36: {  	s28 =	sor.u32 $0x1900, s20  }
0x37: {  	[tilespmem:s28], [sflag:$0x5] =	stream.indirect_vreg.gather [hbm4b:s1+s2], $0x80, v3, vm0, $0x2000b8;
	[tilespmem:$0x10100] =	vst v63  }
0x38: {  	v3 =	vld [tilespmem:s21+$0x20];
	_ =	sdelay $0x4  }
0x39: {  	v58 =	vshll.u32 v3, $0x1  }
0x3a: {  	v3 =	vand.u32 $0x7, v3;
	v4 =	vand.u32 $0xFFFFFFF0, v58  }
0x3b: {  	v3 =	vor.u32 v3, v4  }
0x3c: {  	v4 =	vperm.xlane v3, v0;
	_ =	sdelay $0x1  }
0x3d: {  	v3 =	vperm.xlane v3, v2;
	v4 =	vadd.s32 v1, v4;
	_ =	sdelay $0x1  }
0x3e: {  	v3 =	vadd.s32 v1, v3;
	_ =	sdelay $0x1  }
0x3f: {  	s29 =	sor.u32 $0x2100, s20  }
0x40: {  	[tilespmem:s29], [sflag:$0x5] =	stream.indirect_vreg.gather [hbm4b:s1+s2], $0x80, v4, vm0, $0x2000b8;
	[tilespmem:$0x10100] =	vst v63  }
0x41: {  	s30 =	sor.u32 $0x2900, s20  }
0x42: {  	[tilespmem:s30], [sflag:$0x5] =	stream.indirect_vreg.gather [hbm4b:s1+s2], $0x80, v3, vm0, $0x2000b8;
	[tilespmem:$0x10100] =	vst v63  }
0x43: {  	v3 =	vld [tilespmem:s21+$0x30];
	_ =	sdelay $0x4  }
0x44: {  	v59 =	vshll.u32 v3, $0x1  }
0x45: {  	v3 =	vand.u32 $0x7, v3;
	v4 =	vand.u32 $0xFFFFFFF0, v59  }
0x46: {  	v3 =	vor.u32 v3, v4  }
0x47: {  	v4 =	vperm.xlane v3, v0;
	_ =	sdelay $0x1  }
0x48: {  	v3 =	vperm.xlane v3, v2;
	v4 =	vadd.s32 v1, v4;
	_ =	sdelay $0x1  }
0x49: {  	v3 =	vadd.s32 v1, v3;
	_ =	sdelay $0x1  }
0x4a: {  	s31 =	sor.u32 $0x3100, s20  }
0x4b: {  	[tilespmem:s31], [sflag:$0x5] =	stream.indirect_vreg.gather [hbm4b:s1+s2], $0x80, v4, vm0, $0x2000b8;
	[tilespmem:$0x10100] =	vst v63  }
0x4c: {  	s23 =	sor.u32 $0x3900, s20  }
0x4d: {  	[tilespmem:s23], [sflag:$0x5] =	stream.indirect_vreg.gather [hbm4b:s1+s2], $0x80, v3, vm0, $0x2000b8;
	[tilespmem:$0x10100] =	vst v63  }
0x4e: {  	v3 =	vld [tilespmem:s21+$0x40];
	_ =	sdelay $0x4  }
0x4f: {  	v60 =	vshll.u32 v3, $0x1  }
0x50: {  	v3 =	vand.u32 $0x7, v3;
	v4 =	vand.u32 $0xFFFFFFF0, v60  }
0x51: {  	v3 =	vor.u32 v3, v4  }
0x52: {  	v4 =	vperm.xlane v3, v0;
	_ =	sdelay $0x1  }
0x53: {  	v3 =	vperm.xlane v3, v2;
	v4 =	vadd.s32 v1, v4;
	_ =	sdelay $0x1  }
0x54: {  	v3 =	vadd.s32 v1, v3;
	_ =	sdelay $0x1  }
0x55: {  	s24 =	sor.u32 $0x4100, s20  }
0x56: {  	[tilespmem:s24], [sflag:$0x5] =	stream.indirect_vreg.gather [hbm4b:s1+s2], $0x80, v4, vm0, $0x2000b8;
	[tilespmem:$0x10100] =	vst v63  }
0x57: {  	s25 =	sor.u32 $0x4900, s20  }
0x58: {  	[tilespmem:s25], [sflag:$0x5] =	stream.indirect_vreg.gather [hbm4b:s1+s2], $0x80, v3, vm0, $0x2000b8;
	[tilespmem:$0x10100] =	vst v63  }
0x59: {  	v3 =	vld [tilespmem:s21+$0x50];
	_ =	sdelay $0x4  }
0x5a: {  	v61 =	vshll.u32 v3, $0x1  }
0x5b: {  	v3 =	vand.u32 $0x7, v3;
	v4 =	vand.u32 $0xFFFFFFF0, v61  }
0x5c: {  	v3 =	vor.u32 v3, v4  }
0x5d: {  	v4 =	vperm.xlane v3, v0;
	_ =	sdelay $0x1  }
0x5e: {  	v3 =	vperm.xlane v3, v2;
	v4 =	vadd.s32 v1, v4;
	_ =	sdelay $0x1  }
0x5f: {  	v3 =	vadd.s32 v1, v3;
	_ =	sdelay $0x1  }
0x60: {  	s26 =	sor.u32 $0x5100, s20  }
0x61: {  	[tilespmem:s26], [sflag:$0x5] =	stream.indirect_vreg.gather [hbm4b:s1+s2], $0x80, v4, vm0, $0x2000b8;
	[tilespmem:$0x10100] =	vst v63  }
0x62: {  	s28 =	sor.u32 $0x5900, s20  }
0x63: {  	[tilespmem:s28], [sflag:$0x5] =	stream.indirect_vreg.gather [hbm4b:s1+s2], $0x80, v3, vm0, $0x2000b8;
	[tilespmem:$0x10100] =	vst v63  }
0x64: {  	v3 =	vld [tilespmem:s21+$0x60];
	_ =	sdelay $0x4  }
0x65: {  	v62 =	vshll.u32 v3, $0x1  }
0x66: {  	v3 =	vand.u32 $0x7, v3;
	v4 =	vand.u32 $0xFFFFFFF0, v62  }
0x67: {  	v3 =	vor.u32 v3, v4  }
0x68: {  	v4 =	vperm.xlane v3, v0;
	_ =	sdelay $0x1  }
0x69: {  	v3 =	vperm.xlane v3, v2;
	v4 =	vadd.s32 v1, v4;
	_ =	sdelay $0x1  }
0x6a: {  	v3 =	vadd.s32 v1, v3;
	_ =	sdelay $0x1  }
0x6b: {  	s29 =	sor.u32 $0x6100, s20  }
0x6c: {  	[tilespmem:s29], [sflag:$0x5] =	stream.indirect_vreg.gather [hbm4b:s1+s2], $0x80, v4, vm0, $0x2000b8;
	[tilespmem:$0x10100] =	vst v63  }
0x6d: {  	s30 =	sor.u32 $0x6900, s20  }
0x6e: {  	[tilespmem:s30], [sflag:$0x5] =	stream.indirect_vreg.gather [hbm4b:s1+s2], $0x80, v3, vm0, $0x2000b8;
	[tilespmem:$0x10100] =	vst v63  }
0x6f: {  	v3 =	vld [tilespmem:s21+$0x70];
	_ =	sdelay $0x4  }
0x70: {  	v63 =	vshll.u32 v3, $0x1  }
0x71: {  	v3 =	vand.u32 $0x7, v3;
	v4 =	vand.u32 $0xFFFFFFF0, v63  }
0x72: {  	v3 =	vor.u32 v3, v4  }
0x73: {  	v4 =	vperm.xlane v3, v0;
	_ =	sdelay $0x1  }
0x74: {  	v3 =	vperm.xlane v3, v2;
	v4 =	vadd.s32 v1, v4;
	_ =	sdelay $0x1  }
0x75: {  	v3 =	vadd.s32 v1, v3;
	_ =	sdelay $0x1  }
0x76: {  	s31 =	sor.u32 $0x7100, s20  }
0x77: {  	[tilespmem:s31], [sflag:$0x5] =	stream.indirect_vreg.gather [hbm4b:s1+s2], $0x80, v4, vm0, $0x2000b8;
	[tilespmem:$0x10100] =	vst v63  }
0x78: {  	s20 =	sor.u32 $0x7900, s20  }
0x79: {  	[tilespmem:s20], [sflag:$0x5] =	stream.indirect_vreg.gather [hbm4b:s1+s2], $0x80, v3, vm0, $0x2000b8;
	[tilespmem:$0x10100] =	vst v63  }
0x7a: {  	_ =	swait.ge [sflag:s8], $0x8000  }
0x7b: {  	p2 =	seq.s32 s11, $0x1;
	[sflag:s8] =	ssyncset.done $0x0  }
0x7c: {  	s17 =	sadd.s32 s5, s17;
	p1 =	por p2, p1;
	[sflag:s8] =	ssyncadd.s32 $0xFFFF8000  }
0x7d: {  	s17 =	sshll.u32 @p1 s17, $0xC;
	_ =	strace $0x90000055  }
0x7e: {  	s17 =	sand.u32 @p1 $0x1FFFF000, s17;
	s21 =	simm.s32 $0x1;
	_ =	strace @p1 $0x80000056  }
0x7f: {  	s18 =	sadd.s32 @p1 $0x3, s18;
	s21 =	simm.s32 @!p0 $0x0;
	s20 =	rddreg [dreg:$0x3]  }
0x80: {  	p0 =	seq.s32 s11, $0x4;
	s17 =	sadd.s32 @p1 s20, s17;
	s20 =	simm.s32 @p1 $0x0  }
0x81: {  	[hbm4b:s17+s20] =	stream.linear.scatter @p1 [tilespmem:s19], [sflag:s18], $0x8000, $0x200038;
	[tilespmem:$0x10100] =	vst v63  }
0x82: {  	s17 =	simm.s32 $0x1;
	s19 =	simm.s32 $0x1;
	_ =	strace @p1 $0x90000056  }
0x83: {  	s17 =	simm.s32 @!p1 $0x0;
	p1 =	sne.s32 s11, $0x4;
	s11 =	sadd.s32 $0xFFFFFFFF, s11  }
0x84: {  	s18 =	sand.u32 @!p0 $0x1, s13;
	s19 =	simm.s32 @!p1 $0x0;
	p1 =	sne.s32 s11, $0x0  }
.Ltmp0:
0x85: {  	s18 =	sadd.s32 @!p0 $0x3, s18;
	_ =	strace @!p0 $0x80000057;
	(pc) =	sbr.rel @p1 .LBB2_2-.Ltmp0, $4  }
0x86: {  	_ =	swait.ge @!p0 [sflag:s18], $0x8000  }
0x87: {  	[sflag:s18] =	ssyncset.done @!p0 $0x0  }
0x88: {  	s16 =	sadd.s32 s21, s16;
	s14 =	sadd.s32 s17, s14;
	[sflag:s18] =	ssyncadd.s32 @!p0 $0xFFFF8000  }
0x89: {  	s15 =	sadd.s32 s17, s15;
	s13 =	sadd.s32 s19, s13;
	_ =	strace @!p0 $0x90000057  }
0x8a: {  	s10 =	sadd.s32 $0x1, s10  }
0x8b: {  	p0 =	sne.s32 s10, s7  }
.Ltmp1:
0x8c: {  	_ =	strace $0x80000058;
	(pc) =	sbr.rel @p0 .LBB2_1-.Ltmp1, $4  }
0x8d: {  	_ =	swait.ge [sflag:s9], $0x8000  }
0x8e: {  	[sflag:s9] =	ssyncset.done $0x0  }
0x8f: {  	[sflag:s9] =	ssyncadd.s32 $0xFFFF8000  }
0x90: {  	_ =	strace $0x90000058  }
0x91: {  	_ =	sfence.sel $0x180000  }
0x92: {  	[bflag:$0x0] =	sbarrier.arrive $0xFFFF  }
0x93: {  	p0 =	sne.s32 s3, $0x0;
	_ =	strace $0x90000051  }
0x94: {  	s0 =	sadd.s32 @!p0 $0x100000, s0;
	[bflag:$0x2] =	sbarrier.arrive $0xFFFF  }
0x95: {  	[sflag:s0] =	ssyncadd.tile.s32 @!p0 $0x1;
	_ =	shalt  }
.Lfunc_end2:
_tile_overlayer_lowered:
.L_overlay_start_2:
0x96: {  	(tag) =	ssettag $0x2  }
0x97: {  	s0 =	rddreg [dreg:$0x0];
	s2 =	stileid.u32  }
0x98: {  	s1 =	rddreg [dreg:$0x1];
	p0 =	sne.s32 s2, $0x0  }
0x99: {  	s3 =	rddreg [dreg:$0x2];
	[bflag:$0x3] =	sbarrier.arrive $0xFFFF;
	s2 =	simm.s32 @!p0 $0x1C01  }
0x9a: {  	[timem:s3], [sflag:s2] =	dma.local @!p0 [hbm:s0], s1  }
0x9b: {  	s0 =	simm.s32 @!p0 $0x1  }
0x9c: {  	_ =	swait.ge @!p0 [sflag:s0], s1  }
0x9d: {  	s1 =	ssub.s32 @!p0 $0x0, s1;
	[sflag:s0] =	ssyncset.done @!p0 $0x0  }
0x9e: {  	[sflag:s0] =	ssyncadd.s32 @!p0 s1  }
0x9f: {  	[bflag:$0x3] =	sbarrier.arrive $0xFFFF  }
0xa0: {  	_ =	shalt  }

// kernel: kernel.13.cloned.1.call-start
scs
__scs_entry_jumppad:
0x0: {  	(pc) =	sbr.rel $0x88, $3  }
0x1: {  	(tag) =	ssettag $0x0;
	lr =	simm.s32 $0x1  }
0x2: {  	[smem:$0x3F9F] =	sst lr;
	_ =	strace $0xD0000000  }
0x3: {  	_ = 	snop  }
0x4: {  	_ = 	snop  }
0x5: {  	_ = 	snop  }
0x6: {  	_ = 	snop  }
0x7: {  	_ = 	snop  }
__scs_overlays_trampoline_lowered:
0x8: {  	[smem:$0x3FAE] =	sst s0  }
0x9: {  	[smem:$0x3FAF] =	sst s1  }
0xa: {  	[smem:$0x3FB0] =	sst s2  }
0xb: {  	[smem:$0x3FB1] =	sst s3  }
0xc: {  	[smem:$0x3FB2] =	sst s4  }
0xd: {  	[smem:$0x3FB3] =	sst s5  }
0xe: {  	[smem:$0x3FB4] =	sst s6  }
0xf: {  	[smem:$0x3FB5] =	sst s7  }
0x10: {  	[smem:$0x3FB6] =	sst s8  }
0x11: {  	[smem:$0x3FB7] =	sst s9;
	s0 =	simm.s32 @!p0 $0x0  }
0x12: {  	s1 =	sld [smem:$0x3F9D];
	s0 =	simm.s32 @p0 $0x1  }
0x13: {  	[smem:$0x3FB8] =	sst s0;
	s0 =	simm.s32 @!p1 $0x0  }
0x14: {  	s2 =	sld [smem:$0x3F9C];
	s0 =	simm.s32 @p1 $0x1  }
0x15: {  	[smem:$0x3FB9] =	sst s0;
	s0 =	simm.s32 @!p2 $0x0  }
0x16: {  	s3 =	sld [smem:$0x3FDB];
	s0 =	simm.s32 @p2 $0x1  }
0x17: {  	s4 =	simm.s32 $0x1BF5;
	[smem:$0x3FBB] =	sst s0  }
0x18: {  	s0 =	sld [smem:$0x3F9E];
	_ =	swait.ge [sflag:s4], $0x0  }
0x19: {  	s7 =	sld [smem:$0x3F9F]  }
0x1a: {  	s8 =	sadd.s32 $0xFFFFE003, lr  }
0x1b: {  	s9 =	sadd.s32 $0xFFFFFEF7, lr;
	s5 =	simm.s32 $0xFFFFFFFF;
	p2 =	slt.u32 s8, $0xFFFFF086  }
0x1c: {  	p1 =	slt.u32 s9, $0xF7A;
	s5 =	simm.s32 @!p2 $0x0  }
0x1d: {  	s5 =	simm.s32 @p1 $0x1;
	p0 =	seq.s32 s7, s2  }
0x1e: {  	s7 =	smul.u32 @!p0 $0xF7A, s2;
	p2 =	seq.s32 @!p0 s5, $0x0  }
0x1f: {  	s9 =	smul.u32 $0xF7A, s1;
	s8 =	simm.s32 @!p0 $0x1BF5;
	p2 =	por !p2, p0  }
0x20: {  	[sflag:s8] =	ssyncset.s32 @!p0 $0xFFFFF086;
	s6 =	sadd.s32 @!p0 s3, s7;
	s7 =	simm.s32 @!p0 $0x108  }
0x21: {  	s3 =	sadd.s32 s3, s9;
	s6 =	sadd.s32 @!p0 $0x88, s6;
	s7 =	simm.s32 @p2 $0x1082  }
0x22: {  	[simem:s7], [sflag:s8] =	dma.local @!p0 [hbm:s6], $0xF7A  }
0x23: {  	s9 =	sor.u32 $0xD0000000, s2;
	s6 =	simm.s32 $0x108;
	_ =	swait.ge @!p0 [sflag:s8], $0x0  }
0x24: {  	s3 =	sadd.s32 $0x88, s3;
	s6 =	simm.s32 @!p1 $0x1082;
	[sflag:s4] =	ssyncset.s32 $0xFFFFF086  }
0x25: {  	[simem:s6], [sflag:s4] =	dma.local [hbm:s3], $0xF7A  }
0x26: {  	[smem:$0x3F9F] =	sst s1;
	(tag) =	ssettag s2;
	_ =	strace s9  }
0x27: {  	s1 =	sld [smem:$0x3FAF]  }
0x28: {  	s2 =	sld [smem:$0x3FB0]  }
0x29: {  	s4 =	sld [smem:$0x3FB2]  }
0x2a: {  	p0 =	seq.s32 s5, $0x0;
	s5 =	sld [smem:$0x3FB3]  }
0x2b: {  	s6 =	sld [smem:$0x3FB4]  }
0x2c: {  	s7 =	sld [smem:$0x3FB5]  }
0x2d: {  	s3 =	simm.s32 $0x108;
	s8 =	sld [smem:$0x3FB6]  }
0x2e: {  	s3 =	simm.s32 @!p0 $0x1082;
	s9 =	sld [smem:$0x3FB7]  }
0x2f: {  	lr =	sadd.s32 s0, s3;
	s0 =	sld [smem:$0x3FAE]  }
0x30: {  	s3 =	sld [smem:$0x3FB1]  }
0x31: {  	[smem:$0x3FBA] =	sst s10  }
0x32: {  	s10 =	sld [smem:$0x3FB8];
	_ =	sdelay $0x3  }
0x33: {  	p0 =	seq.s32 s10, $0x1;
	s10 =	sld [smem:$0x3FBA];
	_ =	sdelay $0x3  }
0x34: {  	[smem:$0x3FBA] =	sst s10  }
0x35: {  	s10 =	sld [smem:$0x3FB9];
	_ =	sdelay $0x3  }
0x36: {  	p1 =	seq.s32 s10, $0x1;
	s10 =	sld [smem:$0x3FBA];
	_ =	sdelay $0x3  }
0x37: {  	[smem:$0x3FBA] =	sst s10  }
0x38: {  	s10 =	sld [smem:$0x3FBB]  }
0x39: {  	_ = 	snop;
	(pc) =	sbr.ind lr, $3  }
0x3a: {  	_ = 	snop  }
0x3b: {  	_ = 	snop  }
0x3c: {  	p2 =	seq.s32 s10, $0x1;
	s10 =	sld [smem:$0x3FBA]  }
0x3d: {  	_ =	shalt  }
0x3e: {  	_ =	shalt  }
0x3f: {  	_ =	shalt  }
0x40: {  	_ =	shalt  }
0x41: {  	_ =	shalt  }
0x42: {  	_ =	shalt  }
0x43: {  	_ =	shalt  }
0x44: {  	_ =	shalt  }
0x45: {  	_ =	shalt  }
0x46: {  	_ =	shalt  }
0x47: {  	_ =	shalt  }
0x48: {  	_ =	shalt  }
0x49: {  	_ =	shalt  }
0x4a: {  	_ =	shalt  }
0x4b: {  	_ =	shalt  }
0x4c: {  	_ =	shalt  }
0x4d: {  	_ =	shalt  }
0x4e: {  	_ =	shalt  }
0x4f: {  	_ =	shalt  }
0x50: {  	_ =	shalt  }
0x51: {  	_ =	shalt  }
0x52: {  	_ =	shalt  }
0x53: {  	_ =	shalt  }
0x54: {  	_ =	shalt  }
0x55: {  	_ =	shalt  }
0x56: {  	_ =	shalt  }
0x57: {  	_ =	shalt  }
0x58: {  	_ =	shalt  }
0x59: {  	_ =	shalt  }
0x5a: {  	_ =	shalt  }
0x5b: {  	_ =	shalt  }
0x5c: {  	_ =	shalt  }
0x5d: {  	_ =	shalt  }
0x5e: {  	_ =	shalt  }
0x5f: {  	_ =	shalt  }
0x60: {  	_ =	shalt  }
0x61: {  	_ =	shalt  }
0x62: {  	_ =	shalt  }
0x63: {  	_ =	shalt  }
0x64: {  	_ =	shalt  }
0x65: {  	_ =	shalt  }
0x66: {  	_ =	shalt  }
0x67: {  	_ =	shalt  }
0x68: {  	_ =	shalt  }
0x69: {  	_ =	shalt  }
0x6a: {  	_ =	shalt  }
0x6b: {  	_ =	shalt  }
0x6c: {  	_ =	shalt  }
0x6d: {  	_ =	shalt  }
0x6e: {  	_ =	shalt  }
0x6f: {  	_ =	shalt  }
0x70: {  	_ =	shalt  }
0x71: {  	_ =	shalt  }
0x72: {  	_ =	shalt  }
0x73: {  	_ =	shalt  }
0x74: {  	_ =	shalt  }
0x75: {  	_ =	shalt  }
0x76: {  	_ =	shalt  }
0x77: {  	_ =	shalt  }
0x78: {  	_ =	shalt  }
0x79: {  	_ =	shalt  }
0x7a: {  	_ =	shalt  }
0x7b: {  	_ =	shalt  }
0x7c: {  	_ =	shalt  }
0x7d: {  	_ =	shalt  }
0x7e: {  	_ =	shalt  }
0x7f: {  	_ =	shalt  }
0x80: {  	_ =	shalt  }
0x81: {  	_ =	shalt  }
0x82: {  	_ =	shalt  }
0x83: {  	_ =	shalt  }
0x84: {  	_ =	shalt  }
0x85: {  	_ =	shalt  }
0x86: {  	_ =	shalt  }
0x87: {  	_ =	shalt  }
.Lfunc_end0:
.L_simem_size_0:
called_computation.2_lowered:
.L_overlay_start_0:
0x88: {  	s2 =	sld [smem:$0x3FD9]  }
0x89: {  	s3 =	sld [smem:$0x3FFE];
	_ =	sdelay $0x1  }
0x8a: {  	s1 =	srdreg.scid  }
0x8b: {  	s0 =	sand.u32 $0x1, s1  }
0x8c: {  	s17 =	sshll.u32 s0, $0xA;
	s2 =	sadd.s32 s3, s2  }
0x8d: {  	s2 =	sadd.s32 s2, s17  }
0x8e: {  	[smem:$0x3FC6] =	sst s2  }
0x8f: {  	_ = 	snop  }
0x90: {  	(tm) =	ssettm $0x1  }
0x91: {  	s18 =	sld [smem:$0x3FFB];
	_ =	sdelay $0x3  }
0x92: {  	_ =	strace s18  }
0x93: {  	s2 =	sld [smem:$0x3FFC];
	_ =	sdelay $0x3  }
0x94: {  	_ =	strace s2  }
0x95: {  	s2 =	sld [smem:$0x3FFD];
	_ =	sdelay $0x3  }
0x96: {  	_ =	strace s2  }
0x97: {  	_ =	strace $0x8FFFFFFF  }
0x98: {  	s19 =	sld [smem:$0x3FDB];
	_ =	sdelay $0x1  }
0x99: {  	s20 =	simm.s32 $_scs_section_size  }
0x9a: {  	s4 =	simm.s32 $_size__tile_overlayer_lowered;
	s5 =	simm.s32 $_tile_overlayer_lowered  }
0x9b: {  	s6 =	simm.s32 $0x1BFF;
	s21 =	sshll.u32 s5, $0x1;
	s3 =	sadd.s32 s20, s19  }
0x9c: {  	s22 =	simm.s32 $0x0;
	s4 =	sshll.u32 s4, $0x1;
	s5 =	sadd.s32 s21, s3  }
0x9d: {  	[timem:s22], [sflag:s6] =	dma.local [hbm:s5], s4  }
0x9e: {  	_ =	swait.ge [sflag:s6], s4  }
0x9f: {  	s4 =	ssub.s32 $0x0, s4;
	[sflag:s6] =	ssyncset.done $0x0  }
0xa0: {  	[sflag:s6] =	ssyncadd.s32 s4;
	_ =	sdelay $0x1  }
0xa1: {  	s23 =	simm.s32 $0x1B8B  }
0xa2: {  	_ =	swait.ge [sflag:s23], $0x1  }
0xa3: {  	[sflag:s23] =	ssyncset.done $0x0  }
0xa4: {  	[sflag:s23] =	ssyncadd.s32 $0xFFFFFFFF  }
0xa5: {  	s4 =	sld [smem:$0x0]  }
0xa6: {  	s5 =	sand.u32 $0xFFFFFFFE, s1  }
0xa7: {  	p0 =	sne.s32 s1, s5  }
0xa8: {  	s5 =	sshll.u32 @p0 s5, $0xE  }
0xa9: {  	s5 =	sadd.s32 @p0 $0x11B8D, s5;
	s6 =	sshll.u32 @p0 s4, $0x11  }
0xaa: {  	s5 =	sor.u32 @p0 s6, s5  }
0xab: {  	[sflag:s5] =	ssyncadd.remote.s32 @p0 $0x1;
	_ =	sdelay $0x1  }
0xac: {  	s5 =	simm.s32 @p0 $0x1B8D  }
0xad: {  	_ =	swait.eq @p0 [sflag:s5], $0x1  }
0xae: {  	[sflag:s5] =	ssyncadd.s32 @p0 $0xFFFFFFFF  }
0xaf: {  	s6 =	sshll.u32 @!p0 s1, $0xE  }
0xb0: {  	s6 =	sor.u32 @!p0 $0x4000, s6;
	s5 =	simm.s32 @!p0 $0x1B8D  }
0xb1: {  	s4 =	sshll.u32 @!p0 s4, $0x11;
	s6 =	sadd.s32 @!p0 $0x11B8D, s6;
	_ =	swait.eq @!p0 [sflag:s5], $0x1  }
0xb2: {  	s4 =	sor.u32 @!p0 s4, s6;
	[sflag:s5] =	ssyncadd.s32 @!p0 $0xFFFFFFFF  }
0xb3: {  	s25 =	simm.s32 $0x1B8E;
	s24 =	sld [smem:$0x3FFE];
	[sflag:s4] =	ssyncadd.remote.s32 @!p0 $0x1  }
0xb4: {  	s26 =	simm.s32 $execute0_lowered;
	[smem:$0x3FD2] =	sst s25  }
0xb5: {  	s5 =	sshll.u32 s26, $0x1;
	_ =	strace $0x8000005A;
	[dreg:$0x1] =	wrdreg $0xFFFFFFFF  }
0xb6: {  	s28 =	simm.s32 $_size_execute0_lowered;
	s3 =	sadd.s32 s3, s5;
	[dreg:$0x0] =	wrdreg $0x0  }
0xb7: {  	s5 =	sshll.u32 s28, $0x1;
	[dreg:$0x2] =	wrdreg s3  }
0xb8: {  	[dreg:$0x3] =	wrdreg s5  }
0xb9: {  	[dreg:$0x4] =	wrdreg $0xC0  }
0xba: {  	_ =	task [dreg:s22], $0x5FFFF  }
0xbb: {  	[dreg:$0x1] =	wrdreg $0xFFFFFFFF  }
0xbc: {  	[dreg:$0x0] =	wrdreg $0x60  }
0xbd: {  	[dreg:$0x2] =	wrdreg s24  }
0xbe: {  	[dreg:$0x3] =	wrdreg $0xB  }
0xbf: {  	_ =	task.clear_ibuf [dreg:s22], $0x4FFFF;
	_ =	strace $0x9000005A  }
0xc0: {  	s29 =	simm.s32 $0xB;
	_ =	strace $0x80000063  }
0xc1: {  	_ =	swait.ge [sflag:s29], $0x1  }
0xc2: {  	[sflag:s29] =	ssyncadd.s32 $0xFFFFFFFF  }
0xc3: {  	_ =	strace $0x90000063  }
0xc4: {  	_ =	sfence  }
0xc5: {  	s30 =	sld [smem:$0x0];
	_ =	sdelay $0x2  }
0xc6: {  	s31 =	sshll.u32 s1, $0xD;
	s1 =	sshrl.u32 s1, $0x2  }
0xc7: {  	s4 =	sand.u32 $0x4000, s31;
	s1 =	sadd.s32 s1, s30  }
0xc8: {  	s0 =	sor.u32 s4, s0;
	s1 =	sshll.u32 s1, $0x11  }
0xc9: {  	s0 =	sor.u32 s1, s0  }
0xca: {  	s0 =	sadd.s32 $0x8F2B, s0  }
0xcb: {  	[sflag:s0] =	ssyncadd.remote.s32 $0x1  }
0xcc: {  	_ =	sfence.sel $0xFFFF  }
0xcd: {  	[dreg:$0x0] =	wrdreg $0xFFFFFFFF;
	(pc) =	sbr.abs _section_cstart, $3  }
0xce: {  	[dreg:$0x1] =	wrdreg $0xFFFFFFFF  }
0xcf: {  	_ =	task.clear_ibuf [dreg:s22], $0x2FFFF;
	_ =	strace $0x9FFFFFFF  }
0xd0: {  	(tm) =	ssettm $0x7FFFFFFF  }
0xd1: {  	_ =	shalt  }
tec
execute0_lowered:
.L_overlay_start_1:
0x0: {  	(tag) =	ssettag $0x1  }
0x1: {  	s0 =	srdreg.scid  }
0x2: {  	s15 =	sand.u32 $0x1, s0  }
0x3: {  	s1 =	stileid.u32;
	s3 =	sshll.u32 s15, $0x4  }
0x4: {  	s10 =	rddreg [dreg:$0x0];
	s2 =	simm.s32 $0x0;
	s11 =	sor.u32 s1, s3  }
0x5: {  	[smem:$0x7FF] =	sst s2;
	s3 =	sshll.u32 s11, $0x6  }
0x6: {  	s0 =	rddreg [dreg:$0x1];
	_ =	strace $0x8000005B;
	s4 =	sadd.s32 s3, s10  }
0x7: {  	_ =	strace $0x8000005C;
	s3 =	sadd.s32 $0x2200, s4  }
0x8: {  	[tilespmem:s2], [sflag:$0x1] =	stream.linear.gather [hbm4b:s3+s2], $0x100, $0x200038;
	[tilespmem:$0x10200] =	vst v63  }
0x9: {  	_ =	strace $0x9000005C  }
0xa: {  	s5 =	simm.s32 $0x100;
	s4 =	sadd.s32 $0x2220, s4;
	_ =	strace $0x8000005D  }
0xb: {  	[tilespmem:s5], [sflag:$0x2] =	stream.linear.gather [hbm4b:s4+s2], $0x100, $0x200038;
	[tilespmem:$0x10200] =	vst v63  }
0xc: {  	_ =	strace $0x9000005D  }
0xd: {  	s6 =	simm.s32 $0x1;
	_ =	strace $0x8000005E  }
0xe: {  	_ =	swait.ge [sflag:s6], $0x100  }
0xf: {  	[sflag:s6] =	ssyncset.done $0x0  }
0x10: {  	[sflag:s6] =	ssyncadd.s32 $0xFFFFFF00  }
0x11: {  	s8 =	simm.s32 $0x200;
	_ =	strace $0x9000005E  }
0x12: {  	s9 =	simm.s32 $0x5;
	s7 =	sadd.s32 $0x102A00, s10;
	_ =	strace $0x8000005F  }
0x13: {  	[tilespmem:s8], [sflag:$0x5] =	stream.indirect.gather [hbm4b:s7+s5], $0x80, s2, s5, $0x2000b8;
	[tilespmem:$0x10200] =	vst v63  }
0x14: {  	_ =	swait.ge [sflag:s9], $0x8000  }
0x15: {  	[sflag:s9] =	ssyncset.done $0x0  }
0x16: {  	s11 =	sshll.u32 s11, $0xD;
	[sflag:s9] =	ssyncadd.s32 $0xFFFF8000  }
0x17: {  	s13 =	sadd.s32 s11, s10;
	_ =	strace $0x9000005F  }
0x18: {  	s10 =	sadd.s32 $0x122A00, s13;
	_ =	strace $0x80000060  }
0x19: {  	[hbm4b:s10+s2] =	stream.linear.scatter [tilespmem:s8], [sflag:$0x3], $0x8000, $0x200038;
	[tilespmem:$0x10200] =	vst v63  }
0x1a: {  	_ =	strace $0x90000060  }
0x1b: {  	s11 =	simm.s32 $0x2;
	_ =	strace $0x8000005E  }
0x1c: {  	_ =	swait.ge [sflag:s11], $0x100  }
0x1d: {  	[sflag:s11] =	ssyncset.done $0x0  }
0x1e: {  	[sflag:s11] =	ssyncadd.s32 $0xFFFFFF00  }
0x1f: {  	_ =	strace $0x9000005E  }
0x20: {  	s12 =	simm.s32 $0x8200;
	_ =	strace $0x8000005F  }
0x21: {  	[tilespmem:s12], [sflag:$0x5] =	stream.indirect.gather [hbm4b:s7+s5], $0x80, s5, s5, $0x2000b8;
	[tilespmem:$0x10200] =	vst v63  }
0x22: {  	_ =	swait.ge [sflag:s9], $0x8000  }
0x23: {  	[sflag:s9] =	ssyncset.done $0x0  }
0x24: {  	[sflag:s9] =	ssyncadd.s32 $0xFFFF8000  }
0x25: {  	_ =	strace $0x9000005F  }
0x26: {  	s13 =	sadd.s32 $0x123A00, s13;
	_ =	strace $0x80000060  }
0x27: {  	[hbm4b:s13+s2] =	stream.linear.scatter [tilespmem:s12], [sflag:$0x4], $0x8000, $0x200038;
	[tilespmem:$0x10200] =	vst v63  }
0x28: {  	s15 =	ssub.s32 $0x2, s15;
	_ =	strace $0x90000060  }
0x29: {  	s14 =	simm.s32 $0x3;
	s16 =	sshrl.u32 s15, $0x1;
	_ =	strace $0x80000061  }
0x2a: {  	s16 =	ssub.s32 s15, s16;
	_ =	swait.ge [sflag:s14], $0x8000  }
0x2b: {  	s16 =	smax.u32 s16, $0x1;
	[sflag:s14] =	ssyncset.done $0x0  }
0x2c: {  	p0 =	sne.s32 s16, $0x1;
	[sflag:s14] =	ssyncadd.s32 $0xFFFF8000  }
.Ltmp0:
0x2d: {  	_ =	strace $0x90000061;
	(pc) =	sbr.rel @!p0 .LBB2_2-.Ltmp0, $4  }
0x2e: {  	s15 =	simm.s32 $0x4;
	_ =	strace $0x80000062  }
0x2f: {  	_ =	swait.ge [sflag:s15], $0x8000  }
0x30: {  	[sflag:s15] =	ssyncset.done $0x0  }
0x31: {  	s16 =	sadd.s32 $0xFFFFFFFF, s16;
	[sflag:s15] =	ssyncadd.s32 $0xFFFF8000  }
.LBB2_1:
0x32: {  	p0 =	sne.s32 s16, $0x1;
	s16 =	sadd.s32 $0xFFFFFFFF, s16;
	_ =	strace $0x90000062  }
0x33: {  	_ =	strace $0x8000005C  }
0x34: {  	[tilespmem:s2], [sflag:$0x1] =	stream.linear.gather [hbm4b:s3+s2], $0x100, $0x200038;
	[tilespmem:$0x10200] =	vst v63  }
0x35: {  	_ =	strace $0x9000005C  }
0x36: {  	_ =	strace $0x8000005D  }
0x37: {  	[tilespmem:s5], [sflag:$0x2] =	stream.linear.gather [hbm4b:s4+s2], $0x100, $0x200038;
	[tilespmem:$0x10200] =	vst v63  }
0x38: {  	_ =	strace $0x9000005D  }
0x39: {  	_ =	strace $0x8000005E  }
0x3a: {  	_ =	swait.ge [sflag:s6], $0x100  }
0x3b: {  	[sflag:s6] =	ssyncset.done $0x0  }
0x3c: {  	[sflag:s6] =	ssyncadd.s32 $0xFFFFFF00  }
0x3d: {  	_ =	strace $0x9000005E  }
0x3e: {  	_ =	strace $0x8000005F  }
0x3f: {  	[tilespmem:s8], [sflag:$0x5] =	stream.indirect.gather [hbm4b:s7+s5], $0x80, s2, s5, $0x2000b8;
	[tilespmem:$0x10200] =	vst v63  }
0x40: {  	_ =	swait.ge [sflag:s9], $0x8000  }
0x41: {  	[sflag:s9] =	ssyncset.done $0x0  }
0x42: {  	[sflag:s9] =	ssyncadd.s32 $0xFFFF8000  }
0x43: {  	_ =	strace $0x9000005F  }
0x44: {  	_ =	strace $0x80000060  }
0x45: {  	[hbm4b:s10+s2] =	stream.linear.scatter [tilespmem:s8], [sflag:$0x3], $0x8000, $0x200038;
	[tilespmem:$0x10200] =	vst v63  }
0x46: {  	_ =	strace $0x90000060  }
0x47: {  	_ =	strace $0x8000005E  }
0x48: {  	_ =	swait.ge [sflag:s11], $0x100  }
0x49: {  	[sflag:s11] =	ssyncset.done $0x0  }
0x4a: {  	[sflag:s11] =	ssyncadd.s32 $0xFFFFFF00  }
0x4b: {  	_ =	strace $0x9000005E  }
0x4c: {  	_ =	strace $0x8000005F  }
0x4d: {  	[tilespmem:s12], [sflag:$0x5] =	stream.indirect.gather [hbm4b:s7+s5], $0x80, s5, s5, $0x2000b8;
	[tilespmem:$0x10200] =	vst v63  }
0x4e: {  	_ =	swait.ge [sflag:s9], $0x8000  }
0x4f: {  	[sflag:s9] =	ssyncset.done $0x0  }
0x50: {  	[sflag:s9] =	ssyncadd.s32 $0xFFFF8000  }
0x51: {  	_ =	strace $0x9000005F  }
0x52: {  	_ =	strace $0x80000060  }
0x53: {  	[hbm4b:s13+s2] =	stream.linear.scatter [tilespmem:s12], [sflag:$0x4], $0x8000, $0x200038;
	[tilespmem:$0x10200] =	vst v63  }
0x54: {  	_ =	strace $0x90000060  }
0x55: {  	_ =	strace $0x80000061  }
0x56: {  	_ =	swait.ge [sflag:s14], $0x8000  }
0x57: {  	[sflag:s14] =	ssyncset.done $0x0  }
0x58: {  	[sflag:s14] =	ssyncadd.s32 $0xFFFF8000  }
.Ltmp1:
0x59: {  	_ =	strace $0x90000061;
	(pc) =	sbr.rel @p0 .LBB2_1-.Ltmp1, $4  }
0x5a: {  	_ =	strace $0x80000062  }
0x5b: {  	_ =	swait.ge [sflag:s15], $0x8000  }
0x5c: {  	[sflag:s15] =	ssyncset.done $0x0  }
0x5d: {  	[sflag:s15] =	ssyncadd.s32 $0xFFFF8000  }
.LBB2_2:
0x5e: {  	_ =	strace $0x90000062  }
0x5f: {  	_ =	sfence.sel $0x180000  }
0x60: {  	[bflag:$0x0] =	sbarrier.arrive $0xFFFF  }
0x61: {  	p0 =	sne.s32 s1, $0x0;
	_ =	strace $0x9000005B  }
0x62: {  	s0 =	sadd.s32 @!p0 $0x100000, s0;
	[bflag:$0x2] =	sbarrier.arrive $0xFFFF  }
0x63: {  	[sflag:s0] =	ssyncadd.tile.s32 @!p0 $0x1;
	_ =	shalt  }
.Lfunc_end2:
_tile_overlayer_lowered:
.L_overlay_start_2:
0x64: {  	(tag) =	ssettag $0x2  }
0x65: {  	s0 =	rddreg [dreg:$0x0];
	s2 =	stileid.u32  }
0x66: {  	s1 =	rddreg [dreg:$0x1];
	p0 =	sne.s32 s2, $0x0  }
0x67: {  	s3 =	rddreg [dreg:$0x2];
	[bflag:$0x3] =	sbarrier.arrive $0xFFFF;
	s2 =	simm.s32 @!p0 $0x1C01  }
0x68: {  	[timem:s3], [sflag:s2] =	dma.local @!p0 [hbm:s0], s1  }
0x69: {  	s0 =	simm.s32 @!p0 $0x1  }
0x6a: {  	_ =	swait.ge @!p0 [sflag:s0], s1  }
0x6b: {  	s1 =	ssub.s32 @!p0 $0x0, s1;
	[sflag:s0] =	ssyncset.done @!p0 $0x0  }
0x6c: {  	[sflag:s0] =	ssyncadd.s32 @!p0 s1  }
0x6d: {  	[bflag:$0x3] =	sbarrier.arrive $0xFFFF  }
0x6e: {  	_ =	shalt  }

// kernel: kernel.7.cloned.1.call-start
scs
__scs_entry_jumppad:
0x0: {  	(pc) =	sbr.rel $0x88, $3  }
0x1: {  	(tag) =	ssettag $0x0;
	lr =	simm.s32 $0x1  }
0x2: {  	[smem:$0x3F9F] =	sst lr;
	_ =	strace $0xD0000000  }
0x3: {  	_ = 	snop  }
0x4: {  	_ = 	snop  }
0x5: {  	_ = 	snop  }
0x6: {  	_ = 	snop  }
0x7: {  	_ = 	snop  }
__scs_overlays_trampoline_lowered:
0x8: {  	[smem:$0x3FAE] =	sst s0  }
0x9: {  	[smem:$0x3FAF] =	sst s1  }
0xa: {  	[smem:$0x3FB0] =	sst s2  }
0xb: {  	[smem:$0x3FB1] =	sst s3  }
0xc: {  	[smem:$0x3FB2] =	sst s4  }
0xd: {  	[smem:$0x3FB3] =	sst s5  }
0xe: {  	[smem:$0x3FB4] =	sst s6  }
0xf: {  	[smem:$0x3FB5] =	sst s7  }
0x10: {  	[smem:$0x3FB6] =	sst s8  }
0x11: {  	[smem:$0x3FB7] =	sst s9;
	s0 =	simm.s32 @!p0 $0x0  }
0x12: {  	s1 =	sld [smem:$0x3F9D];
	s0 =	simm.s32 @p0 $0x1  }
0x13: {  	[smem:$0x3FB8] =	sst s0;
	s0 =	simm.s32 @!p1 $0x0  }
0x14: {  	s2 =	sld [smem:$0x3F9C];
	s0 =	simm.s32 @p1 $0x1  }
0x15: {  	[smem:$0x3FB9] =	sst s0;
	s0 =	simm.s32 @!p2 $0x0  }
0x16: {  	s3 =	sld [smem:$0x3FDB];
	s0 =	simm.s32 @p2 $0x1  }
0x17: {  	s4 =	simm.s32 $0x1BF5;
	[smem:$0x3FBB] =	sst s0  }
0x18: {  	s0 =	sld [smem:$0x3F9E];
	_ =	swait.ge [sflag:s4], $0x0  }
0x19: {  	s7 =	sld [smem:$0x3F9F]  }
0x1a: {  	s8 =	sadd.s32 $0xFFFFE003, lr  }
0x1b: {  	s9 =	sadd.s32 $0xFFFFFEF7, lr;
	s5 =	simm.s32 $0xFFFFFFFF;
	p2 =	slt.u32 s8, $0xFFFFF086  }
0x1c: {  	p1 =	slt.u32 s9, $0xF7A;
	s5 =	simm.s32 @!p2 $0x0  }
0x1d: {  	s5 =	simm.s32 @p1 $0x1;
	p0 =	seq.s32 s7, s2  }
0x1e: {  	s7 =	smul.u32 @!p0 $0xF7A, s2;
	p2 =	seq.s32 @!p0 s5, $0x0  }
0x1f: {  	s9 =	smul.u32 $0xF7A, s1;
	s8 =	simm.s32 @!p0 $0x1BF5;
	p2 =	por !p2, p0  }
0x20: {  	[sflag:s8] =	ssyncset.s32 @!p0 $0xFFFFF086;
	s6 =	sadd.s32 @!p0 s3, s7;
	s7 =	simm.s32 @!p0 $0x108  }
0x21: {  	s3 =	sadd.s32 s3, s9;
	s6 =	sadd.s32 @!p0 $0x88, s6;
	s7 =	simm.s32 @p2 $0x1082  }
0x22: {  	[simem:s7], [sflag:s8] =	dma.local @!p0 [hbm:s6], $0xF7A  }
0x23: {  	s9 =	sor.u32 $0xD0000000, s2;
	s6 =	simm.s32 $0x108;
	_ =	swait.ge @!p0 [sflag:s8], $0x0  }
0x24: {  	s3 =	sadd.s32 $0x88, s3;
	s6 =	simm.s32 @!p1 $0x1082;
	[sflag:s4] =	ssyncset.s32 $0xFFFFF086  }
0x25: {  	[simem:s6], [sflag:s4] =	dma.local [hbm:s3], $0xF7A  }
0x26: {  	[smem:$0x3F9F] =	sst s1;
	(tag) =	ssettag s2;
	_ =	strace s9  }
0x27: {  	s1 =	sld [smem:$0x3FAF]  }
0x28: {  	s2 =	sld [smem:$0x3FB0]  }
0x29: {  	s4 =	sld [smem:$0x3FB2]  }
0x2a: {  	p0 =	seq.s32 s5, $0x0;
	s5 =	sld [smem:$0x3FB3]  }
0x2b: {  	s6 =	sld [smem:$0x3FB4]  }
0x2c: {  	s7 =	sld [smem:$0x3FB5]  }
0x2d: {  	s3 =	simm.s32 $0x108;
	s8 =	sld [smem:$0x3FB6]  }
0x2e: {  	s3 =	simm.s32 @!p0 $0x1082;
	s9 =	sld [smem:$0x3FB7]  }
0x2f: {  	lr =	sadd.s32 s0, s3;
	s0 =	sld [smem:$0x3FAE]  }
0x30: {  	s3 =	sld [smem:$0x3FB1]  }
0x31: {  	[smem:$0x3FBA] =	sst s10  }
0x32: {  	s10 =	sld [smem:$0x3FB8];
	_ =	sdelay $0x3  }
0x33: {  	p0 =	seq.s32 s10, $0x1;
	s10 =	sld [smem:$0x3FBA];
	_ =	sdelay $0x3  }
0x34: {  	[smem:$0x3FBA] =	sst s10  }
0x35: {  	s10 =	sld [smem:$0x3FB9];
	_ =	sdelay $0x3  }
0x36: {  	p1 =	seq.s32 s10, $0x1;
	s10 =	sld [smem:$0x3FBA];
	_ =	sdelay $0x3  }
0x37: {  	[smem:$0x3FBA] =	sst s10  }
0x38: {  	s10 =	sld [smem:$0x3FBB]  }
0x39: {  	_ = 	snop;
	(pc) =	sbr.ind lr, $3  }
0x3a: {  	_ = 	snop  }
0x3b: {  	_ = 	snop  }
0x3c: {  	p2 =	seq.s32 s10, $0x1;
	s10 =	sld [smem:$0x3FBA]  }
0x3d: {  	_ =	shalt  }
0x3e: {  	_ =	shalt  }
0x3f: {  	_ =	shalt  }
0x40: {  	_ =	shalt  }
0x41: {  	_ =	shalt  }
0x42: {  	_ =	shalt  }
0x43: {  	_ =	shalt  }
0x44: {  	_ =	shalt  }
0x45: {  	_ =	shalt  }
0x46: {  	_ =	shalt  }
0x47: {  	_ =	shalt  }
0x48: {  	_ =	shalt  }
0x49: {  	_ =	shalt  }
0x4a: {  	_ =	shalt  }
0x4b: {  	_ =	shalt  }
0x4c: {  	_ =	shalt  }
0x4d: {  	_ =	shalt  }
0x4e: {  	_ =	shalt  }
0x4f: {  	_ =	shalt  }
0x50: {  	_ =	shalt  }
0x51: {  	_ =	shalt  }
0x52: {  	_ =	shalt  }
0x53: {  	_ =	shalt  }
0x54: {  	_ =	shalt  }
0x55: {  	_ =	shalt  }
0x56: {  	_ =	shalt  }
0x57: {  	_ =	shalt  }
0x58: {  	_ =	shalt  }
0x59: {  	_ =	shalt  }
0x5a: {  	_ =	shalt  }
0x5b: {  	_ =	shalt  }
0x5c: {  	_ =	shalt  }
0x5d: {  	_ =	shalt  }
0x5e: {  	_ =	shalt  }
0x5f: {  	_ =	shalt  }
0x60: {  	_ =	shalt  }
0x61: {  	_ =	shalt  }
0x62: {  	_ =	shalt  }
0x63: {  	_ =	shalt  }
0x64: {  	_ =	shalt  }
0x65: {  	_ =	shalt  }
0x66: {  	_ =	shalt  }
0x67: {  	_ =	shalt  }
0x68: {  	_ =	shalt  }
0x69: {  	_ =	shalt  }
0x6a: {  	_ =	shalt  }
0x6b: {  	_ =	shalt  }
0x6c: {  	_ =	shalt  }
0x6d: {  	_ =	shalt  }
0x6e: {  	_ =	shalt  }
0x6f: {  	_ =	shalt  }
0x70: {  	_ =	shalt  }
0x71: {  	_ =	shalt  }
0x72: {  	_ =	shalt  }
0x73: {  	_ =	shalt  }
0x74: {  	_ =	shalt  }
0x75: {  	_ =	shalt  }
0x76: {  	_ =	shalt  }
0x77: {  	_ =	shalt  }
0x78: {  	_ =	shalt  }
0x79: {  	_ =	shalt  }
0x7a: {  	_ =	shalt  }
0x7b: {  	_ =	shalt  }
0x7c: {  	_ =	shalt  }
0x7d: {  	_ =	shalt  }
0x7e: {  	_ =	shalt  }
0x7f: {  	_ =	shalt  }
0x80: {  	_ =	shalt  }
0x81: {  	_ =	shalt  }
0x82: {  	_ =	shalt  }
0x83: {  	_ =	shalt  }
0x84: {  	_ =	shalt  }
0x85: {  	_ =	shalt  }
0x86: {  	_ =	shalt  }
0x87: {  	_ =	shalt  }
.Lfunc_end0:
.L_simem_size_0:
called_computation_lowered:
.L_overlay_start_0:
0x88: {  	s2 =	sld [smem:$0x3FD9]  }
0x89: {  	s3 =	sld [smem:$0x3FFE];
	_ =	sdelay $0x1  }
0x8a: {  	s1 =	srdreg.scid  }
0x8b: {  	s0 =	sand.u32 $0x1, s1  }
0x8c: {  	s17 =	sshll.u32 s0, $0xA;
	s2 =	sadd.s32 s3, s2  }
0x8d: {  	s2 =	sadd.s32 s2, s17  }
0x8e: {  	[smem:$0x3FC6] =	sst s2  }
0x8f: {  	_ = 	snop  }
0x90: {  	s2 =	sld [smem:$0x3FC9];
	(tm) =	ssettm $0x1  }
0x91: {  	s18 =	sld [smem:$0x3FFB];
	_ =	sdelay $0x3  }
0x92: {  	_ =	strace s18  }
0x93: {  	s3 =	sld [smem:$0x3FFC];
	_ =	sdelay $0x3  }
0x94: {  	_ =	strace s3  }
0x95: {  	s3 =	sld [smem:$0x3FFD];
	_ =	sdelay $0x3  }
0x96: {  	_ =	strace s3  }
0x97: {  	_ =	strace $0x8FFFFFFF  }
0x98: {  	s19 =	sld [smem:$0x3FDB];
	_ =	sdelay $0x1  }
0x99: {  	s4 =	simm.s32 $_scs_section_size  }
0x9a: {  	s5 =	simm.s32 $_size__tile_overlayer_lowered;
	s6 =	simm.s32 $_tile_overlayer_lowered  }
0x9b: {  	s22 =	simm.s32 $0x1BFF;
	s21 =	sshll.u32 s6, $0x1;
	s3 =	sadd.s32 s4, s19  }
0x9c: {  	s7 =	simm.s32 $0x0;
	s20 =	sshll.u32 s5, $0x1;
	s5 =	sadd.s32 s21, s3  }
0x9d: {  	[timem:s7], [sflag:s22] =	dma.local [hbm:s5], s20  }
0x9e: {  	_ =	swait.ge [sflag:s22], s20  }
0x9f: {  	s4 =	ssub.s32 $0x0, s20;
	[sflag:s22] =	ssyncset.done $0x0  }
0xa0: {  	[sflag:s22] =	ssyncadd.s32 s4;
	_ =	sdelay $0x1  }
0xa1: {  	s23 =	simm.s32 $0x1B8B  }
0xa2: {  	_ =	swait.ge [sflag:s23], $0x1  }
0xa3: {  	[sflag:s23] =	ssyncset.done $0x0  }
0xa4: {  	s25 =	simm.s32 $0x1B8E;
	s24 =	sld [smem:$0x3FFE];
	[sflag:s23] =	ssyncadd.s32 $0xFFFFFFFF  }
0xa5: {  	s26 =	simm.s32 $execute0_lowered;
	[smem:$0x3FD2] =	sst s25  }
0xa6: {  	s5 =	sshll.u32 s26, $0x1;
	_ =	strace $0x80000046;
	[dreg:$0x1] =	wrdreg $0xFFFFFFFF  }
0xa7: {  	s28 =	simm.s32 $_size_execute0_lowered;
	s3 =	sadd.s32 s3, s5;
	[dreg:$0x0] =	wrdreg $0x0  }
0xa8: {  	s5 =	sshll.u32 s28, $0x1;
	[dreg:$0x2] =	wrdreg s3  }
0xa9: {  	[dreg:$0x3] =	wrdreg s5  }
0xaa: {  	[dreg:$0x4] =	wrdreg $0xC0  }
0xab: {  	_ =	task [dreg:s7], $0x5FFFF  }
0xac: {  	[dreg:$0x1] =	wrdreg $0xFFFFFFFF  }
0xad: {  	[dreg:$0x0] =	wrdreg $0x60  }
0xae: {  	[dreg:$0x2] =	wrdreg s2  }
0xaf: {  	[dreg:$0x3] =	wrdreg s24  }
0xb0: {  	[dreg:$0x4] =	wrdreg $0x9  }
0xb1: {  	_ =	task.clear_ibuf [dreg:s7], $0x5FFFF;
	_ =	strace $0x90000046  }
0xb2: {  	s29 =	simm.s32 $0x9;
	_ =	strace $0x8000004F  }
0xb3: {  	_ =	swait.ge [sflag:s29], $0x1  }
0xb4: {  	[sflag:s29] =	ssyncadd.s32 $0xFFFFFFFF  }
0xb5: {  	_ =	strace $0x9000004F  }
0xb6: {  	_ =	sfence  }
0xb7: {  	s30 =	sld [smem:$0x0];
	_ =	sdelay $0x2  }
0xb8: {  	s31 =	sshll.u32 s1, $0xD;
	s1 =	sshrl.u32 s1, $0x2  }
0xb9: {  	s3 =	sand.u32 $0x4000, s31;
	s1 =	sadd.s32 s1, s30  }
0xba: {  	s0 =	sor.u32 s3, s0;
	s1 =	sshll.u32 s1, $0x11  }
0xbb: {  	s0 =	sor.u32 s1, s0  }
0xbc: {  	s0 =	sadd.s32 $0x8F2B, s0  }
0xbd: {  	[sflag:s0] =	ssyncadd.remote.s32 $0x1  }
0xbe: {  	_ =	sfence.sel $0xFFFF  }
0xbf: {  	[dreg:$0x0] =	wrdreg $0xFFFFFFFF;
	(pc) =	sbr.abs _section_cstart, $3  }
0xc0: {  	[dreg:$0x1] =	wrdreg $0xFFFFFFFF  }
0xc1: {  	_ =	task.clear_ibuf [dreg:s7], $0x2FFFF;
	_ =	strace $0x9FFFFFFF  }
0xc2: {  	(tm) =	ssettm $0x7FFFFFFF  }
0xc3: {  	_ =	shalt  }
tec
execute0_lowered:
.L_overlay_start_1:
0x0: {  	(tag) =	ssettag $0x1  }
0x1: {  	s1 =	rddreg [dreg:$0x0]  }
0x2: {  	s5 =	rddreg [dreg:$0x1]  }
0x3: {  	s0 =	rddreg [dreg:$0x2]  }
0x4: {  	s2 =	simm.s32 $0x0;
	s3 =	srdreg.scid;
	s9 =	simm.s32 $0x4  }
0x5: {  	s10 =	simm.s32 $0x0;
	[smem:$0x7FF] =	sst s2;
	s4 =	sadd.s32 $0x2200, s5  }
0x6: {  	s6 =	sand.u32 $0x1, s3;
	s3 =	stileid.u32;
	s5 =	sadd.s32 $0x2A00, s5  }
0x7: {  	_ =	strace $0x80000047;
	s7 =	ssub.s32 $0x2, s6;
	s6 =	sshll.u32 s6, $0x4  }
0x8: {  	v2 =	vlaneseq.u32;
	[dreg:$0x3] =	wrdreg s5;
	s8 =	sshrl.u32 s7, $0x1;
	s6 =	sor.u32 s3, s6  }
0x9: {  	vm0 =	vmmov $0xffff;
	v1 =	vshrl.u32 v2, $0x3;
	s7 =	ssub.s32 s7, s8;
	s31 =	sshll.u32 s6, $0x6;
	s5 =	sshll.u32 s6, $0x2  }
0xa: {  	v0 =	vand.u32 $0x7, v2;
	v2 =	vor.u32 $0x8, v2;
	v1 =	vmul.u32 $0x8, v1;
	s8 =	simm.s32 $0x5;
	s6 =	sadd.s32 s4, s31;
	s7 =	smax.u32 s7, $0x1  }
.LBB2_1:
0xb: {  	_ =	strace $0x80000048;
	s11 =	simm.s32 $0x4  }
0xc: {  	s12 =	simm.s32 $0x0;
	s13 =	simm.s32 $0x0;
	s14 =	simm.s32 $0x0  }
0xd: {  	[tilespmem:s2], [sflag:$0x1] =	stream.linear.gather [hbm4b:s6+s2], $0x80, $0x200038;
	[tilespmem:$0x10100] =	vst v63  }
0xe: {  	s15 =	simm.s32 $0x0;
	s16 =	simm.s32 $0x1;
	_ =	strace $0x90000048  }
.LBB2_2:
0xf: {  	s17 =	smov.u32 s12;
	s12 =	sadd.s32 $0x1, s12  }
0x10: {  	p0 =	seq.s32 s12, $0x4  }
0x11: {  	s12 =	simm.s32 @p0 $0x0  }
0x12: {  	p6 =	sne.s32 s11, $0x1;
	p1 =	sne.s32 s17, s12  }
0x13: {  	p0 =	por !p6, !p1  }
0x14: {  	p0 =	por !p0, !p0  }
0x15: {  	s18 =	sadd.s32 @p0 s5, s12  }
0x16: {  	s19 =	sand.u32 @p0 $0x1, s16;
	s18 =	sshll.u32 @p0 s18, $0x4  }
0x17: {  	_ =	strace @p0 $0x80000049;
	s21 =	simm.s32 @p0 $0x0;
	s18 =	sand.u32 @p0 $0x1FFFFFF0, s18  }
0x18: {  	s20 =	sshll.u32 @p0 s19, $0x7;
	s19 =	sadd.s32 @p0 $0x1, s19;
	s18 =	sadd.s32 @p0 s4, s18  }
0x19: {  	[tilespmem:s20], [sflag:s19] =	stream.linear.gather @p0 [hbm4b:s18+s21], $0x80, $0x200038;
	[tilespmem:$0x10100] =	vst v63  }
0x1a: {  	s24 =	sand.u32 $0x1, s15;
	_ =	strace @p0 $0x90000049  }
0x1b: {  	s18 =	sadd.s32 $0x1, s24;
	_ =	strace $0x8000004A  }
0x1c: {  	_ =	swait.ge [sflag:s18], $0x80  }
0x1d: {  	[sflag:s18] =	ssyncset.done $0x0  }
0x1e: {  	[sflag:s18] =	ssyncadd.s32 $0xFFFFFF80  }
0x1f: {  	s25 =	sshll.u32 s15, $0x7;
	_ =	strace $0x9000004A  }
0x20: {  	s21 =	sand.u32 $0x80, s25;
	_ =	strace $0x8000004B  }
0x21: {  	v3 =	vld [tilespmem:s21+$0x0];
	_ =	sdelay $0x4  }
0x22: {  	v4 =	vshll.u32 v3, $0x1  }
0x23: {  	v3 =	vand.u32 $0x7, v3;
	v4 =	vand.u32 $0xFFFFFFF0, v4  }
0x24: {  	v3 =	vor.u32 v3, v4  }
0x25: {  	v4 =	vperm.xlane v3, v0;
	_ =	sdelay $0x1  }
0x26: {  	v3 =	vperm.xlane v3, v2;
	v4 =	vadd.s32 v1, v4;
	_ =	sdelay $0x1  }
0x27: {  	s18 =	sand.u32 $0x1, s14;
	v3 =	vadd.s32 v1, v3  }
0x28: {  	s20 =	sshll.u32 s18, $0xF  }
0x29: {  	s19 =	sor.u32 $0x100, s20  }
0x2a: {  	[tilespmem:s19], [sflag:$0x5] =	stream.indirect_vreg.gather [hbm4b:s1+s2], $0x80, v4, vm0, $0x2000b8;
	[tilespmem:$0x10100] =	vst v63  }
0x2b: {  	s22 =	sor.u32 $0x900, s20  }
0x2c: {  	[tilespmem:s22], [sflag:$0x5] =	stream.indirect_vreg.gather [hbm4b:s1+s2], $0x80, v3, vm0, $0x2000b8;
	[tilespmem:$0x10100] =	vst v63  }
0x2d: {  	v3 =	vld [tilespmem:s21+$0x10];
	_ =	sdelay $0x4  }
0x2e: {  	v57 =	vshll.u32 v3, $0x1  }
0x2f: {  	v3 =	vand.u32 $0x7, v3;
	v4 =	vand.u32 $0xFFFFFFF0, v57  }
0x30: {  	v3 =	vor.u32 v3, v4  }
0x31: {  	v4 =	vperm.xlane v3, v0;
	_ =	sdelay $0x1  }
0x32: {  	v3 =	vperm.xlane v3, v2;
	v4 =	vadd.s32 v1, v4;
	_ =	sdelay $0x1  }
0x33: {  	v3 =	vadd.s32 v1, v3;
	_ =	sdelay $0x1  }
0x34: {  	s26 =	sor.u32 $0x1100, s20  }
0x35: {  	[tilespmem:s26], [sflag:$0x5] =	stream.indirect_vreg.gather [hbm4b:s1+s2], $0x80, v4, vm0, $0x2000b8;
	[tilespmem:$0x10100] =	vst v63  }
0x36: {  	s28 =	sor.u32 $0x1900, s20  }
0x37: {  	[tilespmem:s28], [sflag:$0x5] =	stream.indirect_vreg.gather [hbm4b:s1+s2], $0x80, v3, vm0, $0x2000b8;
	[tilespmem:$0x10100] =	vst v63  }
0x38: {  	v3 =	vld [tilespmem:s21+$0x20];
	_ =	sdelay $0x4  }
0x39: {  	v58 =	vshll.u32 v3, $0x1  }
0x3a: {  	v3 =	vand.u32 $0x7, v3;
	v4 =	vand.u32 $0xFFFFFFF0, v58  }
0x3b: {  	v3 =	vor.u32 v3, v4  }
0x3c: {  	v4 =	vperm.xlane v3, v0;
	_ =	sdelay $0x1  }
0x3d: {  	v3 =	vperm.xlane v3, v2;
	v4 =	vadd.s32 v1, v4;
	_ =	sdelay $0x1  }
0x3e: {  	v3 =	vadd.s32 v1, v3;
	_ =	sdelay $0x1  }
0x3f: {  	s29 =	sor.u32 $0x2100, s20  }
0x40: {  	[tilespmem:s29], [sflag:$0x5] =	stream.indirect_vreg.gather [hbm4b:s1+s2], $0x80, v4, vm0, $0x2000b8;
	[tilespmem:$0x10100] =	vst v63  }
0x41: {  	s30 =	sor.u32 $0x2900, s20  }
0x42: {  	[tilespmem:s30], [sflag:$0x5] =	stream.indirect_vreg.gather [hbm4b:s1+s2], $0x80, v3, vm0, $0x2000b8;
	[tilespmem:$0x10100] =	vst v63  }
0x43: {  	v3 =	vld [tilespmem:s21+$0x30];
	_ =	sdelay $0x4  }
0x44: {  	v59 =	vshll.u32 v3, $0x1  }
0x45: {  	v3 =	vand.u32 $0x7, v3;
	v4 =	vand.u32 $0xFFFFFFF0, v59  }
0x46: {  	v3 =	vor.u32 v3, v4  }
0x47: {  	v4 =	vperm.xlane v3, v0;
	_ =	sdelay $0x1  }
0x48: {  	v3 =	vperm.xlane v3, v2;
	v4 =	vadd.s32 v1, v4;
	_ =	sdelay $0x1  }
0x49: {  	v3 =	vadd.s32 v1, v3;
	_ =	sdelay $0x1  }
0x4a: {  	s31 =	sor.u32 $0x3100, s20  }
0x4b: {  	[tilespmem:s31], [sflag:$0x5] =	stream.indirect_vreg.gather [hbm4b:s1+s2], $0x80, v4, vm0, $0x2000b8;
	[tilespmem:$0x10100] =	vst v63  }
0x4c: {  	s23 =	sor.u32 $0x3900, s20  }
0x4d: {  	[tilespmem:s23], [sflag:$0x5] =	stream.indirect_vreg.gather [hbm4b:s1+s2], $0x80, v3, vm0, $0x2000b8;
	[tilespmem:$0x10100] =	vst v63  }
0x4e: {  	v3 =	vld [tilespmem:s21+$0x40];
	_ =	sdelay $0x4  }
0x4f: {  	v60 =	vshll.u32 v3, $0x1  }
0x50: {  	v3 =	vand.u32 $0x7, v3;
	v4 =	vand.u32 $0xFFFFFFF0, v60  }
0x51: {  	v3 =	vor.u32 v3, v4  }
0x52: {  	v4 =	vperm.xlane v3, v0;
	_ =	sdelay $0x1  }
0x53: {  	v3 =	vperm.xlane v3, v2;
	v4 =	vadd.s32 v1, v4;
	_ =	sdelay $0x1  }
0x54: {  	v3 =	vadd.s32 v1, v3;
	_ =	sdelay $0x1  }
0x55: {  	s24 =	sor.u32 $0x4100, s20  }
0x56: {  	[tilespmem:s24], [sflag:$0x5] =	stream.indirect_vreg.gather [hbm4b:s1+s2], $0x80, v4, vm0, $0x2000b8;
	[tilespmem:$0x10100] =	vst v63  }
0x57: {  	s25 =	sor.u32 $0x4900, s20  }
0x58: {  	[tilespmem:s25], [sflag:$0x5] =	stream.indirect_vreg.gather [hbm4b:s1+s2], $0x80, v3, vm0, $0x2000b8;
	[tilespmem:$0x10100] =	vst v63  }
0x59: {  	v3 =	vld [tilespmem:s21+$0x50];
	_ =	sdelay $0x4  }
0x5a: {  	v61 =	vshll.u32 v3, $0x1  }
0x5b: {  	v3 =	vand.u32 $0x7, v3;
	v4 =	vand.u32 $0xFFFFFFF0, v61  }
0x5c: {  	v3 =	vor.u32 v3, v4  }
0x5d: {  	v4 =	vperm.xlane v3, v0;
	_ =	sdelay $0x1  }
0x5e: {  	v3 =	vperm.xlane v3, v2;
	v4 =	vadd.s32 v1, v4;
	_ =	sdelay $0x1  }
0x5f: {  	v3 =	vadd.s32 v1, v3;
	_ =	sdelay $0x1  }
0x60: {  	s26 =	sor.u32 $0x5100, s20  }
0x61: {  	[tilespmem:s26], [sflag:$0x5] =	stream.indirect_vreg.gather [hbm4b:s1+s2], $0x80, v4, vm0, $0x2000b8;
	[tilespmem:$0x10100] =	vst v63  }
0x62: {  	s28 =	sor.u32 $0x5900, s20  }
0x63: {  	[tilespmem:s28], [sflag:$0x5] =	stream.indirect_vreg.gather [hbm4b:s1+s2], $0x80, v3, vm0, $0x2000b8;
	[tilespmem:$0x10100] =	vst v63  }
0x64: {  	v3 =	vld [tilespmem:s21+$0x60];
	_ =	sdelay $0x4  }
0x65: {  	v62 =	vshll.u32 v3, $0x1  }
0x66: {  	v3 =	vand.u32 $0x7, v3;
	v4 =	vand.u32 $0xFFFFFFF0, v62  }
0x67: {  	v3 =	vor.u32 v3, v4  }
0x68: {  	v4 =	vperm.xlane v3, v0;
	_ =	sdelay $0x1  }
0x69: {  	v3 =	vperm.xlane v3, v2;
	v4 =	vadd.s32 v1, v4;
	_ =	sdelay $0x1  }
0x6a: {  	v3 =	vadd.s32 v1, v3;
	_ =	sdelay $0x1  }
0x6b: {  	s29 =	sor.u32 $0x6100, s20  }
0x6c: {  	[tilespmem:s29], [sflag:$0x5] =	stream.indirect_vreg.gather [hbm4b:s1+s2], $0x80, v4, vm0, $0x2000b8;
	[tilespmem:$0x10100] =	vst v63  }
0x6d: {  	s30 =	sor.u32 $0x6900, s20  }
0x6e: {  	[tilespmem:s30], [sflag:$0x5] =	stream.indirect_vreg.gather [hbm4b:s1+s2], $0x80, v3, vm0, $0x2000b8;
	[tilespmem:$0x10100] =	vst v63  }
0x6f: {  	v3 =	vld [tilespmem:s21+$0x70];
	_ =	sdelay $0x4  }
0x70: {  	v63 =	vshll.u32 v3, $0x1  }
0x71: {  	v3 =	vand.u32 $0x7, v3;
	v4 =	vand.u32 $0xFFFFFFF0, v63  }
0x72: {  	v3 =	vor.u32 v3, v4  }
0x73: {  	v4 =	vperm.xlane v3, v0;
	_ =	sdelay $0x1  }
0x74: {  	v3 =	vperm.xlane v3, v2;
	v4 =	vadd.s32 v1, v4;
	_ =	sdelay $0x1  }
0x75: {  	v3 =	vadd.s32 v1, v3;
	_ =	sdelay $0x1  }
0x76: {  	s31 =	sor.u32 $0x7100, s20  }
0x77: {  	[tilespmem:s31], [sflag:$0x5] =	stream.indirect_vreg.gather [hbm4b:s1+s2], $0x80, v4, vm0, $0x2000b8;
	[tilespmem:$0x10100] =	vst v63  }
0x78: {  	s20 =	sor.u32 $0x7900, s20  }
0x79: {  	[tilespmem:s20], [sflag:$0x5] =	stream.indirect_vreg.gather [hbm4b:s1+s2], $0x80, v3, vm0, $0x2000b8;
	[tilespmem:$0x10100] =	vst v63  }
0x7a: {  	_ =	swait.ge [sflag:s8], $0x8000  }
0x7b: {  	p2 =	seq.s32 s11, $0x1;
	[sflag:s8] =	ssyncset.done $0x0  }
0x7c: {  	s17 =	sadd.s32 s5, s17;
	p1 =	por p2, p1;
	[sflag:s8] =	ssyncadd.s32 $0xFFFF8000  }
0x7d: {  	s17 =	sshll.u32 @p1 s17, $0xC;
	_ =	strace $0x9000004B  }
0x7e: {  	s17 =	sand.u32 @p1 $0x1FFFF000, s17;
	s21 =	simm.s32 $0x1;
	_ =	strace @p1 $0x8000004C  }
0x7f: {  	s18 =	sadd.s32 @p1 $0x3, s18;
	s21 =	simm.s32 @!p0 $0x0;
	s20 =	rddreg [dreg:$0x3]  }
0x80: {  	p0 =	seq.s32 s11, $0x4;
	s17 =	sadd.s32 @p1 s20, s17;
	s20 =	simm.s32 @p1 $0x0  }
0x81: {  	[hbm4b:s17+s20] =	stream.linear.scatter @p1 [tilespmem:s19], [sflag:s18], $0x8000, $0x200038;
	[tilespmem:$0x10100] =	vst v63  }
0x82: {  	s17 =	simm.s32 $0x1;
	s19 =	simm.s32 $0x1;
	_ =	strace @p1 $0x9000004C  }
0x83: {  	s17 =	simm.s32 @!p1 $0x0;
	p1 =	sne.s32 s11, $0x4;
	s11 =	sadd.s32 $0xFFFFFFFF, s11  }
0x84: {  	s18 =	sand.u32 @!p0 $0x1, s13;
	s19 =	simm.s32 @!p1 $0x0;
	p1 =	sne.s32 s11, $0x0  }
.Ltmp0:
0x85: {  	s18 =	sadd.s32 @!p0 $0x3, s18;
	_ =	strace @!p0 $0x8000004D;
	(pc) =	sbr.rel @p1 .LBB2_2-.Ltmp0, $4  }
0x86: {  	_ =	swait.ge @!p0 [sflag:s18], $0x8000  }
0x87: {  	[sflag:s18] =	ssyncset.done @!p0 $0x0  }
0x88: {  	s16 =	sadd.s32 s21, s16;
	s14 =	sadd.s32 s17, s14;
	[sflag:s18] =	ssyncadd.s32 @!p0 $0xFFFF8000  }
0x89: {  	s15 =	sadd.s32 s17, s15;
	s13 =	sadd.s32 s19, s13;
	_ =	strace @!p0 $0x9000004D  }
0x8a: {  	s10 =	sadd.s32 $0x1, s10  }
0x8b: {  	p0 =	sne.s32 s10, s7  }
.Ltmp1:
0x8c: {  	_ =	strace $0x8000004E;
	(pc) =	sbr.rel @p0 .LBB2_1-.Ltmp1, $4  }
0x8d: {  	_ =	swait.ge [sflag:s9], $0x8000  }
0x8e: {  	[sflag:s9] =	ssyncset.done $0x0  }
0x8f: {  	[sflag:s9] =	ssyncadd.s32 $0xFFFF8000  }
0x90: {  	_ =	strace $0x9000004E  }
0x91: {  	_ =	sfence.sel $0x180000  }
0x92: {  	[bflag:$0x0] =	sbarrier.arrive $0xFFFF  }
0x93: {  	p0 =	sne.s32 s3, $0x0;
	_ =	strace $0x90000047  }
0x94: {  	s0 =	sadd.s32 @!p0 $0x100000, s0;
	[bflag:$0x2] =	sbarrier.arrive $0xFFFF  }
0x95: {  	[sflag:s0] =	ssyncadd.tile.s32 @!p0 $0x1;
	_ =	shalt  }
.Lfunc_end2:
_tile_overlayer_lowered:
.L_overlay_start_2:
0x96: {  	(tag) =	ssettag $0x2  }
0x97: {  	s0 =	rddreg [dreg:$0x0];
	s2 =	stileid.u32  }
0x98: {  	s1 =	rddreg [dreg:$0x1];
	p0 =	sne.s32 s2, $0x0  }
0x99: {  	s3 =	rddreg [dreg:$0x2];
	[bflag:$0x3] =	sbarrier.arrive $0xFFFF;
	s2 =	simm.s32 @!p0 $0x1C01  }
0x9a: {  	[timem:s3], [sflag:s2] =	dma.local @!p0 [hbm:s0], s1  }
0x9b: {  	s0 =	simm.s32 @!p0 $0x1  }
0x9c: {  	_ =	swait.ge @!p0 [sflag:s0], s1  }
0x9d: {  	s1 =	ssub.s32 @!p0 $0x0, s1;
	[sflag:s0] =	ssyncset.done @!p0 $0x0  }
0x9e: {  	[sflag:s0] =	ssyncadd.s32 @!p0 s1  }
0x9f: {  	[bflag:$0x3] =	sbarrier.arrive $0xFFFF  }
0xa0: {  	_ =	shalt  }

</sc_bundles>
